<compile_context>
chip_gen: v7x
topology: tpu7x:2x2x1
jax: 0.10.2.dev20260603
libtpu: 0.0.44.dev20260713+nightly
codegen_flags: <defaults>
</compile_context>

<pallas_src>
import jax
import jax.numpy as jnp
from jax import lax
from jax.experimental import pallas as pl
from jax.experimental.pallas import tpu as pltpu
from jax.experimental.pallas import tpu_sc as plsc
from jax._src.pallas import mpmd
from jax._src.pallas import core as pallas_core


def kernel(marker_names, table):
    B = marker_names.shape[0]
    V, D = table.shape
    info = plsc.get_sparse_core_info()
    NC, NS = info.num_cores, info.num_subcores
    NWK = NC * NS

    T = 3072
    C = 16
    b_per_w = T // NWK
    n_chunks = b_per_w // C

    S = B - T
    rows_per_scs = S // NC
    W = 64
    NWIN = rows_per_scs // W
    K = 32

    vmesh = plsc.VectorSubcoreMesh(core_axis_name="c", subcore_axis_name="s")
    smesh = plsc.ScalarSubcoreMesh(axis_name="c")
    tec_vmem = pallas_core.CoreMemorySpace(pltpu.VMEM, vmesh)

    def tec_fn(idx_hbm, table_hbm, out_hbm, idx_v, rows_v, win):
        del win

        def body(g0, g1, o0, o1):
            wid = lax.axis_index("s") * NC + lax.axis_index("c")
            base = wid * b_per_w
            gsem = (g0, g1)
            osem = (o0, o1)
            pltpu.sync_copy(idx_hbm.at[pl.ds(base, b_per_w)], idx_v)

            def gather(c, p):
                return pltpu.async_copy(
                    table_hbm.at[idx_v.at[pl.ds(c * C, C)]], rows_v.at[p], gsem[p]
                )

            def put(c, p):
                return pltpu.async_copy(
                    rows_v.at[p], out_hbm.at[pl.ds(base + c * C, C)], osem[p]
                )

            g = [gather(0, 0), None]
            o = [None, None]
            for c in range(n_chunks):
                p = c % 2
                q = (c + 1) % 2
                if c + 1 < n_chunks:
                    if o[q] is not None:
                        o[q].wait()
                        o[q] = None
                    g[q] = gather(c + 1, q)
                g[p].wait()
                o[p] = put(c, p)
            for p in range(2):
                if o[p] is not None:
                    o[p].wait()

        pl.run_scoped(
            body,
            pltpu.SemaphoreType.DMA,
            pltpu.SemaphoreType.DMA,
            pltpu.SemaphoreType.DMA,
            pltpu.SemaphoreType.DMA,
        )

    def scs_fn(idx_hbm, table_hbm, out_hbm, idx_v, rows_v, win):
        del idx_v, rows_v

        def body(idx_s, gsem, o0, o1):
            cid = lax.axis_index("c")
            base = T + cid * rows_per_scs
            osems = (o0, o1)

            for w in range(NWIN):
                p = w % 2
                wb = base + w * W
                if p == 0:
                    pltpu.sync_copy(
                        idx_hbm.at[pl.ds(wb, 2 * W)], idx_s
                    )
                if w >= 2:
                    pltpu.make_async_copy(
                        win.at[p], out_hbm.at[pl.ds(base, W)], osems[p]
                    ).wait()

                def row_body(i, _, p=p):
                    r = idx_s[p * W + i]
                    pltpu.async_copy(
                        table_hbm.at[pl.ds(r, 1)], win.at[p].at[pl.ds(i, 1)], gsem
                    )

                    @pl.when(i >= K)
                    def _():
                        pltpu.make_async_copy(
                            table_hbm.at[pl.ds(0, 1)],
                            win.at[p].at[pl.ds(0, 1)],
                            gsem,
                        ).wait()

                    return ()

                lax.fori_loop(0, W, row_body, ())

                def drain_body(i, _, p=p):
                    pltpu.make_async_copy(
                        table_hbm.at[pl.ds(0, 1)], win.at[p].at[pl.ds(0, 1)], gsem
                    ).wait()
                    return ()

                lax.fori_loop(0, K, drain_body, ())
                pltpu.async_copy(win.at[p], out_hbm.at[pl.ds(wb, W)], osems[p])

            for p in range(min(2, NWIN)):
                pltpu.make_async_copy(
                    win.at[p], out_hbm.at[pl.ds(base, W)], osems[p]
                ).wait()

        pl.run_scoped(
            body,
            pltpu.SMEM((2 * W,), jnp.int32),
            pltpu.SemaphoreType.DMA,
            pltpu.SemaphoreType.DMA,
            pltpu.SemaphoreType.DMA,
        )

    return mpmd.mpmd_map(
        [(smesh, scs_fn), (vmesh, tec_fn)],
        out_types=jax.ShapeDtypeStruct((B, D), jnp.float32),
        scratch_types=[
            tec_vmem((b_per_w,), jnp.int32),
            tec_vmem((2, C, D), jnp.float32),
            pltpu.VMEM_SHARED((2, W, D), jnp.float32),
        ],
    )(marker_names, table)

# --- scband reference (transcript-rebuilt; emitter-appended) ---
"""Pipeline reference for scband-marker-embedding-gene-pt-56831007261223 (READ-ONLY COPY).

The authoritative reference and input builder live on the scoring server;
editing this copy changes nothing except your own understanding.
"""

import jax, jax.numpy as jnp
import numpy as np

VOCAB = 100000
EMBED_DIM = 3072
NUM_MARKERS = 4096


def setup_inputs(seed: int = 0) -> dict:
    key = jax.random.key(seed)
    k1, k2 = jax.random.split(key)
    # marker_names modeled as integer ids into the gene vocabulary
    indices = jax.random.randint(k1, (NUM_MARKERS,), 0, VOCAB, dtype=jnp.int32)
    # Unified embedding table: rows for known markers hold precomputed GenePT
    # embeddings; rows for unknown markers hold xavier-initialized learned
    # embeddings. Mathematically the forward is a row gather either way.
    limit = float(np.sqrt(6.0 / (1 + EMBED_DIM)))
    table = jax.random.uniform(k2, (VOCAB, EMBED_DIM), dtype=jnp.float32, minval=-limit, maxval=limit)
    return {"marker_names": indices, "table": table}


def reference(marker_names, table):
    # For each marker name m: look up its gene id and fetch the corresponding
    # 3072-dim embedding row; stack to [num_markers, 3072]. This is exactly a
    # gather on the embedding table.
    final_embeddings = jnp.take(table, marker_names, axis=0)
    return final_embeddings

if __name__ == "__main__":
    import jax
    _d = setup_inputs()
    print(jax.jit(kernel)(*tuple(_d.values())))

</pallas_src>

<mosaic_0001>
#map = affine_map<(d0) -> (0)>
#map1 = affine_map<(d0) -> (0, 0)>
#map2 = affine_map<(d0, d1) -> (0)>
#map3 = affine_map<(d0, d1) -> (0, 0)>
module attributes {stable_mosaic.version = 14 : i64} {
  func.func @scs_fn(%arg0: i32, %arg1: memref<4096xi32, #tpu.memory_space<hbm>>, %arg2: memref<100000x3072xf32, #tpu.memory_space<hbm>>, %arg3: memref<4096x3072xf32, #tpu.memory_space<hbm>>, %arg4: memref<96xi32, #tpu.memory_space<vmem, sc_vector_subcore>>, %arg5: memref<2x16x3072xf32, #tpu.memory_space<vmem, sc_vector_subcore>>, %arg6: memref<2x64x3072xf32, #tpu.memory_space<vmem_shared>>) attributes {dimension_semantics = [#tpu.dimension_semantics<core_parallel>], iteration_bounds = array<i64: 2>, scalar_prefetch = 0 : i64, scratch_operands = 3 : i64, tpu.core_type = #tpu.core_type<sc_scalar_subcore>, window_params = [{transform_indices = #map}, {transform_indices = #map1}, {transform_indices = #map1}]} {
    "tpu.region"() ({
      %run_scoped3A = memref.alloca() : memref<128xi32, #tpu.memory_space<smem>>
      %run_scoped3A_0 = tpu.sem_alloc : memref<!tpu.dma_semaphore, #tpu.memory_space<semaphore_mem>>
      %run_scoped3A_1 = tpu.sem_alloc : memref<!tpu.dma_semaphore, #tpu.memory_space<semaphore_mem>>
      %run_scoped3A_2 = tpu.sem_alloc : memref<!tpu.dma_semaphore, #tpu.memory_space<semaphore_mem>>
      %mul3A = arith.constant 512 : i32
      %mul3A_3 = arith.muli %arg0, %mul3A : i32
      %add3A = arith.constant 3072 : i32
      %add3A_4 = arith.addi %add3A, %mul3A_3 : i32
      %add3A_5 = arith.constant 0 : i32
      %add3A_6 = arith.addi %add3A_4, %add3A_5 : i32
      "tpu.region"() ({
        %run_scoped3A_210 = tpu.sem_alloc : memref<!tpu.dma_semaphore, #tpu.memory_space<semaphore_mem>>
        %dma_start3A_211 = tpu.memref_slice %arg1[%add3A_6] : memref<4096xi32, #tpu.memory_space<hbm>> -> memref<128xi32, #tpu.memory_space<hbm>>
        tpu.enqueue_dma source(%dma_start3A_211 : memref<128xi32, #tpu.memory_space<hbm>>) target(%run_scoped3A : memref<128xi32, #tpu.memory_space<smem>>) target_semaphore(%run_scoped3A_210 : memref<!tpu.dma_semaphore, #tpu.memory_space<semaphore_mem>>)
        %dma_wait3A_212 = tpu.memref_slice %arg1[%add3A_6] : memref<4096xi32, #tpu.memory_space<hbm>> -> memref<128xi32, #tpu.memory_space<hbm>>
        tpu.wait_dma2 semaphore(%run_scoped3A_210 : memref<!tpu.dma_semaphore, #tpu.memory_space<semaphore_mem>>) src(%dma_wait3A_212 : memref<128xi32, #tpu.memory_space<hbm>>) dst(%run_scoped3A : memref<128xi32, #tpu.memory_space<smem>>)
        tpu.yield
      }) : () -> ()
      %scan3A = arith.constant 0 : i32
      %scan3A_7 = arith.constant 64 : i32
      %scan3A_8 = arith.addi %scan3A, %scan3A_7 : i32
      %scan3A_9 = arith.constant 1 : i32
      scf.for %scan3A_210 = %scan3A to %scan3A_8 step %scan3A_9  : i32 {
        %add3A_211 = arith.constant 0 : i32
        %add3A_212 = arith.addi %add3A_211, %scan3A_210 : i32
        %get3A = arith.index_cast %add3A_212 : i32 to index
        %get3A_213 = memref.load %run_scoped3A[%get3A] : memref<128xi32, #tpu.memory_space<smem>>
        %dma_start3A_214 = arith.constant 0 : i32
        %dma_start3A_215 = arith.constant 0 : i32
        %dma_start3A_216 = arith.constant 0 : i32
        %dma_start3A_217 = tpu.memref_slice %arg6[%dma_start3A_214, %dma_start3A_215, %dma_start3A_216] : memref<2x64x3072xf32, #tpu.memory_space<vmem_shared>> -> memref<1x64x3072xf32, #tpu.memory_space<vmem_shared>>
        %dma_start3A_218 = tpu.memref_squeeze %dma_start3A_217 : memref<1x64x3072xf32, #tpu.memory_space<vmem_shared>> -> memref<64x3072xf32, #tpu.memory_space<vmem_shared>>
        %dma_start3A_219 = arith.constant 0 : i32
        %dma_start3A_220 = tpu.memref_slice %dma_start3A_218[%scan3A_210, %dma_start3A_219] : memref<64x3072xf32, #tpu.memory_space<vmem_shared>> -> memref<1x3072xf32, #tpu.memory_space<vmem_shared>>
        %dma_start3A_221 = arith.constant 0 : i32
        %dma_start3A_222 = tpu.memref_slice %arg2[%get3A_213, %dma_start3A_221] : memref<100000x3072xf32, #tpu.memory_space<hbm>> -> memref<1x3072xf32, #tpu.memory_space<hbm>>
        tpu.enqueue_dma source(%dma_start3A_222 : memref<1x3072xf32, #tpu.memory_space<hbm>>) target(%dma_start3A_220 : memref<1x3072xf32, #tpu.memory_space<vmem_shared>>) target_semaphore(%run_scoped3A_0 : memref<!tpu.dma_semaphore, #tpu.memory_space<semaphore_mem>>)
        %ge3A = arith.constant 32 : i32
        %ge3A_223 = arith.cmpi sge, %scan3A_210, %ge3A : i32
        %convert_element_type3A = arith.extui %ge3A_223 : i1 to i32
        %cond3A = arith.constant 0 : i32
        %cond3A_224 = arith.cmpi ne, %convert_element_type3A, %cond3A : i32
        scf.if %cond3A_224 {
          %dma_wait3A_225 = arith.constant 0 : i32
          %dma_wait3A_226 = arith.constant 0 : i32
          %dma_wait3A_227 = arith.constant 0 : i32
          %dma_wait3A_228 = tpu.memref_slice %arg6[%dma_wait3A_225, %dma_wait3A_226, %dma_wait3A_227] : memref<2x64x3072xf32, #tpu.memory_space<vmem_shared>> -> memref<1x64x3072xf32, #tpu.memory_space<vmem_shared>>
          %dma_wait3A_229 = tpu.memref_squeeze %dma_wait3A_228 : memref<1x64x3072xf32, #tpu.memory_space<vmem_shared>> -> memref<64x3072xf32, #tpu.memory_space<vmem_shared>>
          %dma_wait3A_230 = arith.constant 0 : i32
          %dma_wait3A_231 = arith.constant 0 : i32
          %dma_wait3A_232 = tpu.memref_slice %dma_wait3A_229[%dma_wait3A_230, %dma_wait3A_231] : memref<64x3072xf32, #tpu.memory_space<vmem_shared>> -> memref<1x3072xf32, #tpu.memory_space<vmem_shared>>
          %dma_wait3A_233 = arith.constant 0 : i32
          %dma_wait3A_234 = arith.constant 0 : i32
          %dma_wait3A_235 = tpu.memref_slice %arg2[%dma_wait3A_233, %dma_wait3A_234] : memref<100000x3072xf32, #tpu.memory_space<hbm>> -> memref<1x3072xf32, #tpu.memory_space<hbm>>
          tpu.wait_dma2 semaphore(%run_scoped3A_0 : memref<!tpu.dma_semaphore, #tpu.memory_space<semaphore_mem>>) src(%dma_wait3A_235 : memref<1x3072xf32, #tpu.memory_space<hbm>>) dst(%dma_wait3A_232 : memref<1x3072xf32, #tpu.memory_space<vmem_shared>>)
        } else {
        }
      }
      %scan3A_10 = arith.constant 64 : i32
      %scan3A_11 = arith.constant 0 : i32
      %scan3A_12 = arith.constant 32 : i32
      %scan3A_13 = arith.addi %scan3A_11, %scan3A_12 : i32
      %scan3A_14 = arith.constant 1 : i32
      scf.for %scan3A_210 = %scan3A_11 to %scan3A_13 step %scan3A_14  : i32 {
        %dma_wait3A_211 = arith.constant 0 : i32
        %dma_wait3A_212 = arith.constant 0 : i32
        %dma_wait3A_213 = arith.constant 0 : i32
        %dma_wait3A_214 = tpu.memref_slice %arg6[%dma_wait3A_211, %dma_wait3A_212, %dma_wait3A_213] : memref<2x64x3072xf32, #tpu.memory_space<vmem_shared>> -> memref<1x64x3072xf32, #tpu.memory_space<vmem_shared>>
        %dma_wait3A_215 = tpu.memref_squeeze %dma_wait3A_214 : memref<1x64x3072xf32, #tpu.memory_space<vmem_shared>> -> memref<64x3072xf32, #tpu.memory_space<vmem_shared>>
        %dma_wait3A_216 = arith.constant 0 : i32
        %dma_wait3A_217 = arith.constant 0 : i32
        %dma_wait3A_218 = tpu.memref_slice %dma_wait3A_215[%dma_wait3A_216, %dma_wait3A_217] : memref<64x3072xf32, #tpu.memory_space<vmem_shared>> -> memref<1x3072xf32, #tpu.memory_space<vmem_shared>>
        %dma_wait3A_219 = arith.constant 0 : i32
        %dma_wait3A_220 = arith.constant 0 : i32
        %dma_wait3A_221 = tpu.memref_slice %arg2[%dma_wait3A_219, %dma_wait3A_220] : memref<100000x3072xf32, #tpu.memory_space<hbm>> -> memref<1x3072xf32, #tpu.memory_space<hbm>>
        tpu.wait_dma2 semaphore(%run_scoped3A_0 : memref<!tpu.dma_semaphore, #tpu.memory_space<semaphore_mem>>) src(%dma_wait3A_221 : memref<1x3072xf32, #tpu.memory_space<hbm>>) dst(%dma_wait3A_218 : memref<1x3072xf32, #tpu.memory_space<vmem_shared>>)
      }
      %scan3A_15 = arith.constant 32 : i32
      %dma_start3A = arith.constant 0 : i32
      %dma_start3A_16 = arith.constant 0 : i32
      %dma_start3A_17 = tpu.memref_slice %arg3[%add3A_6, %dma_start3A_16] : memref<4096x3072xf32, #tpu.memory_space<hbm>> -> memref<64x3072xf32, #tpu.memory_space<hbm>>
      %dma_start3A_18 = arith.constant 0 : i32
      %dma_start3A_19 = arith.constant 0 : i32
      %dma_start3A_20 = tpu.memref_slice %arg6[%dma_start3A, %dma_start3A_18, %dma_start3A_19] : memref<2x64x3072xf32, #tpu.memory_space<vmem_shared>> -> memref<1x64x3072xf32, #tpu.memory_space<vmem_shared>>
      %dma_start3A_21 = tpu.memref_squeeze %dma_start3A_20 : memref<1x64x3072xf32, #tpu.memory_space<vmem_shared>> -> memref<64x3072xf32, #tpu.memory_space<vmem_shared>>
      tpu.enqueue_dma source(%dma_start3A_21 : memref<64x3072xf32, #tpu.memory_space<vmem_shared>>) target(%dma_start3A_17 : memref<64x3072xf32, #tpu.memory_space<hbm>>) target_semaphore(%run_scoped3A_1 : memref<!tpu.dma_semaphore, #tpu.memory_space<semaphore_mem>>)
      %add3A_22 = arith.constant 64 : i32
      %add3A_23 = arith.addi %add3A_4, %add3A_22 : i32
      %scan3A_24 = arith.constant 0 : i32
      %scan3A_25 = arith.constant 64 : i32
      %scan3A_26 = arith.addi %scan3A_24, %scan3A_25 : i32
      %scan3A_27 = arith.constant 1 : i32
      scf.for %scan3A_210 = %scan3A_24 to %scan3A_26 step %scan3A_27  : i32 {
        %add3A_211 = arith.constant 64 : i32
        %add3A_212 = arith.addi %add3A_211, %scan3A_210 : i32
        %get3A = arith.index_cast %add3A_212 : i32 to index
        %get3A_213 = memref.load %run_scoped3A[%get3A] : memref<128xi32, #tpu.memory_space<smem>>
        %dma_start3A_214 = arith.constant 1 : i32
        %dma_start3A_215 = arith.constant 0 : i32
        %dma_start3A_216 = arith.constant 0 : i32
        %dma_start3A_217 = tpu.memref_slice %arg6[%dma_start3A_214, %dma_start3A_215, %dma_start3A_216] : memref<2x64x3072xf32, #tpu.memory_space<vmem_shared>> -> memref<1x64x3072xf32, #tpu.memory_space<vmem_shared>>
        %dma_start3A_218 = tpu.memref_squeeze %dma_start3A_217 : memref<1x64x3072xf32, #tpu.memory_space<vmem_shared>> -> memref<64x3072xf32, #tpu.memory_space<vmem_shared>>
        %dma_start3A_219 = arith.constant 0 : i32
        %dma_start3A_220 = tpu.memref_slice %dma_start3A_218[%scan3A_210, %dma_start3A_219] : memref<64x3072xf32, #tpu.memory_space<vmem_shared>> -> memref<1x3072xf32, #tpu.memory_space<vmem_shared>>
        %dma_start3A_221 = arith.constant 0 : i32
        %dma_start3A_222 = tpu.memref_slice %arg2[%get3A_213, %dma_start3A_221] : memref<100000x3072xf32, #tpu.memory_space<hbm>> -> memref<1x3072xf32, #tpu.memory_space<hbm>>
        tpu.enqueue_dma source(%dma_start3A_222 : memref<1x3072xf32, #tpu.memory_space<hbm>>) target(%dma_start3A_220 : memref<1x3072xf32, #tpu.memory_space<vmem_shared>>) target_semaphore(%run_scoped3A_0 : memref<!tpu.dma_semaphore, #tpu.memory_space<semaphore_mem>>)
        %ge3A = arith.constant 32 : i32
        %ge3A_223 = arith.cmpi sge, %scan3A_210, %ge3A : i32
        %convert_element_type3A = arith.extui %ge3A_223 : i1 to i32
        %cond3A = arith.constant 0 : i32
        %cond3A_224 = arith.cmpi ne, %convert_element_type3A, %cond3A : i32
        scf.if %cond3A_224 {
          %dma_wait3A_225 = arith.constant 1 : i32
          %dma_wait3A_226 = arith.constant 0 : i32
          %dma_wait3A_227 = arith.constant 0 : i32
          %dma_wait3A_228 = tpu.memref_slice %arg6[%dma_wait3A_225, %dma_wait3A_226, %dma_wait3A_227] : memref<2x64x3072xf32, #tpu.memory_space<vmem_shared>> -> memref<1x64x3072xf32, #tpu.memory_space<vmem_shared>>
          %dma_wait3A_229 = tpu.memref_squeeze %dma_wait3A_228 : memref<1x64x3072xf32, #tpu.memory_space<vmem_shared>> -> memref<64x3072xf32, #tpu.memory_space<vmem_shared>>
          %dma_wait3A_230 = arith.constant 0 : i32
          %dma_wait3A_231 = arith.constant 0 : i32
          %dma_wait3A_232 = tpu.memref_slice %dma_wait3A_229[%dma_wait3A_230, %dma_wait3A_231] : memref<64x3072xf32, #tpu.memory_space<vmem_shared>> -> memref<1x3072xf32, #tpu.memory_space<vmem_shared>>
          %dma_wait3A_233 = arith.constant 0 : i32
          %dma_wait3A_234 = arith.constant 0 : i32
          %dma_wait3A_235 = tpu.memref_slice %arg2[%dma_wait3A_233, %dma_wait3A_234] : memref<100000x3072xf32, #tpu.memory_space<hbm>> -> memref<1x3072xf32, #tpu.memory_space<hbm>>
          tpu.wait_dma2 semaphore(%run_scoped3A_0 : memref<!tpu.dma_semaphore, #tpu.memory_space<semaphore_mem>>) src(%dma_wait3A_235 : memref<1x3072xf32, #tpu.memory_space<hbm>>) dst(%dma_wait3A_232 : memref<1x3072xf32, #tpu.memory_space<vmem_shared>>)
        } else {
        }
      }
      %scan3A_28 = arith.constant 64 : i32
      %scan3A_29 = arith.constant 0 : i32
      %scan3A_30 = arith.constant 32 : i32
      %scan3A_31 = arith.addi %scan3A_29, %scan3A_30 : i32
      %scan3A_32 = arith.constant 1 : i32
      scf.for %scan3A_210 = %scan3A_29 to %scan3A_31 step %scan3A_32  : i32 {
        %dma_wait3A_211 = arith.constant 1 : i32
        %dma_wait3A_212 = arith.constant 0 : i32
        %dma_wait3A_213 = arith.constant 0 : i32
        %dma_wait3A_214 = tpu.memref_slice %arg6[%dma_wait3A_211, %dma_wait3A_212, %dma_wait3A_213] : memref<2x64x3072xf32, #tpu.memory_space<vmem_shared>> -> memref<1x64x3072xf32, #tpu.memory_space<vmem_shared>>
        %dma_wait3A_215 = tpu.memref_squeeze %dma_wait3A_214 : memref<1x64x3072xf32, #tpu.memory_space<vmem_shared>> -> memref<64x3072xf32, #tpu.memory_space<vmem_shared>>
        %dma_wait3A_216 = arith.constant 0 : i32
        %dma_wait3A_217 = arith.constant 0 : i32
        %dma_wait3A_218 = tpu.memref_slice %dma_wait3A_215[%dma_wait3A_216, %dma_wait3A_217] : memref<64x3072xf32, #tpu.memory_space<vmem_shared>> -> memref<1x3072xf32, #tpu.memory_space<vmem_shared>>
        %dma_wait3A_219 = arith.constant 0 : i32
        %dma_wait3A_220 = arith.constant 0 : i32
        %dma_wait3A_221 = tpu.memref_slice %arg2[%dma_wait3A_219, %dma_wait3A_220] : memref<100000x3072xf32, #tpu.memory_space<hbm>> -> memref<1x3072xf32, #tpu.memory_space<hbm>>
        tpu.wait_dma2 semaphore(%run_scoped3A_0 : memref<!tpu.dma_semaphore, #tpu.memory_space<semaphore_mem>>) src(%dma_wait3A_221 : memref<1x3072xf32, #tpu.memory_space<hbm>>) dst(%dma_wait3A_218 : memref<1x3072xf32, #tpu.memory_space<vmem_shared>>)
      }
      %scan3A_33 = arith.constant 32 : i32
      %dma_start3A_34 = arith.constant 1 : i32
      %dma_start3A_35 = arith.constant 0 : i32
      %dma_start3A_36 = tpu.memref_slice %arg3[%add3A_23, %dma_start3A_35] : memref<4096x3072xf32, #tpu.memory_space<hbm>> -> memref<64x3072xf32, #tpu.memory_space<hbm>>
      %dma_start3A_37 = arith.constant 0 : i32
      %dma_start3A_38 = arith.constant 0 : i32
      %dma_start3A_39 = tpu.memref_slice %arg6[%dma_start3A_34, %dma_start3A_37, %dma_start3A_38] : memref<2x64x3072xf32, #tpu.memory_space<vmem_shared>> -> memref<1x64x3072xf32, #tpu.memory_space<vmem_shared>>
      %dma_start3A_40 = tpu.memref_squeeze %dma_start3A_39 : memref<1x64x3072xf32, #tpu.memory_space<vmem_shared>> -> memref<64x3072xf32, #tpu.memory_space<vmem_shared>>
      tpu.enqueue_dma source(%dma_start3A_40 : memref<64x3072xf32, #tpu.memory_space<vmem_shared>>) target(%dma_start3A_36 : memref<64x3072xf32, #tpu.memory_space<hbm>>) target_semaphore(%run_scoped3A_2 : memref<!tpu.dma_semaphore, #tpu.memory_space<semaphore_mem>>)
      %add3A_41 = arith.constant 128 : i32
      %add3A_42 = arith.addi %add3A_4, %add3A_41 : i32
      "tpu.region"() ({
        %run_scoped3A_210 = tpu.sem_alloc : memref<!tpu.dma_semaphore, #tpu.memory_space<semaphore_mem>>
        %dma_start3A_211 = tpu.memref_slice %arg1[%add3A_42] : memref<4096xi32, #tpu.memory_space<hbm>> -> memref<128xi32, #tpu.memory_space<hbm>>
        tpu.enqueue_dma source(%dma_start3A_211 : memref<128xi32, #tpu.memory_space<hbm>>) target(%run_scoped3A : memref<128xi32, #tpu.memory_space<smem>>) target_semaphore(%run_scoped3A_210 : memref<!tpu.dma_semaphore, #tpu.memory_space<semaphore_mem>>)
        %dma_wait3A_212 = tpu.memref_slice %arg1[%add3A_42] : memref<4096xi32, #tpu.memory_space<hbm>> -> memref<128xi32, #tpu.memory_space<hbm>>
        tpu.wait_dma2 semaphore(%run_scoped3A_210 : memref<!tpu.dma_semaphore, #tpu.memory_space<semaphore_mem>>) src(%dma_wait3A_212 : memref<128xi32, #tpu.memory_space<hbm>>) dst(%run_scoped3A : memref<128xi32, #tpu.memory_space<smem>>)
        tpu.yield
      }) : () -> ()
      %dma_wait3A = arith.constant 0 : i32
      %dma_wait3A_43 = arith.constant 0 : i32
      %dma_wait3A_44 = tpu.memref_slice %arg3[%add3A_4, %dma_wait3A_43] : memref<4096x3072xf32, #tpu.memory_space<hbm>> -> memref<64x3072xf32, #tpu.memory_space<hbm>>
      %dma_wait3A_45 = arith.constant 0 : i32
      %dma_wait3A_46 = arith.constant 0 : i32
      %dma_wait3A_47 = tpu.memref_slice %arg6[%dma_wait3A, %dma_wait3A_45, %dma_wait3A_46] : memref<2x64x3072xf32, #tpu.memory_space<vmem_shared>> -> memref<1x64x3072xf32, #tpu.memory_space<vmem_shared>>
      %dma_wait3A_48 = tpu.memref_squeeze %dma_wait3A_47 : memref<1x64x3072xf32, #tpu.memory_space<vmem_shared>> -> memref<64x3072xf32, #tpu.memory_space<vmem_shared>>
      tpu.wait_dma2 semaphore(%run_scoped3A_1 : memref<!tpu.dma_semaphore, #tpu.memory_space<semaphore_mem>>) src(%dma_wait3A_48 : memref<64x3072xf32, #tpu.memory_space<vmem_shared>>) dst(%dma_wait3A_44 : memref<64x3072xf32, #tpu.memory_space<hbm>>)
      %scan3A_49 = arith.constant 0 : i32
      %scan3A_50 = arith.constant 64 : i32
      %scan3A_51 = arith.addi %scan3A_49, %scan3A_50 : i32
      %scan3A_52 = arith.constant 1 : i32
      scf.for %scan3A_210 = %scan3A_49 to %scan3A_51 step %scan3A_52  : i32 {
        %add3A_211 = arith.constant 0 : i32
        %add3A_212 = arith.addi %add3A_211, %scan3A_210 : i32
        %get3A = arith.index_cast %add3A_212 : i32 to index
        %get3A_213 = memref.load %run_scoped3A[%get3A] : memref<128xi32, #tpu.memory_space<smem>>
        %dma_start3A_214 = arith.constant 0 : i32
        %dma_start3A_215 = arith.constant 0 : i32
        %dma_start3A_216 = arith.constant 0 : i32
        %dma_start3A_217 = tpu.memref_slice %arg6[%dma_start3A_214, %dma_start3A_215, %dma_start3A_216] : memref<2x64x3072xf32, #tpu.memory_space<vmem_shared>> -> memref<1x64x3072xf32, #tpu.memory_space<vmem_shared>>
        %dma_start3A_218 = tpu.memref_squeeze %dma_start3A_217 : memref<1x64x3072xf32, #tpu.memory_space<vmem_shared>> -> memref<64x3072xf32, #tpu.memory_space<vmem_shared>>
        %dma_start3A_219 = arith.constant 0 : i32
        %dma_start3A_220 = tpu.memref_slice %dma_start3A_218[%scan3A_210, %dma_start3A_219] : memref<64x3072xf32, #tpu.memory_space<vmem_shared>> -> memref<1x3072xf32, #tpu.memory_space<vmem_shared>>
        %dma_start3A_221 = arith.constant 0 : i32
        %dma_start3A_222 = tpu.memref_slice %arg2[%get3A_213, %dma_start3A_221] : memref<100000x3072xf32, #tpu.memory_space<hbm>> -> memref<1x3072xf32, #tpu.memory_space<hbm>>
        tpu.enqueue_dma source(%dma_start3A_222 : memref<1x3072xf32, #tpu.memory_space<hbm>>) target(%dma_start3A_220 : memref<1x3072xf32, #tpu.memory_space<vmem_shared>>) target_semaphore(%run_scoped3A_0 : memref<!tpu.dma_semaphore, #tpu.memory_space<semaphore_mem>>)
        %ge3A = arith.constant 32 : i32
        %ge3A_223 = arith.cmpi sge, %scan3A_210, %ge3A : i32
        %convert_element_type3A = arith.extui %ge3A_223 : i1 to i32
        %cond3A = arith.constant 0 : i32
        %cond3A_224 = arith.cmpi ne, %convert_element_type3A, %cond3A : i32
        scf.if %cond3A_224 {
          %dma_wait3A_225 = arith.constant 0 : i32
          %dma_wait3A_226 = arith.constant 0 : i32
          %dma_wait3A_227 = arith.constant 0 : i32
          %dma_wait3A_228 = tpu.memref_slice %arg6[%dma_wait3A_225, %dma_wait3A_226, %dma_wait3A_227] : memref<2x64x3072xf32, #tpu.memory_space<vmem_shared>> -> memref<1x64x3072xf32, #tpu.memory_space<vmem_shared>>
          %dma_wait3A_229 = tpu.memref_squeeze %dma_wait3A_228 : memref<1x64x3072xf32, #tpu.memory_space<vmem_shared>> -> memref<64x3072xf32, #tpu.memory_space<vmem_shared>>
          %dma_wait3A_230 = arith.constant 0 : i32
          %dma_wait3A_231 = arith.constant 0 : i32
          %dma_wait3A_232 = tpu.memref_slice %dma_wait3A_229[%dma_wait3A_230, %dma_wait3A_231] : memref<64x3072xf32, #tpu.memory_space<vmem_shared>> -> memref<1x3072xf32, #tpu.memory_space<vmem_shared>>
          %dma_wait3A_233 = arith.constant 0 : i32
          %dma_wait3A_234 = arith.constant 0 : i32
          %dma_wait3A_235 = tpu.memref_slice %arg2[%dma_wait3A_233, %dma_wait3A_234] : memref<100000x3072xf32, #tpu.memory_space<hbm>> -> memref<1x3072xf32, #tpu.memory_space<hbm>>
          tpu.wait_dma2 semaphore(%run_scoped3A_0 : memref<!tpu.dma_semaphore, #tpu.memory_space<semaphore_mem>>) src(%dma_wait3A_235 : memref<1x3072xf32, #tpu.memory_space<hbm>>) dst(%dma_wait3A_232 : memref<1x3072xf32, #tpu.memory_space<vmem_shared>>)
        } else {
        }
      }
      %scan3A_53 = arith.constant 64 : i32
      %scan3A_54 = arith.constant 0 : i32
      %scan3A_55 = arith.constant 32 : i32
      %scan3A_56 = arith.addi %scan3A_54, %scan3A_55 : i32
      %scan3A_57 = arith.constant 1 : i32
      scf.for %scan3A_210 = %scan3A_54 to %scan3A_56 step %scan3A_57  : i32 {
        %dma_wait3A_211 = arith.constant 0 : i32
        %dma_wait3A_212 = arith.constant 0 : i32
        %dma_wait3A_213 = arith.constant 0 : i32
        %dma_wait3A_214 = tpu.memref_slice %arg6[%dma_wait3A_211, %dma_wait3A_212, %dma_wait3A_213] : memref<2x64x3072xf32, #tpu.memory_space<vmem_shared>> -> memref<1x64x3072xf32, #tpu.memory_space<vmem_shared>>
        %dma_wait3A_215 = tpu.memref_squeeze %dma_wait3A_214 : memref<1x64x3072xf32, #tpu.memory_space<vmem_shared>> -> memref<64x3072xf32, #tpu.memory_space<vmem_shared>>
        %dma_wait3A_216 = arith.constant 0 : i32
        %dma_wait3A_217 = arith.constant 0 : i32
        %dma_wait3A_218 = tpu.memref_slice %dma_wait3A_215[%dma_wait3A_216, %dma_wait3A_217] : memref<64x3072xf32, #tpu.memory_space<vmem_shared>> -> memref<1x3072xf32, #tpu.memory_space<vmem_shared>>
        %dma_wait3A_219 = arith.constant 0 : i32
        %dma_wait3A_220 = arith.constant 0 : i32
        %dma_wait3A_221 = tpu.memref_slice %arg2[%dma_wait3A_219, %dma_wait3A_220] : memref<100000x3072xf32, #tpu.memory_space<hbm>> -> memref<1x3072xf32, #tpu.memory_space<hbm>>
        tpu.wait_dma2 semaphore(%run_scoped3A_0 : memref<!tpu.dma_semaphore, #tpu.memory_space<semaphore_mem>>) src(%dma_wait3A_221 : memref<1x3072xf32, #tpu.memory_space<hbm>>) dst(%dma_wait3A_218 : memref<1x3072xf32, #tpu.memory_space<vmem_shared>>)
      }
      %scan3A_58 = arith.constant 32 : i32
      %dma_start3A_59 = arith.constant 0 : i32
      %dma_start3A_60 = arith.constant 0 : i32
      %dma_start3A_61 = tpu.memref_slice %arg3[%add3A_42, %dma_start3A_60] : memref<4096x3072xf32, #tpu.memory_space<hbm>> -> memref<64x3072xf32, #tpu.memory_space<hbm>>
      %dma_start3A_62 = arith.constant 0 : i32
      %dma_start3A_63 = arith.constant 0 : i32
      %dma_start3A_64 = tpu.memref_slice %arg6[%dma_start3A_59, %dma_start3A_62, %dma_start3A_63] : memref<2x64x3072xf32, #tpu.memory_space<vmem_shared>> -> memref<1x64x3072xf32, #tpu.memory_space<vmem_shared>>
      %dma_start3A_65 = tpu.memref_squeeze %dma_start3A_64 : memref<1x64x3072xf32, #tpu.memory_space<vmem_shared>> -> memref<64x3072xf32, #tpu.memory_space<vmem_shared>>
      tpu.enqueue_dma source(%dma_start3A_65 : memref<64x3072xf32, #tpu.memory_space<vmem_shared>>) target(%dma_start3A_61 : memref<64x3072xf32, #tpu.memory_space<hbm>>) target_semaphore(%run_scoped3A_1 : memref<!tpu.dma_semaphore, #tpu.memory_space<semaphore_mem>>)
      %add3A_66 = arith.constant 192 : i32
      %add3A_67 = arith.addi %add3A_4, %add3A_66 : i32
      %dma_wait3A_68 = arith.constant 1 : i32
      %dma_wait3A_69 = arith.constant 0 : i32
      %dma_wait3A_70 = tpu.memref_slice %arg3[%add3A_4, %dma_wait3A_69] : memref<4096x3072xf32, #tpu.memory_space<hbm>> -> memref<64x3072xf32, #tpu.memory_space<hbm>>
      %dma_wait3A_71 = arith.constant 0 : i32
      %dma_wait3A_72 = arith.constant 0 : i32
      %dma_wait3A_73 = tpu.memref_slice %arg6[%dma_wait3A_68, %dma_wait3A_71, %dma_wait3A_72] : memref<2x64x3072xf32, #tpu.memory_space<vmem_shared>> -> memref<1x64x3072xf32, #tpu.memory_space<vmem_shared>>
      %dma_wait3A_74 = tpu.memref_squeeze %dma_wait3A_73 : memref<1x64x3072xf32, #tpu.memory_space<vmem_shared>> -> memref<64x3072xf32, #tpu.memory_space<vmem_shared>>
      tpu.wait_dma2 semaphore(%run_scoped3A_2 : memref<!tpu.dma_semaphore, #tpu.memory_space<semaphore_mem>>) src(%dma_wait3A_74 : memref<64x3072xf32, #tpu.memory_space<vmem_shared>>) dst(%dma_wait3A_70 : memref<64x3072xf32, #tpu.memory_space<hbm>>)
      %scan3A_75 = arith.constant 0 : i32
      %scan3A_76 = arith.constant 64 : i32
      %scan3A_77 = arith.addi %scan3A_75, %scan3A_76 : i32
      %scan3A_78 = arith.constant 1 : i32
      scf.for %scan3A_210 = %scan3A_75 to %scan3A_77 step %scan3A_78  : i32 {
        %add3A_211 = arith.constant 64 : i32
        %add3A_212 = arith.addi %add3A_211, %scan3A_210 : i32
        %get3A = arith.index_cast %add3A_212 : i32 to index
        %get3A_213 = memref.load %run_scoped3A[%get3A] : memref<128xi32, #tpu.memory_space<smem>>
        %dma_start3A_214 = arith.constant 1 : i32
        %dma_start3A_215 = arith.constant 0 : i32
        %dma_start3A_216 = arith.constant 0 : i32
        %dma_start3A_217 = tpu.memref_slice %arg6[%dma_start3A_214, %dma_start3A_215, %dma_start3A_216] : memref<2x64x3072xf32, #tpu.memory_space<vmem_shared>> -> memref<1x64x3072xf32, #tpu.memory_space<vmem_shared>>
        %dma_start3A_218 = tpu.memref_squeeze %dma_start3A_217 : memref<1x64x3072xf32, #tpu.memory_space<vmem_shared>> -> memref<64x3072xf32, #tpu.memory_space<vmem_shared>>
        %dma_start3A_219 = arith.constant 0 : i32
        %dma_start3A_220 = tpu.memref_slice %dma_start3A_218[%scan3A_210, %dma_start3A_219] : memref<64x3072xf32, #tpu.memory_space<vmem_shared>> -> memref<1x3072xf32, #tpu.memory_space<vmem_shared>>
        %dma_start3A_221 = arith.constant 0 : i32
        %dma_start3A_222 = tpu.memref_slice %arg2[%get3A_213, %dma_start3A_221] : memref<100000x3072xf32, #tpu.memory_space<hbm>> -> memref<1x3072xf32, #tpu.memory_space<hbm>>
        tpu.enqueue_dma source(%dma_start3A_222 : memref<1x3072xf32, #tpu.memory_space<hbm>>) target(%dma_start3A_220 : memref<1x3072xf32, #tpu.memory_space<vmem_shared>>) target_semaphore(%run_scoped3A_0 : memref<!tpu.dma_semaphore, #tpu.memory_space<semaphore_mem>>)
        %ge3A = arith.constant 32 : i32
        %ge3A_223 = arith.cmpi sge, %scan3A_210, %ge3A : i32
        %convert_element_type3A = arith.extui %ge3A_223 : i1 to i32
        %cond3A = arith.constant 0 : i32
        %cond3A_224 = arith.cmpi ne, %convert_element_type3A, %cond3A : i32
        scf.if %cond3A_224 {
          %dma_wait3A_225 = arith.constant 1 : i32
          %dma_wait3A_226 = arith.constant 0 : i32
          %dma_wait3A_227 = arith.constant 0 : i32
          %dma_wait3A_228 = tpu.memref_slice %arg6[%dma_wait3A_225, %dma_wait3A_226, %dma_wait3A_227] : memref<2x64x3072xf32, #tpu.memory_space<vmem_shared>> -> memref<1x64x3072xf32, #tpu.memory_space<vmem_shared>>
          %dma_wait3A_229 = tpu.memref_squeeze %dma_wait3A_228 : memref<1x64x3072xf32, #tpu.memory_space<vmem_shared>> -> memref<64x3072xf32, #tpu.memory_space<vmem_shared>>
          %dma_wait3A_230 = arith.constant 0 : i32
          %dma_wait3A_231 = arith.constant 0 : i32
          %dma_wait3A_232 = tpu.memref_slice %dma_wait3A_229[%dma_wait3A_230, %dma_wait3A_231] : memref<64x3072xf32, #tpu.memory_space<vmem_shared>> -> memref<1x3072xf32, #tpu.memory_space<vmem_shared>>
          %dma_wait3A_233 = arith.constant 0 : i32
          %dma_wait3A_234 = arith.constant 0 : i32
          %dma_wait3A_235 = tpu.memref_slice %arg2[%dma_wait3A_233, %dma_wait3A_234] : memref<100000x3072xf32, #tpu.memory_space<hbm>> -> memref<1x3072xf32, #tpu.memory_space<hbm>>
          tpu.wait_dma2 semaphore(%run_scoped3A_0 : memref<!tpu.dma_semaphore, #tpu.memory_space<semaphore_mem>>) src(%dma_wait3A_235 : memref<1x3072xf32, #tpu.memory_space<hbm>>) dst(%dma_wait3A_232 : memref<1x3072xf32, #tpu.memory_space<vmem_shared>>)
        } else {
        }
      }
      %scan3A_79 = arith.constant 64 : i32
      %scan3A_80 = arith.constant 0 : i32
      %scan3A_81 = arith.constant 32 : i32
      %scan3A_82 = arith.addi %scan3A_80, %scan3A_81 : i32
      %scan3A_83 = arith.constant 1 : i32
      scf.for %scan3A_210 = %scan3A_80 to %scan3A_82 step %scan3A_83  : i32 {
        %dma_wait3A_211 = arith.constant 1 : i32
        %dma_wait3A_212 = arith.constant 0 : i32
        %dma_wait3A_213 = arith.constant 0 : i32
        %dma_wait3A_214 = tpu.memref_slice %arg6[%dma_wait3A_211, %dma_wait3A_212, %dma_wait3A_213] : memref<2x64x3072xf32, #tpu.memory_space<vmem_shared>> -> memref<1x64x3072xf32, #tpu.memory_space<vmem_shared>>
        %dma_wait3A_215 = tpu.memref_squeeze %dma_wait3A_214 : memref<1x64x3072xf32, #tpu.memory_space<vmem_shared>> -> memref<64x3072xf32, #tpu.memory_space<vmem_shared>>
        %dma_wait3A_216 = arith.constant 0 : i32
        %dma_wait3A_217 = arith.constant 0 : i32
        %dma_wait3A_218 = tpu.memref_slice %dma_wait3A_215[%dma_wait3A_216, %dma_wait3A_217] : memref<64x3072xf32, #tpu.memory_space<vmem_shared>> -> memref<1x3072xf32, #tpu.memory_space<vmem_shared>>
        %dma_wait3A_219 = arith.constant 0 : i32
        %dma_wait3A_220 = arith.constant 0 : i32
        %dma_wait3A_221 = tpu.memref_slice %arg2[%dma_wait3A_219, %dma_wait3A_220] : memref<100000x3072xf32, #tpu.memory_space<hbm>> -> memref<1x3072xf32, #tpu.memory_space<hbm>>
        tpu.wait_dma2 semaphore(%run_scoped3A_0 : memref<!tpu.dma_semaphore, #tpu.memory_space<semaphore_mem>>) src(%dma_wait3A_221 : memref<1x3072xf32, #tpu.memory_space<hbm>>) dst(%dma_wait3A_218 : memref<1x3072xf32, #tpu.memory_space<vmem_shared>>)
      }
      %scan3A_84 = arith.constant 32 : i32
      %dma_start3A_85 = arith.constant 1 : i32
      %dma_start3A_86 = arith.constant 0 : i32
      %dma_start3A_87 = tpu.memref_slice %arg3[%add3A_67, %dma_start3A_86] : memref<4096x3072xf32, #tpu.memory_space<hbm>> -> memref<64x3072xf32, #tpu.memory_space<hbm>>
      %dma_start3A_88 = arith.constant 0 : i32
      %dma_start3A_89 = arith.constant 0 : i32
      %dma_start3A_90 = tpu.memref_slice %arg6[%dma_start3A_85, %dma_start3A_88, %dma_start3A_89] : memref<2x64x3072xf32, #tpu.memory_space<vmem_shared>> -> memref<1x64x3072xf32, #tpu.memory_space<vmem_shared>>
      %dma_start3A_91 = tpu.memref_squeeze %dma_start3A_90 : memref<1x64x3072xf32, #tpu.memory_space<vmem_shared>> -> memref<64x3072xf32, #tpu.memory_space<vmem_shared>>
      tpu.enqueue_dma source(%dma_start3A_91 : memref<64x3072xf32, #tpu.memory_space<vmem_shared>>) target(%dma_start3A_87 : memref<64x3072xf32, #tpu.memory_space<hbm>>) target_semaphore(%run_scoped3A_2 : memref<!tpu.dma_semaphore, #tpu.memory_space<semaphore_mem>>)
      %add3A_92 = arith.constant 256 : i32
      %add3A_93 = arith.addi %add3A_4, %add3A_92 : i32
      "tpu.region"() ({
        %run_scoped3A_210 = tpu.sem_alloc : memref<!tpu.dma_semaphore, #tpu.memory_space<semaphore_mem>>
        %dma_start3A_211 = tpu.memref_slice %arg1[%add3A_93] : memref<4096xi32, #tpu.memory_space<hbm>> -> memref<128xi32, #tpu.memory_space<hbm>>
        tpu.enqueue_dma source(%dma_start3A_211 : memref<128xi32, #tpu.memory_space<hbm>>) target(%run_scoped3A : memref<128xi32, #tpu.memory_space<smem>>) target_semaphore(%run_scoped3A_210 : memref<!tpu.dma_semaphore, #tpu.memory_space<semaphore_mem>>)
        %dma_wait3A_212 = tpu.memref_slice %arg1[%add3A_93] : memref<4096xi32, #tpu.memory_space<hbm>> -> memref<128xi32, #tpu.memory_space<hbm>>
        tpu.wait_dma2 semaphore(%run_scoped3A_210 : memref<!tpu.dma_semaphore, #tpu.memory_space<semaphore_mem>>) src(%dma_wait3A_212 : memref<128xi32, #tpu.memory_space<hbm>>) dst(%run_scoped3A : memref<128xi32, #tpu.memory_space<smem>>)
        tpu.yield
      }) : () -> ()
      %dma_wait3A_94 = arith.constant 0 : i32
      %dma_wait3A_95 = arith.constant 0 : i32
      %dma_wait3A_96 = tpu.memref_slice %arg3[%add3A_4, %dma_wait3A_95] : memref<4096x3072xf32, #tpu.memory_space<hbm>> -> memref<64x3072xf32, #tpu.memory_space<hbm>>
      %dma_wait3A_97 = arith.constant 0 : i32
      %dma_wait3A_98 = arith.constant 0 : i32
      %dma_wait3A_99 = tpu.memref_slice %arg6[%dma_wait3A_94, %dma_wait3A_97, %dma_wait3A_98] : memref<2x64x3072xf32, #tpu.memory_space<vmem_shared>> -> memref<1x64x3072xf32, #tpu.memory_space<vmem_shared>>
      %dma_wait3A_100 = tpu.memref_squeeze %dma_wait3A_99 : memref<1x64x3072xf32, #tpu.memory_space<vmem_shared>> -> memref<64x3072xf32, #tpu.memory_space<vmem_shared>>
      tpu.wait_dma2 semaphore(%run_scoped3A_1 : memref<!tpu.dma_semaphore, #tpu.memory_space<semaphore_mem>>) src(%dma_wait3A_100 : memref<64x3072xf32, #tpu.memory_space<vmem_shared>>) dst(%dma_wait3A_96 : memref<64x3072xf32, #tpu.memory_space<hbm>>)
      %scan3A_101 = arith.constant 0 : i32
      %scan3A_102 = arith.constant 64 : i32
      %scan3A_103 = arith.addi %scan3A_101, %scan3A_102 : i32
      %scan3A_104 = arith.constant 1 : i32
      scf.for %scan3A_210 = %scan3A_101 to %scan3A_103 step %scan3A_104  : i32 {
        %add3A_211 = arith.constant 0 : i32
        %add3A_212 = arith.addi %add3A_211, %scan3A_210 : i32
        %get3A = arith.index_cast %add3A_212 : i32 to index
        %get3A_213 = memref.load %run_scoped3A[%get3A] : memref<128xi32, #tpu.memory_space<smem>>
        %dma_start3A_214 = arith.constant 0 : i32
        %dma_start3A_215 = arith.constant 0 : i32
        %dma_start3A_216 = arith.constant 0 : i32
        %dma_start3A_217 = tpu.memref_slice %arg6[%dma_start3A_214, %dma_start3A_215, %dma_start3A_216] : memref<2x64x3072xf32, #tpu.memory_space<vmem_shared>> -> memref<1x64x3072xf32, #tpu.memory_space<vmem_shared>>
        %dma_start3A_218 = tpu.memref_squeeze %dma_start3A_217 : memref<1x64x3072xf32, #tpu.memory_space<vmem_shared>> -> memref<64x3072xf32, #tpu.memory_space<vmem_shared>>
        %dma_start3A_219 = arith.constant 0 : i32
        %dma_start3A_220 = tpu.memref_slice %dma_start3A_218[%scan3A_210, %dma_start3A_219] : memref<64x3072xf32, #tpu.memory_space<vmem_shared>> -> memref<1x3072xf32, #tpu.memory_space<vmem_shared>>
        %dma_start3A_221 = arith.constant 0 : i32
        %dma_start3A_222 = tpu.memref_slice %arg2[%get3A_213, %dma_start3A_221] : memref<100000x3072xf32, #tpu.memory_space<hbm>> -> memref<1x3072xf32, #tpu.memory_space<hbm>>
        tpu.enqueue_dma source(%dma_start3A_222 : memref<1x3072xf32, #tpu.memory_space<hbm>>) target(%dma_start3A_220 : memref<1x3072xf32, #tpu.memory_space<vmem_shared>>) target_semaphore(%run_scoped3A_0 : memref<!tpu.dma_semaphore, #tpu.memory_space<semaphore_mem>>)
        %ge3A = arith.constant 32 : i32
        %ge3A_223 = arith.cmpi sge, %scan3A_210, %ge3A : i32
        %convert_element_type3A = arith.extui %ge3A_223 : i1 to i32
        %cond3A = arith.constant 0 : i32
        %cond3A_224 = arith.cmpi ne, %convert_element_type3A, %cond3A : i32
        scf.if %cond3A_224 {
          %dma_wait3A_225 = arith.constant 0 : i32
          %dma_wait3A_226 = arith.constant 0 : i32
          %dma_wait3A_227 = arith.constant 0 : i32
          %dma_wait3A_228 = tpu.memref_slice %arg6[%dma_wait3A_225, %dma_wait3A_226, %dma_wait3A_227] : memref<2x64x3072xf32, #tpu.memory_space<vmem_shared>> -> memref<1x64x3072xf32, #tpu.memory_space<vmem_shared>>
          %dma_wait3A_229 = tpu.memref_squeeze %dma_wait3A_228 : memref<1x64x3072xf32, #tpu.memory_space<vmem_shared>> -> memref<64x3072xf32, #tpu.memory_space<vmem_shared>>
          %dma_wait3A_230 = arith.constant 0 : i32
          %dma_wait3A_231 = arith.constant 0 : i32
          %dma_wait3A_232 = tpu.memref_slice %dma_wait3A_229[%dma_wait3A_230, %dma_wait3A_231] : memref<64x3072xf32, #tpu.memory_space<vmem_shared>> -> memref<1x3072xf32, #tpu.memory_space<vmem_shared>>
          %dma_wait3A_233 = arith.constant 0 : i32
          %dma_wait3A_234 = arith.constant 0 : i32
          %dma_wait3A_235 = tpu.memref_slice %arg2[%dma_wait3A_233, %dma_wait3A_234] : memref<100000x3072xf32, #tpu.memory_space<hbm>> -> memref<1x3072xf32, #tpu.memory_space<hbm>>
          tpu.wait_dma2 semaphore(%run_scoped3A_0 : memref<!tpu.dma_semaphore, #tpu.memory_space<semaphore_mem>>) src(%dma_wait3A_235 : memref<1x3072xf32, #tpu.memory_space<hbm>>) dst(%dma_wait3A_232 : memref<1x3072xf32, #tpu.memory_space<vmem_shared>>)
        } else {
        }
      }
      %scan3A_105 = arith.constant 64 : i32
      %scan3A_106 = arith.constant 0 : i32
      %scan3A_107 = arith.constant 32 : i32
      %scan3A_108 = arith.addi %scan3A_106, %scan3A_107 : i32
      %scan3A_109 = arith.constant 1 : i32
      scf.for %scan3A_210 = %scan3A_106 to %scan3A_108 step %scan3A_109  : i32 {
        %dma_wait3A_211 = arith.constant 0 : i32
        %dma_wait3A_212 = arith.constant 0 : i32
        %dma_wait3A_213 = arith.constant 0 : i32
        %dma_wait3A_214 = tpu.memref_slice %arg6[%dma_wait3A_211, %dma_wait3A_212, %dma_wait3A_213] : memref<2x64x3072xf32, #tpu.memory_space<vmem_shared>> -> memref<1x64x3072xf32, #tpu.memory_space<vmem_shared>>
        %dma_wait3A_215 = tpu.memref_squeeze %dma_wait3A_214 : memref<1x64x3072xf32, #tpu.memory_space<vmem_shared>> -> memref<64x3072xf32, #tpu.memory_space<vmem_shared>>
        %dma_wait3A_216 = arith.constant 0 : i32
        %dma_wait3A_217 = arith.constant 0 : i32
        %dma_wait3A_218 = tpu.memref_slice %dma_wait3A_215[%dma_wait3A_216, %dma_wait3A_217] : memref<64x3072xf32, #tpu.memory_space<vmem_shared>> -> memref<1x3072xf32, #tpu.memory_space<vmem_shared>>
        %dma_wait3A_219 = arith.constant 0 : i32
        %dma_wait3A_220 = arith.constant 0 : i32
        %dma_wait3A_221 = tpu.memref_slice %arg2[%dma_wait3A_219, %dma_wait3A_220] : memref<100000x3072xf32, #tpu.memory_space<hbm>> -> memref<1x3072xf32, #tpu.memory_space<hbm>>
        tpu.wait_dma2 semaphore(%run_scoped3A_0 : memref<!tpu.dma_semaphore, #tpu.memory_space<semaphore_mem>>) src(%dma_wait3A_221 : memref<1x3072xf32, #tpu.memory_space<hbm>>) dst(%dma_wait3A_218 : memref<1x3072xf32, #tpu.memory_space<vmem_shared>>)
      }
      %scan3A_110 = arith.constant 32 : i32
      %dma_start3A_111 = arith.constant 0 : i32
      %dma_start3A_112 = arith.constant 0 : i32
      %dma_start3A_113 = tpu.memref_slice %arg3[%add3A_93, %dma_start3A_112] : memref<4096x3072xf32, #tpu.memory_space<hbm>> -> memref<64x3072xf32, #tpu.memory_space<hbm>>
      %dma_start3A_114 = arith.constant 0 : i32
      %dma_start3A_115 = arith.constant 0 : i32
      %dma_start3A_116 = tpu.memref_slice %arg6[%dma_start3A_111, %dma_start3A_114, %dma_start3A_115] : memref<2x64x3072xf32, #tpu.memory_space<vmem_shared>> -> memref<1x64x3072xf32, #tpu.memory_space<vmem_shared>>
      %dma_start3A_117 = tpu.memref_squeeze %dma_start3A_116 : memref<1x64x3072xf32, #tpu.memory_space<vmem_shared>> -> memref<64x3072xf32, #tpu.memory_space<vmem_shared>>
      tpu.enqueue_dma source(%dma_start3A_117 : memref<64x3072xf32, #tpu.memory_space<vmem_shared>>) target(%dma_start3A_113 : memref<64x3072xf32, #tpu.memory_space<hbm>>) target_semaphore(%run_scoped3A_1 : memref<!tpu.dma_semaphore, #tpu.memory_space<semaphore_mem>>)
      %add3A_118 = arith.constant 320 : i32
      %add3A_119 = arith.addi %add3A_4, %add3A_118 : i32
      %dma_wait3A_120 = arith.constant 1 : i32
      %dma_wait3A_121 = arith.constant 0 : i32
      %dma_wait3A_122 = tpu.memref_slice %arg3[%add3A_4, %dma_wait3A_121] : memref<4096x3072xf32, #tpu.memory_space<hbm>> -> memref<64x3072xf32, #tpu.memory_space<hbm>>
      %dma_wait3A_123 = arith.constant 0 : i32
      %dma_wait3A_124 = arith.constant 0 : i32
      %dma_wait3A_125 = tpu.memref_slice %arg6[%dma_wait3A_120, %dma_wait3A_123, %dma_wait3A_124] : memref<2x64x3072xf32, #tpu.memory_space<vmem_shared>> -> memref<1x64x3072xf32, #tpu.memory_space<vmem_shared>>
      %dma_wait3A_126 = tpu.memref_squeeze %dma_wait3A_125 : memref<1x64x3072xf32, #tpu.memory_space<vmem_shared>> -> memref<64x3072xf32, #tpu.memory_space<vmem_shared>>
      tpu.wait_dma2 semaphore(%run_scoped3A_2 : memref<!tpu.dma_semaphore, #tpu.memory_space<semaphore_mem>>) src(%dma_wait3A_126 : memref<64x3072xf32, #tpu.memory_space<vmem_shared>>) dst(%dma_wait3A_122 : memref<64x3072xf32, #tpu.memory_space<hbm>>)
      %scan3A_127 = arith.constant 0 : i32
      %scan3A_128 = arith.constant 64 : i32
      %scan3A_129 = arith.addi %scan3A_127, %scan3A_128 : i32
      %scan3A_130 = arith.constant 1 : i32
      scf.for %scan3A_210 = %scan3A_127 to %scan3A_129 step %scan3A_130  : i32 {
        %add3A_211 = arith.constant 64 : i32
        %add3A_212 = arith.addi %add3A_211, %scan3A_210 : i32
        %get3A = arith.index_cast %add3A_212 : i32 to index
        %get3A_213 = memref.load %run_scoped3A[%get3A] : memref<128xi32, #tpu.memory_space<smem>>
        %dma_start3A_214 = arith.constant 1 : i32
        %dma_start3A_215 = arith.constant 0 : i32
        %dma_start3A_216 = arith.constant 0 : i32
        %dma_start3A_217 = tpu.memref_slice %arg6[%dma_start3A_214, %dma_start3A_215, %dma_start3A_216] : memref<2x64x3072xf32, #tpu.memory_space<vmem_shared>> -> memref<1x64x3072xf32, #tpu.memory_space<vmem_shared>>
        %dma_start3A_218 = tpu.memref_squeeze %dma_start3A_217 : memref<1x64x3072xf32, #tpu.memory_space<vmem_shared>> -> memref<64x3072xf32, #tpu.memory_space<vmem_shared>>
        %dma_start3A_219 = arith.constant 0 : i32
        %dma_start3A_220 = tpu.memref_slice %dma_start3A_218[%scan3A_210, %dma_start3A_219] : memref<64x3072xf32, #tpu.memory_space<vmem_shared>> -> memref<1x3072xf32, #tpu.memory_space<vmem_shared>>
        %dma_start3A_221 = arith.constant 0 : i32
        %dma_start3A_222 = tpu.memref_slice %arg2[%get3A_213, %dma_start3A_221] : memref<100000x3072xf32, #tpu.memory_space<hbm>> -> memref<1x3072xf32, #tpu.memory_space<hbm>>
        tpu.enqueue_dma source(%dma_start3A_222 : memref<1x3072xf32, #tpu.memory_space<hbm>>) target(%dma_start3A_220 : memref<1x3072xf32, #tpu.memory_space<vmem_shared>>) target_semaphore(%run_scoped3A_0 : memref<!tpu.dma_semaphore, #tpu.memory_space<semaphore_mem>>)
        %ge3A = arith.constant 32 : i32
        %ge3A_223 = arith.cmpi sge, %scan3A_210, %ge3A : i32
        %convert_element_type3A = arith.extui %ge3A_223 : i1 to i32
        %cond3A = arith.constant 0 : i32
        %cond3A_224 = arith.cmpi ne, %convert_element_type3A, %cond3A : i32
        scf.if %cond3A_224 {
          %dma_wait3A_225 = arith.constant 1 : i32
          %dma_wait3A_226 = arith.constant 0 : i32
          %dma_wait3A_227 = arith.constant 0 : i32
          %dma_wait3A_228 = tpu.memref_slice %arg6[%dma_wait3A_225, %dma_wait3A_226, %dma_wait3A_227] : memref<2x64x3072xf32, #tpu.memory_space<vmem_shared>> -> memref<1x64x3072xf32, #tpu.memory_space<vmem_shared>>
          %dma_wait3A_229 = tpu.memref_squeeze %dma_wait3A_228 : memref<1x64x3072xf32, #tpu.memory_space<vmem_shared>> -> memref<64x3072xf32, #tpu.memory_space<vmem_shared>>
          %dma_wait3A_230 = arith.constant 0 : i32
          %dma_wait3A_231 = arith.constant 0 : i32
          %dma_wait3A_232 = tpu.memref_slice %dma_wait3A_229[%dma_wait3A_230, %dma_wait3A_231] : memref<64x3072xf32, #tpu.memory_space<vmem_shared>> -> memref<1x3072xf32, #tpu.memory_space<vmem_shared>>
          %dma_wait3A_233 = arith.constant 0 : i32
          %dma_wait3A_234 = arith.constant 0 : i32
          %dma_wait3A_235 = tpu.memref_slice %arg2[%dma_wait3A_233, %dma_wait3A_234] : memref<100000x3072xf32, #tpu.memory_space<hbm>> -> memref<1x3072xf32, #tpu.memory_space<hbm>>
          tpu.wait_dma2 semaphore(%run_scoped3A_0 : memref<!tpu.dma_semaphore, #tpu.memory_space<semaphore_mem>>) src(%dma_wait3A_235 : memref<1x3072xf32, #tpu.memory_space<hbm>>) dst(%dma_wait3A_232 : memref<1x3072xf32, #tpu.memory_space<vmem_shared>>)
        } else {
        }
      }
      %scan3A_131 = arith.constant 64 : i32
      %scan3A_132 = arith.constant 0 : i32
      %scan3A_133 = arith.constant 32 : i32
      %scan3A_134 = arith.addi %scan3A_132, %scan3A_133 : i32
      %scan3A_135 = arith.constant 1 : i32
      scf.for %scan3A_210 = %scan3A_132 to %scan3A_134 step %scan3A_135  : i32 {
        %dma_wait3A_211 = arith.constant 1 : i32
        %dma_wait3A_212 = arith.constant 0 : i32
        %dma_wait3A_213 = arith.constant 0 : i32
        %dma_wait3A_214 = tpu.memref_slice %arg6[%dma_wait3A_211, %dma_wait3A_212, %dma_wait3A_213] : memref<2x64x3072xf32, #tpu.memory_space<vmem_shared>> -> memref<1x64x3072xf32, #tpu.memory_space<vmem_shared>>
        %dma_wait3A_215 = tpu.memref_squeeze %dma_wait3A_214 : memref<1x64x3072xf32, #tpu.memory_space<vmem_shared>> -> memref<64x3072xf32, #tpu.memory_space<vmem_shared>>
        %dma_wait3A_216 = arith.constant 0 : i32
        %dma_wait3A_217 = arith.constant 0 : i32
        %dma_wait3A_218 = tpu.memref_slice %dma_wait3A_215[%dma_wait3A_216, %dma_wait3A_217] : memref<64x3072xf32, #tpu.memory_space<vmem_shared>> -> memref<1x3072xf32, #tpu.memory_space<vmem_shared>>
        %dma_wait3A_219 = arith.constant 0 : i32
        %dma_wait3A_220 = arith.constant 0 : i32
        %dma_wait3A_221 = tpu.memref_slice %arg2[%dma_wait3A_219, %dma_wait3A_220] : memref<100000x3072xf32, #tpu.memory_space<hbm>> -> memref<1x3072xf32, #tpu.memory_space<hbm>>
        tpu.wait_dma2 semaphore(%run_scoped3A_0 : memref<!tpu.dma_semaphore, #tpu.memory_space<semaphore_mem>>) src(%dma_wait3A_221 : memref<1x3072xf32, #tpu.memory_space<hbm>>) dst(%dma_wait3A_218 : memref<1x3072xf32, #tpu.memory_space<vmem_shared>>)
      }
      %scan3A_136 = arith.constant 32 : i32
      %dma_start3A_137 = arith.constant 1 : i32
      %dma_start3A_138 = arith.constant 0 : i32
      %dma_start3A_139 = tpu.memref_slice %arg3[%add3A_119, %dma_start3A_138] : memref<4096x3072xf32, #tpu.memory_space<hbm>> -> memref<64x3072xf32, #tpu.memory_space<hbm>>
      %dma_start3A_140 = arith.constant 0 : i32
      %dma_start3A_141 = arith.constant 0 : i32
      %dma_start3A_142 = tpu.memref_slice %arg6[%dma_start3A_137, %dma_start3A_140, %dma_start3A_141] : memref<2x64x3072xf32, #tpu.memory_space<vmem_shared>> -> memref<1x64x3072xf32, #tpu.memory_space<vmem_shared>>
      %dma_start3A_143 = tpu.memref_squeeze %dma_start3A_142 : memref<1x64x3072xf32, #tpu.memory_space<vmem_shared>> -> memref<64x3072xf32, #tpu.memory_space<vmem_shared>>
      tpu.enqueue_dma source(%dma_start3A_143 : memref<64x3072xf32, #tpu.memory_space<vmem_shared>>) target(%dma_start3A_139 : memref<64x3072xf32, #tpu.memory_space<hbm>>) target_semaphore(%run_scoped3A_2 : memref<!tpu.dma_semaphore, #tpu.memory_space<semaphore_mem>>)
      %add3A_144 = arith.constant 384 : i32
      %add3A_145 = arith.addi %add3A_4, %add3A_144 : i32
      "tpu.region"() ({
        %run_scoped3A_210 = tpu.sem_alloc : memref<!tpu.dma_semaphore, #tpu.memory_space<semaphore_mem>>
        %dma_start3A_211 = tpu.memref_slice %arg1[%add3A_145] : memref<4096xi32, #tpu.memory_space<hbm>> -> memref<128xi32, #tpu.memory_space<hbm>>
        tpu.enqueue_dma source(%dma_start3A_211 : memref<128xi32, #tpu.memory_space<hbm>>) target(%run_scoped3A : memref<128xi32, #tpu.memory_space<smem>>) target_semaphore(%run_scoped3A_210 : memref<!tpu.dma_semaphore, #tpu.memory_space<semaphore_mem>>)
        %dma_wait3A_212 = tpu.memref_slice %arg1[%add3A_145] : memref<4096xi32, #tpu.memory_space<hbm>> -> memref<128xi32, #tpu.memory_space<hbm>>
        tpu.wait_dma2 semaphore(%run_scoped3A_210 : memref<!tpu.dma_semaphore, #tpu.memory_space<semaphore_mem>>) src(%dma_wait3A_212 : memref<128xi32, #tpu.memory_space<hbm>>) dst(%run_scoped3A : memref<128xi32, #tpu.memory_space<smem>>)
        tpu.yield
      }) : () -> ()
      %dma_wait3A_146 = arith.constant 0 : i32
      %dma_wait3A_147 = arith.constant 0 : i32
      %dma_wait3A_148 = tpu.memref_slice %arg3[%add3A_4, %dma_wait3A_147] : memref<4096x3072xf32, #tpu.memory_space<hbm>> -> memref<64x3072xf32, #tpu.memory_space<hbm>>
      %dma_wait3A_149 = arith.constant 0 : i32
      %dma_wait3A_150 = arith.constant 0 : i32
      %dma_wait3A_151 = tpu.memref_slice %arg6[%dma_wait3A_146, %dma_wait3A_149, %dma_wait3A_150] : memref<2x64x3072xf32, #tpu.memory_space<vmem_shared>> -> memref<1x64x3072xf32, #tpu.memory_space<vmem_shared>>
      %dma_wait3A_152 = tpu.memref_squeeze %dma_wait3A_151 : memref<1x64x3072xf32, #tpu.memory_space<vmem_shared>> -> memref<64x3072xf32, #tpu.memory_space<vmem_shared>>
      tpu.wait_dma2 semaphore(%run_scoped3A_1 : memref<!tpu.dma_semaphore, #tpu.memory_space<semaphore_mem>>) src(%dma_wait3A_152 : memref<64x3072xf32, #tpu.memory_space<vmem_shared>>) dst(%dma_wait3A_148 : memref<64x3072xf32, #tpu.memory_space<hbm>>)
      %scan3A_153 = arith.constant 0 : i32
      %scan3A_154 = arith.constant 64 : i32
      %scan3A_155 = arith.addi %scan3A_153, %scan3A_154 : i32
      %scan3A_156 = arith.constant 1 : i32
      scf.for %scan3A_210 = %scan3A_153 to %scan3A_155 step %scan3A_156  : i32 {
        %add3A_211 = arith.constant 0 : i32
        %add3A_212 = arith.addi %add3A_211, %scan3A_210 : i32
        %get3A = arith.index_cast %add3A_212 : i32 to index
        %get3A_213 = memref.load %run_scoped3A[%get3A] : memref<128xi32, #tpu.memory_space<smem>>
        %dma_start3A_214 = arith.constant 0 : i32
        %dma_start3A_215 = arith.constant 0 : i32
        %dma_start3A_216 = arith.constant 0 : i32
        %dma_start3A_217 = tpu.memref_slice %arg6[%dma_start3A_214, %dma_start3A_215, %dma_start3A_216] : memref<2x64x3072xf32, #tpu.memory_space<vmem_shared>> -> memref<1x64x3072xf32, #tpu.memory_space<vmem_shared>>
        %dma_start3A_218 = tpu.memref_squeeze %dma_start3A_217 : memref<1x64x3072xf32, #tpu.memory_space<vmem_shared>> -> memref<64x3072xf32, #tpu.memory_space<vmem_shared>>
        %dma_start3A_219 = arith.constant 0 : i32
        %dma_start3A_220 = tpu.memref_slice %dma_start3A_218[%scan3A_210, %dma_start3A_219] : memref<64x3072xf32, #tpu.memory_space<vmem_shared>> -> memref<1x3072xf32, #tpu.memory_space<vmem_shared>>
        %dma_start3A_221 = arith.constant 0 : i32
        %dma_start3A_222 = tpu.memref_slice %arg2[%get3A_213, %dma_start3A_221] : memref<100000x3072xf32, #tpu.memory_space<hbm>> -> memref<1x3072xf32, #tpu.memory_space<hbm>>
        tpu.enqueue_dma source(%dma_start3A_222 : memref<1x3072xf32, #tpu.memory_space<hbm>>) target(%dma_start3A_220 : memref<1x3072xf32, #tpu.memory_space<vmem_shared>>) target_semaphore(%run_scoped3A_0 : memref<!tpu.dma_semaphore, #tpu.memory_space<semaphore_mem>>)
        %ge3A = arith.constant 32 : i32
        %ge3A_223 = arith.cmpi sge, %scan3A_210, %ge3A : i32
        %convert_element_type3A = arith.extui %ge3A_223 : i1 to i32
        %cond3A = arith.constant 0 : i32
        %cond3A_224 = arith.cmpi ne, %convert_element_type3A, %cond3A : i32
        scf.if %cond3A_224 {
          %dma_wait3A_225 = arith.constant 0 : i32
          %dma_wait3A_226 = arith.constant 0 : i32
          %dma_wait3A_227 = arith.constant 0 : i32
          %dma_wait3A_228 = tpu.memref_slice %arg6[%dma_wait3A_225, %dma_wait3A_226, %dma_wait3A_227] : memref<2x64x3072xf32, #tpu.memory_space<vmem_shared>> -> memref<1x64x3072xf32, #tpu.memory_space<vmem_shared>>
          %dma_wait3A_229 = tpu.memref_squeeze %dma_wait3A_228 : memref<1x64x3072xf32, #tpu.memory_space<vmem_shared>> -> memref<64x3072xf32, #tpu.memory_space<vmem_shared>>
          %dma_wait3A_230 = arith.constant 0 : i32
          %dma_wait3A_231 = arith.constant 0 : i32
          %dma_wait3A_232 = tpu.memref_slice %dma_wait3A_229[%dma_wait3A_230, %dma_wait3A_231] : memref<64x3072xf32, #tpu.memory_space<vmem_shared>> -> memref<1x3072xf32, #tpu.memory_space<vmem_shared>>
          %dma_wait3A_233 = arith.constant 0 : i32
          %dma_wait3A_234 = arith.constant 0 : i32
          %dma_wait3A_235 = tpu.memref_slice %arg2[%dma_wait3A_233, %dma_wait3A_234] : memref<100000x3072xf32, #tpu.memory_space<hbm>> -> memref<1x3072xf32, #tpu.memory_space<hbm>>
          tpu.wait_dma2 semaphore(%run_scoped3A_0 : memref<!tpu.dma_semaphore, #tpu.memory_space<semaphore_mem>>) src(%dma_wait3A_235 : memref<1x3072xf32, #tpu.memory_space<hbm>>) dst(%dma_wait3A_232 : memref<1x3072xf32, #tpu.memory_space<vmem_shared>>)
        } else {
        }
      }
      %scan3A_157 = arith.constant 64 : i32
      %scan3A_158 = arith.constant 0 : i32
      %scan3A_159 = arith.constant 32 : i32
      %scan3A_160 = arith.addi %scan3A_158, %scan3A_159 : i32
      %scan3A_161 = arith.constant 1 : i32
      scf.for %scan3A_210 = %scan3A_158 to %scan3A_160 step %scan3A_161  : i32 {
        %dma_wait3A_211 = arith.constant 0 : i32
        %dma_wait3A_212 = arith.constant 0 : i32
        %dma_wait3A_213 = arith.constant 0 : i32
        %dma_wait3A_214 = tpu.memref_slice %arg6[%dma_wait3A_211, %dma_wait3A_212, %dma_wait3A_213] : memref<2x64x3072xf32, #tpu.memory_space<vmem_shared>> -> memref<1x64x3072xf32, #tpu.memory_space<vmem_shared>>
        %dma_wait3A_215 = tpu.memref_squeeze %dma_wait3A_214 : memref<1x64x3072xf32, #tpu.memory_space<vmem_shared>> -> memref<64x3072xf32, #tpu.memory_space<vmem_shared>>
        %dma_wait3A_216 = arith.constant 0 : i32
        %dma_wait3A_217 = arith.constant 0 : i32
        %dma_wait3A_218 = tpu.memref_slice %dma_wait3A_215[%dma_wait3A_216, %dma_wait3A_217] : memref<64x3072xf32, #tpu.memory_space<vmem_shared>> -> memref<1x3072xf32, #tpu.memory_space<vmem_shared>>
        %dma_wait3A_219 = arith.constant 0 : i32
        %dma_wait3A_220 = arith.constant 0 : i32
        %dma_wait3A_221 = tpu.memref_slice %arg2[%dma_wait3A_219, %dma_wait3A_220] : memref<100000x3072xf32, #tpu.memory_space<hbm>> -> memref<1x3072xf32, #tpu.memory_space<hbm>>
        tpu.wait_dma2 semaphore(%run_scoped3A_0 : memref<!tpu.dma_semaphore, #tpu.memory_space<semaphore_mem>>) src(%dma_wait3A_221 : memref<1x3072xf32, #tpu.memory_space<hbm>>) dst(%dma_wait3A_218 : memref<1x3072xf32, #tpu.memory_space<vmem_shared>>)
      }
      %scan3A_162 = arith.constant 32 : i32
      %dma_start3A_163 = arith.constant 0 : i32
      %dma_start3A_164 = arith.constant 0 : i32
      %dma_start3A_165 = tpu.memref_slice %arg3[%add3A_145, %dma_start3A_164] : memref<4096x3072xf32, #tpu.memory_space<hbm>> -> memref<64x3072xf32, #tpu.memory_space<hbm>>
      %dma_start3A_166 = arith.constant 0 : i32
      %dma_start3A_167 = arith.constant 0 : i32
      %dma_start3A_168 = tpu.memref_slice %arg6[%dma_start3A_163, %dma_start3A_166, %dma_start3A_167] : memref<2x64x3072xf32, #tpu.memory_space<vmem_shared>> -> memref<1x64x3072xf32, #tpu.memory_space<vmem_shared>>
      %dma_start3A_169 = tpu.memref_squeeze %dma_start3A_168 : memref<1x64x3072xf32, #tpu.memory_space<vmem_shared>> -> memref<64x3072xf32, #tpu.memory_space<vmem_shared>>
      tpu.enqueue_dma source(%dma_start3A_169 : memref<64x3072xf32, #tpu.memory_space<vmem_shared>>) target(%dma_start3A_165 : memref<64x3072xf32, #tpu.memory_space<hbm>>) target_semaphore(%run_scoped3A_1 : memref<!tpu.dma_semaphore, #tpu.memory_space<semaphore_mem>>)
      %add3A_170 = arith.constant 448 : i32
      %add3A_171 = arith.addi %add3A_4, %add3A_170 : i32
      %dma_wait3A_172 = arith.constant 1 : i32
      %dma_wait3A_173 = arith.constant 0 : i32
      %dma_wait3A_174 = tpu.memref_slice %arg3[%add3A_4, %dma_wait3A_173] : memref<4096x3072xf32, #tpu.memory_space<hbm>> -> memref<64x3072xf32, #tpu.memory_space<hbm>>
      %dma_wait3A_175 = arith.constant 0 : i32
      %dma_wait3A_176 = arith.constant 0 : i32
      %dma_wait3A_177 = tpu.memref_slice %arg6[%dma_wait3A_172, %dma_wait3A_175, %dma_wait3A_176] : memref<2x64x3072xf32, #tpu.memory_space<vmem_shared>> -> memref<1x64x3072xf32, #tpu.memory_space<vmem_shared>>
      %dma_wait3A_178 = tpu.memref_squeeze %dma_wait3A_177 : memref<1x64x3072xf32, #tpu.memory_space<vmem_shared>> -> memref<64x3072xf32, #tpu.memory_space<vmem_shared>>
      tpu.wait_dma2 semaphore(%run_scoped3A_2 : memref<!tpu.dma_semaphore, #tpu.memory_space<semaphore_mem>>) src(%dma_wait3A_178 : memref<64x3072xf32, #tpu.memory_space<vmem_shared>>) dst(%dma_wait3A_174 : memref<64x3072xf32, #tpu.memory_space<hbm>>)
      %scan3A_179 = arith.constant 0 : i32
      %scan3A_180 = arith.constant 64 : i32
      %scan3A_181 = arith.addi %scan3A_179, %scan3A_180 : i32
      %scan3A_182 = arith.constant 1 : i32
      scf.for %scan3A_210 = %scan3A_179 to %scan3A_181 step %scan3A_182  : i32 {
        %add3A_211 = arith.constant 64 : i32
        %add3A_212 = arith.addi %add3A_211, %scan3A_210 : i32
        %get3A = arith.index_cast %add3A_212 : i32 to index
        %get3A_213 = memref.load %run_scoped3A[%get3A] : memref<128xi32, #tpu.memory_space<smem>>
        %dma_start3A_214 = arith.constant 1 : i32
        %dma_start3A_215 = arith.constant 0 : i32
        %dma_start3A_216 = arith.constant 0 : i32
        %dma_start3A_217 = tpu.memref_slice %arg6[%dma_start3A_214, %dma_start3A_215, %dma_start3A_216] : memref<2x64x3072xf32, #tpu.memory_space<vmem_shared>> -> memref<1x64x3072xf32, #tpu.memory_space<vmem_shared>>
        %dma_start3A_218 = tpu.memref_squeeze %dma_start3A_217 : memref<1x64x3072xf32, #tpu.memory_space<vmem_shared>> -> memref<64x3072xf32, #tpu.memory_space<vmem_shared>>
        %dma_start3A_219 = arith.constant 0 : i32
        %dma_start3A_220 = tpu.memref_slice %dma_start3A_218[%scan3A_210, %dma_start3A_219] : memref<64x3072xf32, #tpu.memory_space<vmem_shared>> -> memref<1x3072xf32, #tpu.memory_space<vmem_shared>>
        %dma_start3A_221 = arith.constant 0 : i32
        %dma_start3A_222 = tpu.memref_slice %arg2[%get3A_213, %dma_start3A_221] : memref<100000x3072xf32, #tpu.memory_space<hbm>> -> memref<1x3072xf32, #tpu.memory_space<hbm>>
        tpu.enqueue_dma source(%dma_start3A_222 : memref<1x3072xf32, #tpu.memory_space<hbm>>) target(%dma_start3A_220 : memref<1x3072xf32, #tpu.memory_space<vmem_shared>>) target_semaphore(%run_scoped3A_0 : memref<!tpu.dma_semaphore, #tpu.memory_space<semaphore_mem>>)
        %ge3A = arith.constant 32 : i32
        %ge3A_223 = arith.cmpi sge, %scan3A_210, %ge3A : i32
        %convert_element_type3A = arith.extui %ge3A_223 : i1 to i32
        %cond3A = arith.constant 0 : i32
        %cond3A_224 = arith.cmpi ne, %convert_element_type3A, %cond3A : i32
        scf.if %cond3A_224 {
          %dma_wait3A_225 = arith.constant 1 : i32
          %dma_wait3A_226 = arith.constant 0 : i32
          %dma_wait3A_227 = arith.constant 0 : i32
          %dma_wait3A_228 = tpu.memref_slice %arg6[%dma_wait3A_225, %dma_wait3A_226, %dma_wait3A_227] : memref<2x64x3072xf32, #tpu.memory_space<vmem_shared>> -> memref<1x64x3072xf32, #tpu.memory_space<vmem_shared>>
          %dma_wait3A_229 = tpu.memref_squeeze %dma_wait3A_228 : memref<1x64x3072xf32, #tpu.memory_space<vmem_shared>> -> memref<64x3072xf32, #tpu.memory_space<vmem_shared>>
          %dma_wait3A_230 = arith.constant 0 : i32
          %dma_wait3A_231 = arith.constant 0 : i32
          %dma_wait3A_232 = tpu.memref_slice %dma_wait3A_229[%dma_wait3A_230, %dma_wait3A_231] : memref<64x3072xf32, #tpu.memory_space<vmem_shared>> -> memref<1x3072xf32, #tpu.memory_space<vmem_shared>>
          %dma_wait3A_233 = arith.constant 0 : i32
          %dma_wait3A_234 = arith.constant 0 : i32
          %dma_wait3A_235 = tpu.memref_slice %arg2[%dma_wait3A_233, %dma_wait3A_234] : memref<100000x3072xf32, #tpu.memory_space<hbm>> -> memref<1x3072xf32, #tpu.memory_space<hbm>>
          tpu.wait_dma2 semaphore(%run_scoped3A_0 : memref<!tpu.dma_semaphore, #tpu.memory_space<semaphore_mem>>) src(%dma_wait3A_235 : memref<1x3072xf32, #tpu.memory_space<hbm>>) dst(%dma_wait3A_232 : memref<1x3072xf32, #tpu.memory_space<vmem_shared>>)
        } else {
        }
      }
      %scan3A_183 = arith.constant 64 : i32
      %scan3A_184 = arith.constant 0 : i32
      %scan3A_185 = arith.constant 32 : i32
      %scan3A_186 = arith.addi %scan3A_184, %scan3A_185 : i32
      %scan3A_187 = arith.constant 1 : i32
      scf.for %scan3A_210 = %scan3A_184 to %scan3A_186 step %scan3A_187  : i32 {
        %dma_wait3A_211 = arith.constant 1 : i32
        %dma_wait3A_212 = arith.constant 0 : i32
        %dma_wait3A_213 = arith.constant 0 : i32
        %dma_wait3A_214 = tpu.memref_slice %arg6[%dma_wait3A_211, %dma_wait3A_212, %dma_wait3A_213] : memref<2x64x3072xf32, #tpu.memory_space<vmem_shared>> -> memref<1x64x3072xf32, #tpu.memory_space<vmem_shared>>
        %dma_wait3A_215 = tpu.memref_squeeze %dma_wait3A_214 : memref<1x64x3072xf32, #tpu.memory_space<vmem_shared>> -> memref<64x3072xf32, #tpu.memory_space<vmem_shared>>
        %dma_wait3A_216 = arith.constant 0 : i32
        %dma_wait3A_217 = arith.constant 0 : i32
        %dma_wait3A_218 = tpu.memref_slice %dma_wait3A_215[%dma_wait3A_216, %dma_wait3A_217] : memref<64x3072xf32, #tpu.memory_space<vmem_shared>> -> memref<1x3072xf32, #tpu.memory_space<vmem_shared>>
        %dma_wait3A_219 = arith.constant 0 : i32
        %dma_wait3A_220 = arith.constant 0 : i32
        %dma_wait3A_221 = tpu.memref_slice %arg2[%dma_wait3A_219, %dma_wait3A_220] : memref<100000x3072xf32, #tpu.memory_space<hbm>> -> memref<1x3072xf32, #tpu.memory_space<hbm>>
        tpu.wait_dma2 semaphore(%run_scoped3A_0 : memref<!tpu.dma_semaphore, #tpu.memory_space<semaphore_mem>>) src(%dma_wait3A_221 : memref<1x3072xf32, #tpu.memory_space<hbm>>) dst(%dma_wait3A_218 : memref<1x3072xf32, #tpu.memory_space<vmem_shared>>)
      }
      %scan3A_188 = arith.constant 32 : i32
      %dma_start3A_189 = arith.constant 1 : i32
      %dma_start3A_190 = arith.constant 0 : i32
      %dma_start3A_191 = tpu.memref_slice %arg3[%add3A_171, %dma_start3A_190] : memref<4096x3072xf32, #tpu.memory_space<hbm>> -> memref<64x3072xf32, #tpu.memory_space<hbm>>
      %dma_start3A_192 = arith.constant 0 : i32
      %dma_start3A_193 = arith.constant 0 : i32
      %dma_start3A_194 = tpu.memref_slice %arg6[%dma_start3A_189, %dma_start3A_192, %dma_start3A_193] : memref<2x64x3072xf32, #tpu.memory_space<vmem_shared>> -> memref<1x64x3072xf32, #tpu.memory_space<vmem_shared>>
      %dma_start3A_195 = tpu.memref_squeeze %dma_start3A_194 : memref<1x64x3072xf32, #tpu.memory_space<vmem_shared>> -> memref<64x3072xf32, #tpu.memory_space<vmem_shared>>
      tpu.enqueue_dma source(%dma_start3A_195 : memref<64x3072xf32, #tpu.memory_space<vmem_shared>>) target(%dma_start3A_191 : memref<64x3072xf32, #tpu.memory_space<hbm>>) target_semaphore(%run_scoped3A_2 : memref<!tpu.dma_semaphore, #tpu.memory_space<semaphore_mem>>)
      %dma_wait3A_196 = arith.constant 0 : i32
      %dma_wait3A_197 = arith.constant 0 : i32
      %dma_wait3A_198 = tpu.memref_slice %arg3[%add3A_4, %dma_wait3A_197] : memref<4096x3072xf32, #tpu.memory_space<hbm>> -> memref<64x3072xf32, #tpu.memory_space<hbm>>
      %dma_wait3A_199 = arith.constant 0 : i32
      %dma_wait3A_200 = arith.constant 0 : i32
      %dma_wait3A_201 = tpu.memref_slice %arg6[%dma_wait3A_196, %dma_wait3A_199, %dma_wait3A_200] : memref<2x64x3072xf32, #tpu.memory_space<vmem_shared>> -> memref<1x64x3072xf32, #tpu.memory_space<vmem_shared>>
      %dma_wait3A_202 = tpu.memref_squeeze %dma_wait3A_201 : memref<1x64x3072xf32, #tpu.memory_space<vmem_shared>> -> memref<64x3072xf32, #tpu.memory_space<vmem_shared>>
      tpu.wait_dma2 semaphore(%run_scoped3A_1 : memref<!tpu.dma_semaphore, #tpu.memory_space<semaphore_mem>>) src(%dma_wait3A_202 : memref<64x3072xf32, #tpu.memory_space<vmem_shared>>) dst(%dma_wait3A_198 : memref<64x3072xf32, #tpu.memory_space<hbm>>)
      %dma_wait3A_203 = arith.constant 1 : i32
      %dma_wait3A_204 = arith.constant 0 : i32
      %dma_wait3A_205 = tpu.memref_slice %arg3[%add3A_4, %dma_wait3A_204] : memref<4096x3072xf32, #tpu.memory_space<hbm>> -> memref<64x3072xf32, #tpu.memory_space<hbm>>
      %dma_wait3A_206 = arith.constant 0 : i32
      %dma_wait3A_207 = arith.constant 0 : i32
      %dma_wait3A_208 = tpu.memref_slice %arg6[%dma_wait3A_203, %dma_wait3A_206, %dma_wait3A_207] : memref<2x64x3072xf32, #tpu.memory_space<vmem_shared>> -> memref<1x64x3072xf32, #tpu.memory_space<vmem_shared>>
      %dma_wait3A_209 = tpu.memref_squeeze %dma_wait3A_208 : memref<1x64x3072xf32, #tpu.memory_space<vmem_shared>> -> memref<64x3072xf32, #tpu.memory_space<vmem_shared>>
      tpu.wait_dma2 semaphore(%run_scoped3A_2 : memref<!tpu.dma_semaphore, #tpu.memory_space<semaphore_mem>>) src(%dma_wait3A_209 : memref<64x3072xf32, #tpu.memory_space<vmem_shared>>) dst(%dma_wait3A_205 : memref<64x3072xf32, #tpu.memory_space<hbm>>)
      tpu.yield
    }) : () -> ()
    return
  }
  func.func @tec_fn(%arg0: i32, %arg1: i32, %arg2: memref<4096xi32, #tpu.memory_space<hbm>>, %arg3: memref<100000x3072xf32, #tpu.memory_space<hbm>>, %arg4: memref<4096x3072xf32, #tpu.memory_space<hbm>>, %arg5: memref<96xi32, #tpu.memory_space<vmem>>, %arg6: memref<2x16x3072xf32, #tpu.memory_space<vmem>>, %arg7: memref<2x64x3072xf32, #tpu.memory_space<vmem_shared>>) attributes {dimension_semantics = [#tpu.dimension_semantics<core_parallel>, #tpu.dimension_semantics<subcore_parallel>], iteration_bounds = array<i64: 2, 16>, scalar_prefetch = 0 : i64, scratch_operands = 3 : i64, tpu.core_type = #tpu.core_type<sc_vector_subcore>, window_params = [{transform_indices = #map2}, {transform_indices = #map3}, {transform_indices = #map3}]} {
    "tpu.region"() ({
      %run_scoped3A = tpu.sem_alloc : memref<!tpu.dma_semaphore, #tpu.memory_space<semaphore_mem>>
      %run_scoped3A_0 = tpu.sem_alloc : memref<!tpu.dma_semaphore, #tpu.memory_space<semaphore_mem>>
      %run_scoped3A_1 = tpu.sem_alloc : memref<!tpu.dma_semaphore, #tpu.memory_space<semaphore_mem>>
      %run_scoped3A_2 = tpu.sem_alloc : memref<!tpu.dma_semaphore, #tpu.memory_space<semaphore_mem>>
      %mul3A = arith.constant 2 : i32
      %mul3A_3 = arith.muli %arg1, %mul3A : i32
      %add3A = arith.addi %mul3A_3, %arg0 : i32
      %mul3A_4 = arith.constant 96 : i32
      %mul3A_5 = arith.muli %add3A, %mul3A_4 : i32
      "tpu.region"() ({
        %run_scoped3A_292 = tpu.sem_alloc : memref<!tpu.dma_semaphore, #tpu.memory_space<semaphore_mem>>
        %dma_start3A_293 = tpu.memref_slice %arg2[%mul3A_5] : memref<4096xi32, #tpu.memory_space<hbm>> -> memref<96xi32, #tpu.memory_space<hbm>>
        %dma_start3A_294 = tpu.memref_slice %arg2[%mul3A_5] : memref<4096xi32, #tpu.memory_space<hbm>> -> memref<96xi32, #tpu.memory_space<hbm>>
        tpu.enqueue_dma source(%dma_start3A_294 : memref<96xi32, #tpu.memory_space<hbm>>) target(%arg5 : memref<96xi32, #tpu.memory_space<vmem>>) target_semaphore(%run_scoped3A_292 : memref<!tpu.dma_semaphore, #tpu.memory_space<semaphore_mem>>)
        %dma_wait3A_295 = tpu.memref_slice %arg2[%mul3A_5] : memref<4096xi32, #tpu.memory_space<hbm>> -> memref<96xi32, #tpu.memory_space<hbm>>
        %dma_wait3A_296 = tpu.memref_slice %arg2[%mul3A_5] : memref<4096xi32, #tpu.memory_space<hbm>> -> memref<96xi32, #tpu.memory_space<hbm>>
        tpu.wait_dma2 semaphore(%run_scoped3A_292 : memref<!tpu.dma_semaphore, #tpu.memory_space<semaphore_mem>>) src(%dma_wait3A_296 : memref<96xi32, #tpu.memory_space<hbm>>) dst(%arg5 : memref<96xi32, #tpu.memory_space<vmem>>)
        tpu.yield
      }) : () -> ()
      %dma_start3A = arith.constant 0 : i32
      %dma_start3A_6 = arith.constant 0 : i32
      %dma_start3A_7 = arith.constant 0 : i32
      %dma_start3A_8 = tpu.memref_slice %arg6[%dma_start3A, %dma_start3A_6, %dma_start3A_7] : memref<2x16x3072xf32, #tpu.memory_space<vmem>> -> memref<1x16x3072xf32, #tpu.memory_space<vmem>>
      %dma_start3A_9 = tpu.memref_squeeze %dma_start3A_8 : memref<1x16x3072xf32, #tpu.memory_space<vmem>> -> memref<16x3072xf32, #tpu.memory_space<vmem>>
      %dma_start3A_10 = arith.constant 0 : i32
      %dma_start3A_11 = tpu.memref_slice %arg5[%dma_start3A_10] : memref<96xi32, #tpu.memory_space<vmem>> -> memref<16xi32, #tpu.memory_space<vmem>>
      %dma_start3A_12 = arith.constant 0 : i32
      %dma_start3A_13 = arith.constant 0 : i32
      %dma_start3A_14 = tpu.memref_slice %arg3[%dma_start3A_12, %dma_start3A_13] : memref<100000x3072xf32, #tpu.memory_space<hbm>> -> memref<100000x3072xf32, #tpu.memory_space<hbm>>
      tpu.enqueue_indirect_dma source(%dma_start3A_14 : memref<100000x3072xf32, #tpu.memory_space<hbm>>) target(%dma_start3A_9 : memref<16x3072xf32, #tpu.memory_space<vmem>>) offsets(%dma_start3A_11 : memref<16xi32, #tpu.memory_space<vmem>>) semaphore(%run_scoped3A : memref<!tpu.dma_semaphore, #tpu.memory_space<semaphore_mem>>)
      %dma_start3A_15 = arith.constant 1 : i32
      %dma_start3A_16 = arith.constant 0 : i32
      %dma_start3A_17 = arith.constant 0 : i32
      %dma_start3A_18 = tpu.memref_slice %arg6[%dma_start3A_15, %dma_start3A_16, %dma_start3A_17] : memref<2x16x3072xf32, #tpu.memory_space<vmem>> -> memref<1x16x3072xf32, #tpu.memory_space<vmem>>
      %dma_start3A_19 = tpu.memref_squeeze %dma_start3A_18 : memref<1x16x3072xf32, #tpu.memory_space<vmem>> -> memref<16x3072xf32, #tpu.memory_space<vmem>>
      %dma_start3A_20 = arith.constant 16 : i32
      %dma_start3A_21 = tpu.memref_slice %arg5[%dma_start3A_20] : memref<96xi32, #tpu.memory_space<vmem>> -> memref<16xi32, #tpu.memory_space<vmem>>
      %dma_start3A_22 = arith.constant 0 : i32
      %dma_start3A_23 = arith.constant 0 : i32
      %dma_start3A_24 = tpu.memref_slice %arg3[%dma_start3A_22, %dma_start3A_23] : memref<100000x3072xf32, #tpu.memory_space<hbm>> -> memref<100000x3072xf32, #tpu.memory_space<hbm>>
      tpu.enqueue_indirect_dma source(%dma_start3A_24 : memref<100000x3072xf32, #tpu.memory_space<hbm>>) target(%dma_start3A_19 : memref<16x3072xf32, #tpu.memory_space<vmem>>) offsets(%dma_start3A_21 : memref<16xi32, #tpu.memory_space<vmem>>) semaphore(%run_scoped3A_0 : memref<!tpu.dma_semaphore, #tpu.memory_space<semaphore_mem>>)
      %dma_wait3A = arith.constant 0 : i32
      %dma_wait3A_25 = arith.constant 0 : i32
      %dma_wait3A_26 = arith.constant 0 : i32
      %dma_wait3A_27 = tpu.memref_slice %arg6[%dma_wait3A, %dma_wait3A_25, %dma_wait3A_26] : memref<2x16x3072xf32, #tpu.memory_space<vmem>> -> memref<1x16x3072xf32, #tpu.memory_space<vmem>>
      %dma_wait3A_28 = tpu.memref_squeeze %dma_wait3A_27 : memref<1x16x3072xf32, #tpu.memory_space<vmem>> -> memref<16x3072xf32, #tpu.memory_space<vmem>>
      %dma_wait3A_29 = arith.constant 0 : i32
      %dma_wait3A_30 = tpu.memref_slice %arg5[%dma_wait3A_29] : memref<96xi32, #tpu.memory_space<vmem>> -> memref<16xi32, #tpu.memory_space<vmem>>
      %dma_wait3A_31 = arith.constant 0 : i32
      %dma_wait3A_32 = arith.constant 0 : i32
      %dma_wait3A_33 = tpu.memref_slice %arg3[%dma_wait3A_31, %dma_wait3A_32] : memref<100000x3072xf32, #tpu.memory_space<hbm>> -> memref<100000x3072xf32, #tpu.memory_space<hbm>>
      tpu.wait_indirect_dma semaphore(%run_scoped3A : memref<!tpu.dma_semaphore, #tpu.memory_space<semaphore_mem>>) src(%dma_wait3A_33 : memref<100000x3072xf32, #tpu.memory_space<hbm>>) dst(%dma_wait3A_28 : memref<16x3072xf32, #tpu.memory_space<vmem>>)
      %add3A_34 = arith.constant 0 : i32
      %add3A_35 = arith.addi %mul3A_5, %add3A_34 : i32
      %dma_start3A_36 = arith.constant 0 : i32
      %dma_start3A_37 = arith.constant 0 : i32
      %dma_start3A_38 = arith.constant 0 : i32
      %dma_start3A_39 = tpu.memref_slice %arg6[%dma_start3A_36, %dma_start3A_37, %dma_start3A_38] : memref<2x16x3072xf32, #tpu.memory_space<vmem>> -> memref<1x16x3072xf32, #tpu.memory_space<vmem>>
      %dma_start3A_40 = tpu.memref_squeeze %dma_start3A_39 : memref<1x16x3072xf32, #tpu.memory_space<vmem>> -> memref<16x3072xf32, #tpu.memory_space<vmem>>
      %dma_start3A_41 = arith.constant 0 : i32
      %dma_start3A_42 = tpu.memref_slice %arg4[%add3A_35, %dma_start3A_41] : memref<4096x3072xf32, #tpu.memory_space<hbm>> -> memref<16x3072xf32, #tpu.memory_space<hbm>>
      %dma_start3A_43 = arith.constant 0 : i32
      %dma_start3A_44 = tpu.memref_slice %arg4[%add3A_35, %dma_start3A_43] : memref<4096x3072xf32, #tpu.memory_space<hbm>> -> memref<16x3072xf32, #tpu.memory_space<hbm>>
      %dma_start3A_45 = arith.constant 0 : i32
      %dma_start3A_46 = arith.constant 0 : i32
      %dma_start3A_47 = tpu.memref_slice %arg6[%dma_start3A_36, %dma_start3A_45, %dma_start3A_46] : memref<2x16x3072xf32, #tpu.memory_space<vmem>> -> memref<1x16x3072xf32, #tpu.memory_space<vmem>>
      %dma_start3A_48 = tpu.memref_squeeze %dma_start3A_47 : memref<1x16x3072xf32, #tpu.memory_space<vmem>> -> memref<16x3072xf32, #tpu.memory_space<vmem>>
      tpu.enqueue_dma source(%dma_start3A_48 : memref<16x3072xf32, #tpu.memory_space<vmem>>) target(%dma_start3A_44 : memref<16x3072xf32, #tpu.memory_space<hbm>>) target_semaphore(%run_scoped3A_1 : memref<!tpu.dma_semaphore, #tpu.memory_space<semaphore_mem>>)
      %dma_wait3A_49 = arith.constant 0 : i32
      %dma_wait3A_50 = arith.constant 0 : i32
      %dma_wait3A_51 = arith.constant 0 : i32
      %dma_wait3A_52 = tpu.memref_slice %arg6[%dma_wait3A_49, %dma_wait3A_50, %dma_wait3A_51] : memref<2x16x3072xf32, #tpu.memory_space<vmem>> -> memref<1x16x3072xf32, #tpu.memory_space<vmem>>
      %dma_wait3A_53 = tpu.memref_squeeze %dma_wait3A_52 : memref<1x16x3072xf32, #tpu.memory_space<vmem>> -> memref<16x3072xf32, #tpu.memory_space<vmem>>
      %dma_wait3A_54 = arith.constant 0 : i32
      %dma_wait3A_55 = tpu.memref_slice %arg4[%add3A_35, %dma_wait3A_54] : memref<4096x3072xf32, #tpu.memory_space<hbm>> -> memref<16x3072xf32, #tpu.memory_space<hbm>>
      %dma_wait3A_56 = arith.constant 0 : i32
      %dma_wait3A_57 = tpu.memref_slice %arg4[%add3A_35, %dma_wait3A_56] : memref<4096x3072xf32, #tpu.memory_space<hbm>> -> memref<16x3072xf32, #tpu.memory_space<hbm>>
      %dma_wait3A_58 = arith.constant 0 : i32
      %dma_wait3A_59 = arith.constant 0 : i32
      %dma_wait3A_60 = tpu.memref_slice %arg6[%dma_wait3A_49, %dma_wait3A_58, %dma_wait3A_59] : memref<2x16x3072xf32, #tpu.memory_space<vmem>> -> memref<1x16x3072xf32, #tpu.memory_space<vmem>>
      %dma_wait3A_61 = tpu.memref_squeeze %dma_wait3A_60 : memref<1x16x3072xf32, #tpu.memory_space<vmem>> -> memref<16x3072xf32, #tpu.memory_space<vmem>>
      tpu.wait_dma2 semaphore(%run_scoped3A_1 : memref<!tpu.dma_semaphore, #tpu.memory_space<semaphore_mem>>) src(%dma_wait3A_61 : memref<16x3072xf32, #tpu.memory_space<vmem>>) dst(%dma_wait3A_57 : memref<16x3072xf32, #tpu.memory_space<hbm>>)
      %dma_start3A_62 = arith.constant 0 : i32
      %dma_start3A_63 = arith.constant 0 : i32
      %dma_start3A_64 = arith.constant 0 : i32
      %dma_start3A_65 = tpu.memref_slice %arg6[%dma_start3A_62, %dma_start3A_63, %dma_start3A_64] : memref<2x16x3072xf32, #tpu.memory_space<vmem>> -> memref<1x16x3072xf32, #tpu.memory_space<vmem>>
      %dma_start3A_66 = tpu.memref_squeeze %dma_start3A_65 : memref<1x16x3072xf32, #tpu.memory_space<vmem>> -> memref<16x3072xf32, #tpu.memory_space<vmem>>
      %dma_start3A_67 = arith.constant 32 : i32
      %dma_start3A_68 = tpu.memref_slice %arg5[%dma_start3A_67] : memref<96xi32, #tpu.memory_space<vmem>> -> memref<16xi32, #tpu.memory_space<vmem>>
      %dma_start3A_69 = arith.constant 0 : i32
      %dma_start3A_70 = arith.constant 0 : i32
      %dma_start3A_71 = tpu.memref_slice %arg3[%dma_start3A_69, %dma_start3A_70] : memref<100000x3072xf32, #tpu.memory_space<hbm>> -> memref<100000x3072xf32, #tpu.memory_space<hbm>>
      tpu.enqueue_indirect_dma source(%dma_start3A_71 : memref<100000x3072xf32, #tpu.memory_space<hbm>>) target(%dma_start3A_66 : memref<16x3072xf32, #tpu.memory_space<vmem>>) offsets(%dma_start3A_68 : memref<16xi32, #tpu.memory_space<vmem>>) semaphore(%run_scoped3A : memref<!tpu.dma_semaphore, #tpu.memory_space<semaphore_mem>>)
      %dma_wait3A_72 = arith.constant 1 : i32
      %dma_wait3A_73 = arith.constant 0 : i32
      %dma_wait3A_74 = arith.constant 0 : i32
      %dma_wait3A_75 = tpu.memref_slice %arg6[%dma_wait3A_72, %dma_wait3A_73, %dma_wait3A_74] : memref<2x16x3072xf32, #tpu.memory_space<vmem>> -> memref<1x16x3072xf32, #tpu.memory_space<vmem>>
      %dma_wait3A_76 = tpu.memref_squeeze %dma_wait3A_75 : memref<1x16x3072xf32, #tpu.memory_space<vmem>> -> memref<16x3072xf32, #tpu.memory_space<vmem>>
      %dma_wait3A_77 = arith.constant 16 : i32
      %dma_wait3A_78 = tpu.memref_slice %arg5[%dma_wait3A_77] : memref<96xi32, #tpu.memory_space<vmem>> -> memref<16xi32, #tpu.memory_space<vmem>>
      %dma_wait3A_79 = arith.constant 0 : i32
      %dma_wait3A_80 = arith.constant 0 : i32
      %dma_wait3A_81 = tpu.memref_slice %arg3[%dma_wait3A_79, %dma_wait3A_80] : memref<100000x3072xf32, #tpu.memory_space<hbm>> -> memref<100000x3072xf32, #tpu.memory_space<hbm>>
      tpu.wait_indirect_dma semaphore(%run_scoped3A_0 : memref<!tpu.dma_semaphore, #tpu.memory_space<semaphore_mem>>) src(%dma_wait3A_81 : memref<100000x3072xf32, #tpu.memory_space<hbm>>) dst(%dma_wait3A_76 : memref<16x3072xf32, #tpu.memory_space<vmem>>)
      %add3A_82 = arith.constant 16 : i32
      %add3A_83 = arith.addi %mul3A_5, %add3A_82 : i32
      %dma_start3A_84 = arith.constant 1 : i32
      %dma_start3A_85 = arith.constant 0 : i32
      %dma_start3A_86 = arith.constant 0 : i32
      %dma_start3A_87 = tpu.memref_slice %arg6[%dma_start3A_84, %dma_start3A_85, %dma_start3A_86] : memref<2x16x3072xf32, #tpu.memory_space<vmem>> -> memref<1x16x3072xf32, #tpu.memory_space<vmem>>
      %dma_start3A_88 = tpu.memref_squeeze %dma_start3A_87 : memref<1x16x3072xf32, #tpu.memory_space<vmem>> -> memref<16x3072xf32, #tpu.memory_space<vmem>>
      %dma_start3A_89 = arith.constant 0 : i32
      %dma_start3A_90 = tpu.memref_slice %arg4[%add3A_83, %dma_start3A_89] : memref<4096x3072xf32, #tpu.memory_space<hbm>> -> memref<16x3072xf32, #tpu.memory_space<hbm>>
      %dma_start3A_91 = arith.constant 0 : i32
      %dma_start3A_92 = tpu.memref_slice %arg4[%add3A_83, %dma_start3A_91] : memref<4096x3072xf32, #tpu.memory_space<hbm>> -> memref<16x3072xf32, #tpu.memory_space<hbm>>
      %dma_start3A_93 = arith.constant 0 : i32
      %dma_start3A_94 = arith.constant 0 : i32
      %dma_start3A_95 = tpu.memref_slice %arg6[%dma_start3A_84, %dma_start3A_93, %dma_start3A_94] : memref<2x16x3072xf32, #tpu.memory_space<vmem>> -> memref<1x16x3072xf32, #tpu.memory_space<vmem>>
      %dma_start3A_96 = tpu.memref_squeeze %dma_start3A_95 : memref<1x16x3072xf32, #tpu.memory_space<vmem>> -> memref<16x3072xf32, #tpu.memory_space<vmem>>
      tpu.enqueue_dma source(%dma_start3A_96 : memref<16x3072xf32, #tpu.memory_space<vmem>>) target(%dma_start3A_92 : memref<16x3072xf32, #tpu.memory_space<hbm>>) target_semaphore(%run_scoped3A_2 : memref<!tpu.dma_semaphore, #tpu.memory_space<semaphore_mem>>)
      %dma_wait3A_97 = arith.constant 1 : i32
      %dma_wait3A_98 = arith.constant 0 : i32
      %dma_wait3A_99 = arith.constant 0 : i32
      %dma_wait3A_100 = tpu.memref_slice %arg6[%dma_wait3A_97, %dma_wait3A_98, %dma_wait3A_99] : memref<2x16x3072xf32, #tpu.memory_space<vmem>> -> memref<1x16x3072xf32, #tpu.memory_space<vmem>>
      %dma_wait3A_101 = tpu.memref_squeeze %dma_wait3A_100 : memref<1x16x3072xf32, #tpu.memory_space<vmem>> -> memref<16x3072xf32, #tpu.memory_space<vmem>>
      %dma_wait3A_102 = arith.constant 0 : i32
      %dma_wait3A_103 = tpu.memref_slice %arg4[%add3A_83, %dma_wait3A_102] : memref<4096x3072xf32, #tpu.memory_space<hbm>> -> memref<16x3072xf32, #tpu.memory_space<hbm>>
      %dma_wait3A_104 = arith.constant 0 : i32
      %dma_wait3A_105 = tpu.memref_slice %arg4[%add3A_83, %dma_wait3A_104] : memref<4096x3072xf32, #tpu.memory_space<hbm>> -> memref<16x3072xf32, #tpu.memory_space<hbm>>
      %dma_wait3A_106 = arith.constant 0 : i32
      %dma_wait3A_107 = arith.constant 0 : i32
      %dma_wait3A_108 = tpu.memref_slice %arg6[%dma_wait3A_97, %dma_wait3A_106, %dma_wait3A_107] : memref<2x16x3072xf32, #tpu.memory_space<vmem>> -> memref<1x16x3072xf32, #tpu.memory_space<vmem>>
      %dma_wait3A_109 = tpu.memref_squeeze %dma_wait3A_108 : memref<1x16x3072xf32, #tpu.memory_space<vmem>> -> memref<16x3072xf32, #tpu.memory_space<vmem>>
      tpu.wait_dma2 semaphore(%run_scoped3A_2 : memref<!tpu.dma_semaphore, #tpu.memory_space<semaphore_mem>>) src(%dma_wait3A_109 : memref<16x3072xf32, #tpu.memory_space<vmem>>) dst(%dma_wait3A_105 : memref<16x3072xf32, #tpu.memory_space<hbm>>)
      %dma_start3A_110 = arith.constant 1 : i32
      %dma_start3A_111 = arith.constant 0 : i32
      %dma_start3A_112 = arith.constant 0 : i32
      %dma_start3A_113 = tpu.memref_slice %arg6[%dma_start3A_110, %dma_start3A_111, %dma_start3A_112] : memref<2x16x3072xf32, #tpu.memory_space<vmem>> -> memref<1x16x3072xf32, #tpu.memory_space<vmem>>
      %dma_start3A_114 = tpu.memref_squeeze %dma_start3A_113 : memref<1x16x3072xf32, #tpu.memory_space<vmem>> -> memref<16x3072xf32, #tpu.memory_space<vmem>>
      %dma_start3A_115 = arith.constant 48 : i32
      %dma_start3A_116 = tpu.memref_slice %arg5[%dma_start3A_115] : memref<96xi32, #tpu.memory_space<vmem>> -> memref<16xi32, #tpu.memory_space<vmem>>
      %dma_start3A_117 = arith.constant 0 : i32
      %dma_start3A_118 = arith.constant 0 : i32
      %dma_start3A_119 = tpu.memref_slice %arg3[%dma_start3A_117, %dma_start3A_118] : memref<100000x3072xf32, #tpu.memory_space<hbm>> -> memref<100000x3072xf32, #tpu.memory_space<hbm>>
      tpu.enqueue_indirect_dma source(%dma_start3A_119 : memref<100000x3072xf32, #tpu.memory_space<hbm>>) target(%dma_start3A_114 : memref<16x3072xf32, #tpu.memory_space<vmem>>) offsets(%dma_start3A_116 : memref<16xi32, #tpu.memory_space<vmem>>) semaphore(%run_scoped3A_0 : memref<!tpu.dma_semaphore, #tpu.memory_space<semaphore_mem>>)
      %dma_wait3A_120 = arith.constant 0 : i32
      %dma_wait3A_121 = arith.constant 0 : i32
      %dma_wait3A_122 = arith.constant 0 : i32
      %dma_wait3A_123 = tpu.memref_slice %arg6[%dma_wait3A_120, %dma_wait3A_121, %dma_wait3A_122] : memref<2x16x3072xf32, #tpu.memory_space<vmem>> -> memref<1x16x3072xf32, #tpu.memory_space<vmem>>
      %dma_wait3A_124 = tpu.memref_squeeze %dma_wait3A_123 : memref<1x16x3072xf32, #tpu.memory_space<vmem>> -> memref<16x3072xf32, #tpu.memory_space<vmem>>
      %dma_wait3A_125 = arith.constant 32 : i32
      %dma_wait3A_126 = tpu.memref_slice %arg5[%dma_wait3A_125] : memref<96xi32, #tpu.memory_space<vmem>> -> memref<16xi32, #tpu.memory_space<vmem>>
      %dma_wait3A_127 = arith.constant 0 : i32
      %dma_wait3A_128 = arith.constant 0 : i32
      %dma_wait3A_129 = tpu.memref_slice %arg3[%dma_wait3A_127, %dma_wait3A_128] : memref<100000x3072xf32, #tpu.memory_space<hbm>> -> memref<100000x3072xf32, #tpu.memory_space<hbm>>
      tpu.wait_indirect_dma semaphore(%run_scoped3A : memref<!tpu.dma_semaphore, #tpu.memory_space<semaphore_mem>>) src(%dma_wait3A_129 : memref<100000x3072xf32, #tpu.memory_space<hbm>>) dst(%dma_wait3A_124 : memref<16x3072xf32, #tpu.memory_space<vmem>>)
      %add3A_130 = arith.constant 32 : i32
      %add3A_131 = arith.addi %mul3A_5, %add3A_130 : i32
      %dma_start3A_132 = arith.constant 0 : i32
      %dma_start3A_133 = arith.constant 0 : i32
      %dma_start3A_134 = arith.constant 0 : i32
      %dma_start3A_135 = tpu.memref_slice %arg6[%dma_start3A_132, %dma_start3A_133, %dma_start3A_134] : memref<2x16x3072xf32, #tpu.memory_space<vmem>> -> memref<1x16x3072xf32, #tpu.memory_space<vmem>>
      %dma_start3A_136 = tpu.memref_squeeze %dma_start3A_135 : memref<1x16x3072xf32, #tpu.memory_space<vmem>> -> memref<16x3072xf32, #tpu.memory_space<vmem>>
      %dma_start3A_137 = arith.constant 0 : i32
      %dma_start3A_138 = tpu.memref_slice %arg4[%add3A_131, %dma_start3A_137] : memref<4096x3072xf32, #tpu.memory_space<hbm>> -> memref<16x3072xf32, #tpu.memory_space<hbm>>
      %dma_start3A_139 = arith.constant 0 : i32
      %dma_start3A_140 = tpu.memref_slice %arg4[%add3A_131, %dma_start3A_139] : memref<4096x3072xf32, #tpu.memory_space<hbm>> -> memref<16x3072xf32, #tpu.memory_space<hbm>>
      %dma_start3A_141 = arith.constant 0 : i32
      %dma_start3A_142 = arith.constant 0 : i32
      %dma_start3A_143 = tpu.memref_slice %arg6[%dma_start3A_132, %dma_start3A_141, %dma_start3A_142] : memref<2x16x3072xf32, #tpu.memory_space<vmem>> -> memref<1x16x3072xf32, #tpu.memory_space<vmem>>
      %dma_start3A_144 = tpu.memref_squeeze %dma_start3A_143 : memref<1x16x3072xf32, #tpu.memory_space<vmem>> -> memref<16x3072xf32, #tpu.memory_space<vmem>>
      tpu.enqueue_dma source(%dma_start3A_144 : memref<16x3072xf32, #tpu.memory_space<vmem>>) target(%dma_start3A_140 : memref<16x3072xf32, #tpu.memory_space<hbm>>) target_semaphore(%run_scoped3A_1 : memref<!tpu.dma_semaphore, #tpu.memory_space<semaphore_mem>>)
      %dma_wait3A_145 = arith.constant 0 : i32
      %dma_wait3A_146 = arith.constant 0 : i32
      %dma_wait3A_147 = arith.constant 0 : i32
      %dma_wait3A_148 = tpu.memref_slice %arg6[%dma_wait3A_145, %dma_wait3A_146, %dma_wait3A_147] : memref<2x16x3072xf32, #tpu.memory_space<vmem>> -> memref<1x16x3072xf32, #tpu.memory_space<vmem>>
      %dma_wait3A_149 = tpu.memref_squeeze %dma_wait3A_148 : memref<1x16x3072xf32, #tpu.memory_space<vmem>> -> memref<16x3072xf32, #tpu.memory_space<vmem>>
      %dma_wait3A_150 = arith.constant 0 : i32
      %dma_wait3A_151 = tpu.memref_slice %arg4[%add3A_131, %dma_wait3A_150] : memref<4096x3072xf32, #tpu.memory_space<hbm>> -> memref<16x3072xf32, #tpu.memory_space<hbm>>
      %dma_wait3A_152 = arith.constant 0 : i32
      %dma_wait3A_153 = tpu.memref_slice %arg4[%add3A_131, %dma_wait3A_152] : memref<4096x3072xf32, #tpu.memory_space<hbm>> -> memref<16x3072xf32, #tpu.memory_space<hbm>>
      %dma_wait3A_154 = arith.constant 0 : i32
      %dma_wait3A_155 = arith.constant 0 : i32
      %dma_wait3A_156 = tpu.memref_slice %arg6[%dma_wait3A_145, %dma_wait3A_154, %dma_wait3A_155] : memref<2x16x3072xf32, #tpu.memory_space<vmem>> -> memref<1x16x3072xf32, #tpu.memory_space<vmem>>
      %dma_wait3A_157 = tpu.memref_squeeze %dma_wait3A_156 : memref<1x16x3072xf32, #tpu.memory_space<vmem>> -> memref<16x3072xf32, #tpu.memory_space<vmem>>
      tpu.wait_dma2 semaphore(%run_scoped3A_1 : memref<!tpu.dma_semaphore, #tpu.memory_space<semaphore_mem>>) src(%dma_wait3A_157 : memref<16x3072xf32, #tpu.memory_space<vmem>>) dst(%dma_wait3A_153 : memref<16x3072xf32, #tpu.memory_space<hbm>>)
      %dma_start3A_158 = arith.constant 0 : i32
      %dma_start3A_159 = arith.constant 0 : i32
      %dma_start3A_160 = arith.constant 0 : i32
      %dma_start3A_161 = tpu.memref_slice %arg6[%dma_start3A_158, %dma_start3A_159, %dma_start3A_160] : memref<2x16x3072xf32, #tpu.memory_space<vmem>> -> memref<1x16x3072xf32, #tpu.memory_space<vmem>>
      %dma_start3A_162 = tpu.memref_squeeze %dma_start3A_161 : memref<1x16x3072xf32, #tpu.memory_space<vmem>> -> memref<16x3072xf32, #tpu.memory_space<vmem>>
      %dma_start3A_163 = arith.constant 64 : i32
      %dma_start3A_164 = tpu.memref_slice %arg5[%dma_start3A_163] : memref<96xi32, #tpu.memory_space<vmem>> -> memref<16xi32, #tpu.memory_space<vmem>>
      %dma_start3A_165 = arith.constant 0 : i32
      %dma_start3A_166 = arith.constant 0 : i32
      %dma_start3A_167 = tpu.memref_slice %arg3[%dma_start3A_165, %dma_start3A_166] : memref<100000x3072xf32, #tpu.memory_space<hbm>> -> memref<100000x3072xf32, #tpu.memory_space<hbm>>
      tpu.enqueue_indirect_dma source(%dma_start3A_167 : memref<100000x3072xf32, #tpu.memory_space<hbm>>) target(%dma_start3A_162 : memref<16x3072xf32, #tpu.memory_space<vmem>>) offsets(%dma_start3A_164 : memref<16xi32, #tpu.memory_space<vmem>>) semaphore(%run_scoped3A : memref<!tpu.dma_semaphore, #tpu.memory_space<semaphore_mem>>)
      %dma_wait3A_168 = arith.constant 1 : i32
      %dma_wait3A_169 = arith.constant 0 : i32
      %dma_wait3A_170 = arith.constant 0 : i32
      %dma_wait3A_171 = tpu.memref_slice %arg6[%dma_wait3A_168, %dma_wait3A_169, %dma_wait3A_170] : memref<2x16x3072xf32, #tpu.memory_space<vmem>> -> memref<1x16x3072xf32, #tpu.memory_space<vmem>>
      %dma_wait3A_172 = tpu.memref_squeeze %dma_wait3A_171 : memref<1x16x3072xf32, #tpu.memory_space<vmem>> -> memref<16x3072xf32, #tpu.memory_space<vmem>>
      %dma_wait3A_173 = arith.constant 48 : i32
      %dma_wait3A_174 = tpu.memref_slice %arg5[%dma_wait3A_173] : memref<96xi32, #tpu.memory_space<vmem>> -> memref<16xi32, #tpu.memory_space<vmem>>
      %dma_wait3A_175 = arith.constant 0 : i32
      %dma_wait3A_176 = arith.constant 0 : i32
      %dma_wait3A_177 = tpu.memref_slice %arg3[%dma_wait3A_175, %dma_wait3A_176] : memref<100000x3072xf32, #tpu.memory_space<hbm>> -> memref<100000x3072xf32, #tpu.memory_space<hbm>>
      tpu.wait_indirect_dma semaphore(%run_scoped3A_0 : memref<!tpu.dma_semaphore, #tpu.memory_space<semaphore_mem>>) src(%dma_wait3A_177 : memref<100000x3072xf32, #tpu.memory_space<hbm>>) dst(%dma_wait3A_172 : memref<16x3072xf32, #tpu.memory_space<vmem>>)
      %add3A_178 = arith.constant 48 : i32
      %add3A_179 = arith.addi %mul3A_5, %add3A_178 : i32
      %dma_start3A_180 = arith.constant 1 : i32
      %dma_start3A_181 = arith.constant 0 : i32
      %dma_start3A_182 = arith.constant 0 : i32
      %dma_start3A_183 = tpu.memref_slice %arg6[%dma_start3A_180, %dma_start3A_181, %dma_start3A_182] : memref<2x16x3072xf32, #tpu.memory_space<vmem>> -> memref<1x16x3072xf32, #tpu.memory_space<vmem>>
      %dma_start3A_184 = tpu.memref_squeeze %dma_start3A_183 : memref<1x16x3072xf32, #tpu.memory_space<vmem>> -> memref<16x3072xf32, #tpu.memory_space<vmem>>
      %dma_start3A_185 = arith.constant 0 : i32
      %dma_start3A_186 = tpu.memref_slice %arg4[%add3A_179, %dma_start3A_185] : memref<4096x3072xf32, #tpu.memory_space<hbm>> -> memref<16x3072xf32, #tpu.memory_space<hbm>>
      %dma_start3A_187 = arith.constant 0 : i32
      %dma_start3A_188 = tpu.memref_slice %arg4[%add3A_179, %dma_start3A_187] : memref<4096x3072xf32, #tpu.memory_space<hbm>> -> memref<16x3072xf32, #tpu.memory_space<hbm>>
      %dma_start3A_189 = arith.constant 0 : i32
      %dma_start3A_190 = arith.constant 0 : i32
      %dma_start3A_191 = tpu.memref_slice %arg6[%dma_start3A_180, %dma_start3A_189, %dma_start3A_190] : memref<2x16x3072xf32, #tpu.memory_space<vmem>> -> memref<1x16x3072xf32, #tpu.memory_space<vmem>>
      %dma_start3A_192 = tpu.memref_squeeze %dma_start3A_191 : memref<1x16x3072xf32, #tpu.memory_space<vmem>> -> memref<16x3072xf32, #tpu.memory_space<vmem>>
      tpu.enqueue_dma source(%dma_start3A_192 : memref<16x3072xf32, #tpu.memory_space<vmem>>) target(%dma_start3A_188 : memref<16x3072xf32, #tpu.memory_space<hbm>>) target_semaphore(%run_scoped3A_2 : memref<!tpu.dma_semaphore, #tpu.memory_space<semaphore_mem>>)
      %dma_wait3A_193 = arith.constant 1 : i32
      %dma_wait3A_194 = arith.constant 0 : i32
      %dma_wait3A_195 = arith.constant 0 : i32
      %dma_wait3A_196 = tpu.memref_slice %arg6[%dma_wait3A_193, %dma_wait3A_194, %dma_wait3A_195] : memref<2x16x3072xf32, #tpu.memory_space<vmem>> -> memref<1x16x3072xf32, #tpu.memory_space<vmem>>
      %dma_wait3A_197 = tpu.memref_squeeze %dma_wait3A_196 : memref<1x16x3072xf32, #tpu.memory_space<vmem>> -> memref<16x3072xf32, #tpu.memory_space<vmem>>
      %dma_wait3A_198 = arith.constant 0 : i32
      %dma_wait3A_199 = tpu.memref_slice %arg4[%add3A_179, %dma_wait3A_198] : memref<4096x3072xf32, #tpu.memory_space<hbm>> -> memref<16x3072xf32, #tpu.memory_space<hbm>>
      %dma_wait3A_200 = arith.constant 0 : i32
      %dma_wait3A_201 = tpu.memref_slice %arg4[%add3A_179, %dma_wait3A_200] : memref<4096x3072xf32, #tpu.memory_space<hbm>> -> memref<16x3072xf32, #tpu.memory_space<hbm>>
      %dma_wait3A_202 = arith.constant 0 : i32
      %dma_wait3A_203 = arith.constant 0 : i32
      %dma_wait3A_204 = tpu.memref_slice %arg6[%dma_wait3A_193, %dma_wait3A_202, %dma_wait3A_203] : memref<2x16x3072xf32, #tpu.memory_space<vmem>> -> memref<1x16x3072xf32, #tpu.memory_space<vmem>>
      %dma_wait3A_205 = tpu.memref_squeeze %dma_wait3A_204 : memref<1x16x3072xf32, #tpu.memory_space<vmem>> -> memref<16x3072xf32, #tpu.memory_space<vmem>>
      tpu.wait_dma2 semaphore(%run_scoped3A_2 : memref<!tpu.dma_semaphore, #tpu.memory_space<semaphore_mem>>) src(%dma_wait3A_205 : memref<16x3072xf32, #tpu.memory_space<vmem>>) dst(%dma_wait3A_201 : memref<16x3072xf32, #tpu.memory_space<hbm>>)
      %dma_start3A_206 = arith.constant 1 : i32
      %dma_start3A_207 = arith.constant 0 : i32
      %dma_start3A_208 = arith.constant 0 : i32
      %dma_start3A_209 = tpu.memref_slice %arg6[%dma_start3A_206, %dma_start3A_207, %dma_start3A_208] : memref<2x16x3072xf32, #tpu.memory_space<vmem>> -> memref<1x16x3072xf32, #tpu.memory_space<vmem>>
      %dma_start3A_210 = tpu.memref_squeeze %dma_start3A_209 : memref<1x16x3072xf32, #tpu.memory_space<vmem>> -> memref<16x3072xf32, #tpu.memory_space<vmem>>
      %dma_start3A_211 = arith.constant 80 : i32
      %dma_start3A_212 = tpu.memref_slice %arg5[%dma_start3A_211] : memref<96xi32, #tpu.memory_space<vmem>> -> memref<16xi32, #tpu.memory_space<vmem>>
      %dma_start3A_213 = arith.constant 0 : i32
      %dma_start3A_214 = arith.constant 0 : i32
      %dma_start3A_215 = tpu.memref_slice %arg3[%dma_start3A_213, %dma_start3A_214] : memref<100000x3072xf32, #tpu.memory_space<hbm>> -> memref<100000x3072xf32, #tpu.memory_space<hbm>>
      tpu.enqueue_indirect_dma source(%dma_start3A_215 : memref<100000x3072xf32, #tpu.memory_space<hbm>>) target(%dma_start3A_210 : memref<16x3072xf32, #tpu.memory_space<vmem>>) offsets(%dma_start3A_212 : memref<16xi32, #tpu.memory_space<vmem>>) semaphore(%run_scoped3A_0 : memref<!tpu.dma_semaphore, #tpu.memory_space<semaphore_mem>>)
      %dma_wait3A_216 = arith.constant 0 : i32
      %dma_wait3A_217 = arith.constant 0 : i32
      %dma_wait3A_218 = arith.constant 0 : i32
      %dma_wait3A_219 = tpu.memref_slice %arg6[%dma_wait3A_216, %dma_wait3A_217, %dma_wait3A_218] : memref<2x16x3072xf32, #tpu.memory_space<vmem>> -> memref<1x16x3072xf32, #tpu.memory_space<vmem>>
      %dma_wait3A_220 = tpu.memref_squeeze %dma_wait3A_219 : memref<1x16x3072xf32, #tpu.memory_space<vmem>> -> memref<16x3072xf32, #tpu.memory_space<vmem>>
      %dma_wait3A_221 = arith.constant 64 : i32
      %dma_wait3A_222 = tpu.memref_slice %arg5[%dma_wait3A_221] : memref<96xi32, #tpu.memory_space<vmem>> -> memref<16xi32, #tpu.memory_space<vmem>>
      %dma_wait3A_223 = arith.constant 0 : i32
      %dma_wait3A_224 = arith.constant 0 : i32
      %dma_wait3A_225 = tpu.memref_slice %arg3[%dma_wait3A_223, %dma_wait3A_224] : memref<100000x3072xf32, #tpu.memory_space<hbm>> -> memref<100000x3072xf32, #tpu.memory_space<hbm>>
      tpu.wait_indirect_dma semaphore(%run_scoped3A : memref<!tpu.dma_semaphore, #tpu.memory_space<semaphore_mem>>) src(%dma_wait3A_225 : memref<100000x3072xf32, #tpu.memory_space<hbm>>) dst(%dma_wait3A_220 : memref<16x3072xf32, #tpu.memory_space<vmem>>)
      %add3A_226 = arith.constant 64 : i32
      %add3A_227 = arith.addi %mul3A_5, %add3A_226 : i32
      %dma_start3A_228 = arith.constant 0 : i32
      %dma_start3A_229 = arith.constant 0 : i32
      %dma_start3A_230 = arith.constant 0 : i32
      %dma_start3A_231 = tpu.memref_slice %arg6[%dma_start3A_228, %dma_start3A_229, %dma_start3A_230] : memref<2x16x3072xf32, #tpu.memory_space<vmem>> -> memref<1x16x3072xf32, #tpu.memory_space<vmem>>
      %dma_start3A_232 = tpu.memref_squeeze %dma_start3A_231 : memref<1x16x3072xf32, #tpu.memory_space<vmem>> -> memref<16x3072xf32, #tpu.memory_space<vmem>>
      %dma_start3A_233 = arith.constant 0 : i32
      %dma_start3A_234 = tpu.memref_slice %arg4[%add3A_227, %dma_start3A_233] : memref<4096x3072xf32, #tpu.memory_space<hbm>> -> memref<16x3072xf32, #tpu.memory_space<hbm>>
      %dma_start3A_235 = arith.constant 0 : i32
      %dma_start3A_236 = tpu.memref_slice %arg4[%add3A_227, %dma_start3A_235] : memref<4096x3072xf32, #tpu.memory_space<hbm>> -> memref<16x3072xf32, #tpu.memory_space<hbm>>
      %dma_start3A_237 = arith.constant 0 : i32
      %dma_start3A_238 = arith.constant 0 : i32
      %dma_start3A_239 = tpu.memref_slice %arg6[%dma_start3A_228, %dma_start3A_237, %dma_start3A_238] : memref<2x16x3072xf32, #tpu.memory_space<vmem>> -> memref<1x16x3072xf32, #tpu.memory_space<vmem>>
      %dma_start3A_240 = tpu.memref_squeeze %dma_start3A_239 : memref<1x16x3072xf32, #tpu.memory_space<vmem>> -> memref<16x3072xf32, #tpu.memory_space<vmem>>
      tpu.enqueue_dma source(%dma_start3A_240 : memref<16x3072xf32, #tpu.memory_space<vmem>>) target(%dma_start3A_236 : memref<16x3072xf32, #tpu.memory_space<hbm>>) target_semaphore(%run_scoped3A_1 : memref<!tpu.dma_semaphore, #tpu.memory_space<semaphore_mem>>)
      %dma_wait3A_241 = arith.constant 1 : i32
      %dma_wait3A_242 = arith.constant 0 : i32
      %dma_wait3A_243 = arith.constant 0 : i32
      %dma_wait3A_244 = tpu.memref_slice %arg6[%dma_wait3A_241, %dma_wait3A_242, %dma_wait3A_243] : memref<2x16x3072xf32, #tpu.memory_space<vmem>> -> memref<1x16x3072xf32, #tpu.memory_space<vmem>>
      %dma_wait3A_245 = tpu.memref_squeeze %dma_wait3A_244 : memref<1x16x3072xf32, #tpu.memory_space<vmem>> -> memref<16x3072xf32, #tpu.memory_space<vmem>>
      %dma_wait3A_246 = arith.constant 80 : i32
      %dma_wait3A_247 = tpu.memref_slice %arg5[%dma_wait3A_246] : memref<96xi32, #tpu.memory_space<vmem>> -> memref<16xi32, #tpu.memory_space<vmem>>
      %dma_wait3A_248 = arith.constant 0 : i32
      %dma_wait3A_249 = arith.constant 0 : i32
      %dma_wait3A_250 = tpu.memref_slice %arg3[%dma_wait3A_248, %dma_wait3A_249] : memref<100000x3072xf32, #tpu.memory_space<hbm>> -> memref<100000x3072xf32, #tpu.memory_space<hbm>>
      tpu.wait_indirect_dma semaphore(%run_scoped3A_0 : memref<!tpu.dma_semaphore, #tpu.memory_space<semaphore_mem>>) src(%dma_wait3A_250 : memref<100000x3072xf32, #tpu.memory_space<hbm>>) dst(%dma_wait3A_245 : memref<16x3072xf32, #tpu.memory_space<vmem>>)
      %add3A_251 = arith.constant 80 : i32
      %add3A_252 = arith.addi %mul3A_5, %add3A_251 : i32
      %dma_start3A_253 = arith.constant 1 : i32
      %dma_start3A_254 = arith.constant 0 : i32
      %dma_start3A_255 = arith.constant 0 : i32
      %dma_start3A_256 = tpu.memref_slice %arg6[%dma_start3A_253, %dma_start3A_254, %dma_start3A_255] : memref<2x16x3072xf32, #tpu.memory_space<vmem>> -> memref<1x16x3072xf32, #tpu.memory_space<vmem>>
      %dma_start3A_257 = tpu.memref_squeeze %dma_start3A_256 : memref<1x16x3072xf32, #tpu.memory_space<vmem>> -> memref<16x3072xf32, #tpu.memory_space<vmem>>
      %dma_start3A_258 = arith.constant 0 : i32
      %dma_start3A_259 = tpu.memref_slice %arg4[%add3A_252, %dma_start3A_258] : memref<4096x3072xf32, #tpu.memory_space<hbm>> -> memref<16x3072xf32, #tpu.memory_space<hbm>>
      %dma_start3A_260 = arith.constant 0 : i32
      %dma_start3A_261 = tpu.memref_slice %arg4[%add3A_252, %dma_start3A_260] : memref<4096x3072xf32, #tpu.memory_space<hbm>> -> memref<16x3072xf32, #tpu.memory_space<hbm>>
      %dma_start3A_262 = arith.constant 0 : i32
      %dma_start3A_263 = arith.constant 0 : i32
      %dma_start3A_264 = tpu.memref_slice %arg6[%dma_start3A_253, %dma_start3A_262, %dma_start3A_263] : memref<2x16x3072xf32, #tpu.memory_space<vmem>> -> memref<1x16x3072xf32, #tpu.memory_space<vmem>>
      %dma_start3A_265 = tpu.memref_squeeze %dma_start3A_264 : memref<1x16x3072xf32, #tpu.memory_space<vmem>> -> memref<16x3072xf32, #tpu.memory_space<vmem>>
      tpu.enqueue_dma source(%dma_start3A_265 : memref<16x3072xf32, #tpu.memory_space<vmem>>) target(%dma_start3A_261 : memref<16x3072xf32, #tpu.memory_space<hbm>>) target_semaphore(%run_scoped3A_2 : memref<!tpu.dma_semaphore, #tpu.memory_space<semaphore_mem>>)
      %dma_wait3A_266 = arith.constant 0 : i32
      %dma_wait3A_267 = arith.constant 0 : i32
      %dma_wait3A_268 = arith.constant 0 : i32
      %dma_wait3A_269 = tpu.memref_slice %arg6[%dma_wait3A_266, %dma_wait3A_267, %dma_wait3A_268] : memref<2x16x3072xf32, #tpu.memory_space<vmem>> -> memref<1x16x3072xf32, #tpu.memory_space<vmem>>
      %dma_wait3A_270 = tpu.memref_squeeze %dma_wait3A_269 : memref<1x16x3072xf32, #tpu.memory_space<vmem>> -> memref<16x3072xf32, #tpu.memory_space<vmem>>
      %dma_wait3A_271 = arith.constant 0 : i32
      %dma_wait3A_272 = tpu.memref_slice %arg4[%add3A_227, %dma_wait3A_271] : memref<4096x3072xf32, #tpu.memory_space<hbm>> -> memref<16x3072xf32, #tpu.memory_space<hbm>>
      %dma_wait3A_273 = arith.constant 0 : i32
      %dma_wait3A_274 = tpu.memref_slice %arg4[%add3A_227, %dma_wait3A_273] : memref<4096x3072xf32, #tpu.memory_space<hbm>> -> memref<16x3072xf32, #tpu.memory_space<hbm>>
      %dma_wait3A_275 = arith.constant 0 : i32
      %dma_wait3A_276 = arith.constant 0 : i32
      %dma_wait3A_277 = tpu.memref_slice %arg6[%dma_wait3A_266, %dma_wait3A_275, %dma_wait3A_276] : memref<2x16x3072xf32, #tpu.memory_space<vmem>> -> memref<1x16x3072xf32, #tpu.memory_space<vmem>>
      %dma_wait3A_278 = tpu.memref_squeeze %dma_wait3A_277 : memref<1x16x3072xf32, #tpu.memory_space<vmem>> -> memref<16x3072xf32, #tpu.memory_space<vmem>>
      tpu.wait_dma2 semaphore(%run_scoped3A_1 : memref<!tpu.dma_semaphore, #tpu.memory_space<semaphore_mem>>) src(%dma_wait3A_278 : memref<16x3072xf32, #tpu.memory_space<vmem>>) dst(%dma_wait3A_274 : memref<16x3072xf32, #tpu.memory_space<hbm>>)
      %dma_wait3A_279 = arith.constant 1 : i32
      %dma_wait3A_280 = arith.constant 0 : i32
      %dma_wait3A_281 = arith.constant 0 : i32
      %dma_wait3A_282 = tpu.memref_slice %arg6[%dma_wait3A_279, %dma_wait3A_280, %dma_wait3A_281] : memref<2x16x3072xf32, #tpu.memory_space<vmem>> -> memref<1x16x3072xf32, #tpu.memory_space<vmem>>
      %dma_wait3A_283 = tpu.memref_squeeze %dma_wait3A_282 : memref<1x16x3072xf32, #tpu.memory_space<vmem>> -> memref<16x3072xf32, #tpu.memory_space<vmem>>
      %dma_wait3A_284 = arith.constant 0 : i32
      %dma_wait3A_285 = tpu.memref_slice %arg4[%add3A_252, %dma_wait3A_284] : memref<4096x3072xf32, #tpu.memory_space<hbm>> -> memref<16x3072xf32, #tpu.memory_space<hbm>>
      %dma_wait3A_286 = arith.constant 0 : i32
      %dma_wait3A_287 = tpu.memref_slice %arg4[%add3A_252, %dma_wait3A_286] : memref<4096x3072xf32, #tpu.memory_space<hbm>> -> memref<16x3072xf32, #tpu.memory_space<hbm>>
      %dma_wait3A_288 = arith.constant 0 : i32
      %dma_wait3A_289 = arith.constant 0 : i32
      %dma_wait3A_290 = tpu.memref_slice %arg6[%dma_wait3A_279, %dma_wait3A_288, %dma_wait3A_289] : memref<2x16x3072xf32, #tpu.memory_space<vmem>> -> memref<1x16x3072xf32, #tpu.memory_space<vmem>>
      %dma_wait3A_291 = tpu.memref_squeeze %dma_wait3A_290 : memref<1x16x3072xf32, #tpu.memory_space<vmem>> -> memref<16x3072xf32, #tpu.memory_space<vmem>>
      tpu.wait_dma2 semaphore(%run_scoped3A_2 : memref<!tpu.dma_semaphore, #tpu.memory_space<semaphore_mem>>) src(%dma_wait3A_291 : memref<16x3072xf32, #tpu.memory_space<vmem>>) dst(%dma_wait3A_287 : memref<16x3072xf32, #tpu.memory_space<hbm>>)
      tpu.yield
    }) : () -> ()
    return
  }
}

</mosaic_0001>

<sc_bundles>
// kernel: kernel.3.cloned.1.call-start
scs
__scs_entry_jumppad:
0x0: {  	(pc) =	sbr.rel $0x88, $3  }
0x1: {  	(tag) =	ssettag $0x0;
	lr =	simm.s32 $0x1  }
0x2: {  	[smem:$0x3F9F] =	sst lr;
	_ =	strace $0xD0000000  }
0x3: {  	_ = 	snop  }
0x4: {  	_ = 	snop  }
0x5: {  	_ = 	snop  }
0x6: {  	_ = 	snop  }
0x7: {  	_ = 	snop  }
__scs_overlays_trampoline_lowered:
0x8: {  	[smem:$0x3FAE] =	sst s0  }
0x9: {  	[smem:$0x3FAF] =	sst s1  }
0xa: {  	[smem:$0x3FB0] =	sst s2  }
0xb: {  	[smem:$0x3FB1] =	sst s3  }
0xc: {  	[smem:$0x3FB2] =	sst s4  }
0xd: {  	[smem:$0x3FB3] =	sst s5  }
0xe: {  	[smem:$0x3FB4] =	sst s6  }
0xf: {  	[smem:$0x3FB5] =	sst s7  }
0x10: {  	[smem:$0x3FB6] =	sst s8  }
0x11: {  	[smem:$0x3FB7] =	sst s9;
	s0 =	simm.s32 @!p0 $0x0  }
0x12: {  	s1 =	sld [smem:$0x3F9D];
	s0 =	simm.s32 @p0 $0x1  }
0x13: {  	[smem:$0x3FB8] =	sst s0;
	s0 =	simm.s32 @!p1 $0x0  }
0x14: {  	s2 =	sld [smem:$0x3F9C];
	s0 =	simm.s32 @p1 $0x1  }
0x15: {  	[smem:$0x3FB9] =	sst s0;
	s0 =	simm.s32 @!p2 $0x0  }
0x16: {  	s3 =	sld [smem:$0x3FDB];
	s0 =	simm.s32 @p2 $0x1  }
0x17: {  	s4 =	simm.s32 $0x1BF5;
	[smem:$0x3FBB] =	sst s0  }
0x18: {  	s0 =	sld [smem:$0x3F9E];
	_ =	swait.ge [sflag:s4], $0x0  }
0x19: {  	s7 =	sld [smem:$0x3F9F]  }
0x1a: {  	s8 =	sadd.s32 $0xFFFFE003, lr  }
0x1b: {  	s9 =	sadd.s32 $0xFFFFFEF7, lr;
	s5 =	simm.s32 $0xFFFFFFFF;
	p2 =	slt.u32 s8, $0xFFFFF086  }
0x1c: {  	p1 =	slt.u32 s9, $0xF7A;
	s5 =	simm.s32 @!p2 $0x0  }
0x1d: {  	s5 =	simm.s32 @p1 $0x1;
	p0 =	seq.s32 s7, s2  }
0x1e: {  	s7 =	smul.u32 @!p0 $0xF7A, s2;
	p2 =	seq.s32 @!p0 s5, $0x0  }
0x1f: {  	s9 =	smul.u32 $0xF7A, s1;
	s8 =	simm.s32 @!p0 $0x1BF5;
	p2 =	por !p2, p0  }
0x20: {  	[sflag:s8] =	ssyncset.s32 @!p0 $0xFFFFF086;
	s6 =	sadd.s32 @!p0 s3, s7;
	s7 =	simm.s32 @!p0 $0x108  }
0x21: {  	s3 =	sadd.s32 s3, s9;
	s6 =	sadd.s32 @!p0 $0x88, s6;
	s7 =	simm.s32 @p2 $0x1082  }
0x22: {  	[simem:s7], [sflag:s8] =	dma.local @!p0 [hbm:s6], $0xF7A  }
0x23: {  	s9 =	sor.u32 $0xD0000000, s2;
	s6 =	simm.s32 $0x108;
	_ =	swait.ge @!p0 [sflag:s8], $0x0  }
0x24: {  	s3 =	sadd.s32 $0x88, s3;
	s6 =	simm.s32 @!p1 $0x1082;
	[sflag:s4] =	ssyncset.s32 $0xFFFFF086  }
0x25: {  	[simem:s6], [sflag:s4] =	dma.local [hbm:s3], $0xF7A  }
0x26: {  	[smem:$0x3F9F] =	sst s1;
	(tag) =	ssettag s2;
	_ =	strace s9  }
0x27: {  	s1 =	sld [smem:$0x3FAF]  }
0x28: {  	s2 =	sld [smem:$0x3FB0]  }
0x29: {  	s4 =	sld [smem:$0x3FB2]  }
0x2a: {  	p0 =	seq.s32 s5, $0x0;
	s5 =	sld [smem:$0x3FB3]  }
0x2b: {  	s6 =	sld [smem:$0x3FB4]  }
0x2c: {  	s7 =	sld [smem:$0x3FB5]  }
0x2d: {  	s3 =	simm.s32 $0x108;
	s8 =	sld [smem:$0x3FB6]  }
0x2e: {  	s3 =	simm.s32 @!p0 $0x1082;
	s9 =	sld [smem:$0x3FB7]  }
0x2f: {  	lr =	sadd.s32 s0, s3;
	s0 =	sld [smem:$0x3FAE]  }
0x30: {  	s3 =	sld [smem:$0x3FB1]  }
0x31: {  	[smem:$0x3FBA] =	sst s10  }
0x32: {  	s10 =	sld [smem:$0x3FB8];
	_ =	sdelay $0x3  }
0x33: {  	p0 =	seq.s32 s10, $0x1;
	s10 =	sld [smem:$0x3FBA];
	_ =	sdelay $0x3  }
0x34: {  	[smem:$0x3FBA] =	sst s10  }
0x35: {  	s10 =	sld [smem:$0x3FB9];
	_ =	sdelay $0x3  }
0x36: {  	p1 =	seq.s32 s10, $0x1;
	s10 =	sld [smem:$0x3FBA];
	_ =	sdelay $0x3  }
0x37: {  	[smem:$0x3FBA] =	sst s10  }
0x38: {  	s10 =	sld [smem:$0x3FBB]  }
0x39: {  	_ = 	snop;
	(pc) =	sbr.ind lr, $3  }
0x3a: {  	_ = 	snop  }
0x3b: {  	_ = 	snop  }
0x3c: {  	p2 =	seq.s32 s10, $0x1;
	s10 =	sld [smem:$0x3FBA]  }
0x3d: {  	_ =	shalt  }
0x3e: {  	_ =	shalt  }
0x3f: {  	_ =	shalt  }
0x40: {  	_ =	shalt  }
0x41: {  	_ =	shalt  }
0x42: {  	_ =	shalt  }
0x43: {  	_ =	shalt  }
0x44: {  	_ =	shalt  }
0x45: {  	_ =	shalt  }
0x46: {  	_ =	shalt  }
0x47: {  	_ =	shalt  }
0x48: {  	_ =	shalt  }
0x49: {  	_ =	shalt  }
0x4a: {  	_ =	shalt  }
0x4b: {  	_ =	shalt  }
0x4c: {  	_ =	shalt  }
0x4d: {  	_ =	shalt  }
0x4e: {  	_ =	shalt  }
0x4f: {  	_ =	shalt  }
0x50: {  	_ =	shalt  }
0x51: {  	_ =	shalt  }
0x52: {  	_ =	shalt  }
0x53: {  	_ =	shalt  }
0x54: {  	_ =	shalt  }
0x55: {  	_ =	shalt  }
0x56: {  	_ =	shalt  }
0x57: {  	_ =	shalt  }
0x58: {  	_ =	shalt  }
0x59: {  	_ =	shalt  }
0x5a: {  	_ =	shalt  }
0x5b: {  	_ =	shalt  }
0x5c: {  	_ =	shalt  }
0x5d: {  	_ =	shalt  }
0x5e: {  	_ =	shalt  }
0x5f: {  	_ =	shalt  }
0x60: {  	_ =	shalt  }
0x61: {  	_ =	shalt  }
0x62: {  	_ =	shalt  }
0x63: {  	_ =	shalt  }
0x64: {  	_ =	shalt  }
0x65: {  	_ =	shalt  }
0x66: {  	_ =	shalt  }
0x67: {  	_ =	shalt  }
0x68: {  	_ =	shalt  }
0x69: {  	_ =	shalt  }
0x6a: {  	_ =	shalt  }
0x6b: {  	_ =	shalt  }
0x6c: {  	_ =	shalt  }
0x6d: {  	_ =	shalt  }
0x6e: {  	_ =	shalt  }
0x6f: {  	_ =	shalt  }
0x70: {  	_ =	shalt  }
0x71: {  	_ =	shalt  }
0x72: {  	_ =	shalt  }
0x73: {  	_ =	shalt  }
0x74: {  	_ =	shalt  }
0x75: {  	_ =	shalt  }
0x76: {  	_ =	shalt  }
0x77: {  	_ =	shalt  }
0x78: {  	_ =	shalt  }
0x79: {  	_ =	shalt  }
0x7a: {  	_ =	shalt  }
0x7b: {  	_ =	shalt  }
0x7c: {  	_ =	shalt  }
0x7d: {  	_ =	shalt  }
0x7e: {  	_ =	shalt  }
0x7f: {  	_ =	shalt  }
0x80: {  	_ =	shalt  }
0x81: {  	_ =	shalt  }
0x82: {  	_ =	shalt  }
0x83: {  	_ =	shalt  }
0x84: {  	_ =	shalt  }
0x85: {  	_ =	shalt  }
0x86: {  	_ =	shalt  }
0x87: {  	_ =	shalt  }
.Lfunc_end0:
.L_simem_size_0:
called_computation_lowered:
.L_overlay_start_0:
0x88: {  	s2 =	sld [smem:$0x3FD9]  }
0x89: {  	s3 =	sld [smem:$0x3FFE];
	_ =	sdelay $0x1  }
0x8a: {  	s1 =	srdreg.scid  }
0x8b: {  	s0 =	sand.u32 $0x1, s1  }
0x8c: {  	s21 =	sshll.u32 s0, $0xA;
	s2 =	sadd.s32 s3, s2  }
0x8d: {  	s2 =	sadd.s32 s2, s21  }
0x8e: {  	s7 =	simm.s32 $0x0;
	[smem:$0x3FC6] =	sst s2  }
0x8f: {  	[smem:$0xF] =	sst s7  }
0x90: {  	s5 =	sld [smem:$0x3FC9]  }
0x91: {  	s3 =	sld [smem:$0x3FC8]  }
0x92: {  	s2 =	sld [smem:$0x3FD0];
	(tm) =	ssettm $0x1  }
0x93: {  	s4 =	sld [smem:$0x3FFB];
	_ =	sdelay $0x3  }
0x94: {  	_ =	strace s4  }
0x95: {  	s4 =	sld [smem:$0x3FFC];
	_ =	sdelay $0x3  }
0x96: {  	_ =	strace s4  }
0x97: {  	s4 =	sld [smem:$0x3FFD];
	_ =	sdelay $0x3  }
0x98: {  	_ =	strace s4  }
0x99: {  	_ =	strace $0x8FFFFFFF  }
0x9a: {  	s22 =	sld [smem:$0x3FDB];
	_ =	sdelay $0x2  }
0x9b: {  	s6 =	simm.s32 $_scs_section_size;
	s8 =	simm.s32 $_tile_overlayer_lowered  }
0x9c: {  	s23 =	simm.s32 $_size__tile_overlayer_lowered;
	s8 =	sshll.u32 s8, $0x1;
	s4 =	sadd.s32 s6, s22  }
0x9d: {  	s9 =	simm.s32 $0x1BFF;
	s6 =	sshll.u32 s23, $0x1;
	s8 =	sadd.s32 s8, s4  }
0x9e: {  	[timem:s7], [sflag:s9] =	dma.local [hbm:s8], s6  }
0x9f: {  	_ =	swait.ge [sflag:s9], s6  }
0xa0: {  	s6 =	ssub.s32 $0x0, s6;
	[sflag:s9] =	ssyncset.done $0x0  }
0xa1: {  	[sflag:s9] =	ssyncadd.s32 s6;
	_ =	sdelay $0x1  }
0xa2: {  	s24 =	simm.s32 $0x1B8B  }
0xa3: {  	_ =	swait.ge [sflag:s24], $0x1  }
0xa4: {  	[sflag:s24] =	ssyncset.done $0x0  }
0xa5: {  	s25 =	simm.s32 $0x1B8E;
	[sflag:s24] =	ssyncadd.s32 $0xFFFFFFFF  }
0xa6: {  	s26 =	simm.s32 $execute0_lowered;
	[smem:$0x3FD2] =	sst s25  }
0xa7: {  	s6 =	sshll.u32 s26, $0x1;
	_ =	strace $0x80000046;
	[dreg:$0x1] =	wrdreg $0xFFFFFFFF  }
0xa8: {  	s28 =	simm.s32 $_size_execute0_lowered;
	s4 =	sadd.s32 s4, s6;
	[dreg:$0x0] =	wrdreg $0x0  }
0xa9: {  	s6 =	sshll.u32 s28, $0x1;
	[dreg:$0x2] =	wrdreg s4  }
0xaa: {  	[dreg:$0x3] =	wrdreg s6  }
0xab: {  	[dreg:$0x4] =	wrdreg $0xC0  }
0xac: {  	_ =	task [dreg:s7], $0x5FFFF  }
0xad: {  	[dreg:$0x1] =	wrdreg $0xFFFFFFFF  }
0xae: {  	[dreg:$0x0] =	wrdreg $0x60  }
0xaf: {  	[dreg:$0x2] =	wrdreg s5  }
0xb0: {  	[dreg:$0x3] =	wrdreg s3  }
0xb1: {  	s8 =	sshll.u32 s0, $0x6;
	[dreg:$0x4] =	wrdreg s2  }
0xb2: {  	s10 =	simm.s32 $0x10;
	s6 =	sor.u32 $0x180, s8;
	[dreg:$0x5] =	wrdreg $0x9  }
0xb3: {  	s9 =	simm.s32 $0xD;
	s29 =	sadd.s32 s6, s5;
	_ =	task.clear_ibuf [dreg:s7], $0x6FFFF  }
0xb4: {  	[smem:s10], [sflag:s9] =	dma.local [hbm:s29], $0x10  }
0xb5: {  	_ =	swait.ge [sflag:s9], $0x10  }
0xb6: {  	[sflag:s9] =	ssyncset.done $0x0  }
0xb7: {  	[sflag:s9] =	ssyncadd.s32 $0xFFFFFFF0  }
0xb8: {  	s30 =	sld [smem:$0x10];
	_ =	sdelay $0x1  }
0xb9: {  	s31 =	simm.s32 $0x0  }
0xba: {  	s12 =	smul.u32 $0x18000, s31  }
0xbb: {  	s14 =	sand.u32 $0x380, s7;
	s11 =	sshrl.u32 s30, $0x3  }
0xbc: {  	s12 =	sshra.s32 s12, $0x2;
	s10 =	sshll.u32 s30, $0x7;
	s11 =	smul.u32 $0x6000, s11  }
0xbd: {  	p1 =	por $0x1, $0x1;
	s12 =	sor.u32 s14, s12;
	s13 =	sand.u32 $0x380, s10  }
0xbe: {  	s14 =	simm.s32 @!p1 $0xA;
	s12 =	sadd.s32 $0x180800, s12;
	s13 =	sor.u32 s13, s11  }
0xbf: {  	s12 =	sshrl.u32 s12, $0x3;
	s4 =	simm.s32 $0xA;
	s13 =	sshrl.u32 s13, $0x3  }
0xc0: {  	s10 =	simm.s32 $0x1;
	s11 =	simm.s32 $0x80;
	s13 =	sadd.s32 s3, s13  }
0xc1: {  	[spmem:s12@s11], [sflag:s4] =	dma.strided [hbm:s13@s11], $0x180, s10, $0x10   }
0xc2: {  	s12 =	simm.s32 $0x1;
	s13 =	simm.s32 $0x11;
	_ =	swait.ge @!p1 [sflag:s14], $0x180  }
.LBB1_1:
0xc3: {  	[sflag:s14] =	ssyncset.done @!p1 $0x0  }
0xc4: {  	s7 =	sadd.s32 $0x80, s7;
	s15 =	smov.u32 s12;
	s12 =	sadd.s32 $0x1, s12  }
0xc5: {  	p0 =	sne.s32 s12, $0x40;
	[sflag:s14] =	ssyncadd.s32 @!p1 $0xFFFFFE80  }
0xc6: {  	s14 =	sld [smem:s13+$0x0];
	_ =	sdelay $0x2  }
0xc7: {  	s16 =	sshrl.u32 s15, $0x3  }
0xc8: {  	s16 =	smul.u32 $0x18000, s16;
	s17 =	sshrl.u32 s14, $0x3;
	s14 =	sshll.u32 s14, $0x7  }
0xc9: {  	s17 =	smul.u32 $0x6000, s17  }
0xca: {  	s18 =	sand.u32 $0x380, s7;
	s16 =	sshra.s32 s16, $0x2;
	s14 =	sand.u32 $0x380, s14  }
0xcb: {  	s16 =	sor.u32 s18, s16;
	s14 =	sor.u32 s14, s17  }
0xcc: {  	p1 =	slt.u32 s15, $0x20;
	s16 =	sadd.s32 $0x180800, s16;
	s14 =	sshrl.u32 s14, $0x3  }
.Ltmp0:
0xcd: {  	s16 =	sshrl.u32 s16, $0x3;
	s14 =	sadd.s32 s3, s14;
	(pc) =	sbr.rel @p0 .LBB1_1-.Ltmp0, $3  }
0xce: {  	[spmem:s16@s11], [sflag:s4] =	dma.strided [hbm:s14@s11], $0x180, s10, $0x10   }
0xcf: {  	s14 =	simm.s32 @!p1 $0xA  }
0xd0: {  	s13 =	sadd.s32 $0x1, s13;
	_ =	swait.ge @!p1 [sflag:s14], $0x180  }
0xd1: {  	[sflag:s14] =	ssyncset.done @!p1 $0x0  }
0xd2: {  	[sflag:s14] =	ssyncadd.s32 @!p1 $0xFFFFFE80;
	_ =	sdelay $0x1  }
0xd3: {  	s7 =	simm.s32 $0xA  }
0xd4: {  	_ =	swait.ge [sflag:s7], $0x180  }
0xd5: {  	[sflag:s7] =	ssyncset.done $0x0  }
0xd6: {  	[sflag:s7] =	ssyncadd.s32 $0xFFFFFE80;
	_ =	sdelay $0x2  }
0xd7: {  	_ =	swait.ge [sflag:s7], $0x180  }
0xd8: {  	[sflag:s7] =	ssyncset.done $0x0  }
0xd9: {  	[sflag:s7] =	ssyncadd.s32 $0xFFFFFE80;
	_ =	sdelay $0x2  }
0xda: {  	_ =	swait.ge [sflag:s7], $0x180  }
0xdb: {  	[sflag:s7] =	ssyncset.done $0x0  }
0xdc: {  	[sflag:s7] =	ssyncadd.s32 $0xFFFFFE80;
	_ =	sdelay $0x2  }
0xdd: {  	_ =	swait.ge [sflag:s7], $0x180  }
0xde: {  	[sflag:s7] =	ssyncset.done $0x0  }
0xdf: {  	[sflag:s7] =	ssyncadd.s32 $0xFFFFFE80;
	_ =	sdelay $0x2  }
0xe0: {  	_ =	swait.ge [sflag:s7], $0x180  }
0xe1: {  	[sflag:s7] =	ssyncset.done $0x0  }
0xe2: {  	[sflag:s7] =	ssyncadd.s32 $0xFFFFFE80;
	_ =	sdelay $0x2  }
0xe3: {  	_ =	swait.ge [sflag:s7], $0x180  }
0xe4: {  	[sflag:s7] =	ssyncset.done $0x0  }
0xe5: {  	[sflag:s7] =	ssyncadd.s32 $0xFFFFFE80;
	_ =	sdelay $0x2  }
0xe6: {  	_ =	swait.ge [sflag:s7], $0x180  }
0xe7: {  	[sflag:s7] =	ssyncset.done $0x0  }
0xe8: {  	[sflag:s7] =	ssyncadd.s32 $0xFFFFFE80;
	_ =	sdelay $0x2  }
0xe9: {  	_ =	swait.ge [sflag:s7], $0x180  }
0xea: {  	[sflag:s7] =	ssyncset.done $0x0  }
0xeb: {  	[sflag:s7] =	ssyncadd.s32 $0xFFFFFE80;
	_ =	sdelay $0x2  }
0xec: {  	_ =	swait.ge [sflag:s7], $0x180  }
0xed: {  	[sflag:s7] =	ssyncset.done $0x0  }
0xee: {  	[sflag:s7] =	ssyncadd.s32 $0xFFFFFE80;
	_ =	sdelay $0x2  }
0xef: {  	_ =	swait.ge [sflag:s7], $0x180  }
0xf0: {  	[sflag:s7] =	ssyncset.done $0x0  }
0xf1: {  	[sflag:s7] =	ssyncadd.s32 $0xFFFFFE80;
	_ =	sdelay $0x2  }
0xf2: {  	_ =	swait.ge [sflag:s7], $0x180  }
0xf3: {  	[sflag:s7] =	ssyncset.done $0x0  }
0xf4: {  	[sflag:s7] =	ssyncadd.s32 $0xFFFFFE80;
	_ =	sdelay $0x2  }
0xf5: {  	_ =	swait.ge [sflag:s7], $0x180  }
0xf6: {  	[sflag:s7] =	ssyncset.done $0x0  }
0xf7: {  	[sflag:s7] =	ssyncadd.s32 $0xFFFFFE80;
	_ =	sdelay $0x2  }
0xf8: {  	_ =	swait.ge [sflag:s7], $0x180  }
0xf9: {  	[sflag:s7] =	ssyncset.done $0x0  }
0xfa: {  	[sflag:s7] =	ssyncadd.s32 $0xFFFFFE80;
	_ =	sdelay $0x2  }
0xfb: {  	_ =	swait.ge [sflag:s7], $0x180  }
0xfc: {  	[sflag:s7] =	ssyncset.done $0x0  }
0xfd: {  	[sflag:s7] =	ssyncadd.s32 $0xFFFFFE80;
	_ =	sdelay $0x2  }
0xfe: {  	_ =	swait.ge [sflag:s7], $0x180  }
0xff: {  	[sflag:s7] =	ssyncset.done $0x0  }
0x100: {  	[sflag:s7] =	ssyncadd.s32 $0xFFFFFE80;
	_ =	sdelay $0x2  }
0x101: {  	_ =	swait.ge [sflag:s7], $0x180  }
0x102: {  	[sflag:s7] =	ssyncset.done $0x0  }
0x103: {  	[sflag:s7] =	ssyncadd.s32 $0xFFFFFE80;
	_ =	sdelay $0x2  }
0x104: {  	_ =	swait.ge [sflag:s7], $0x180  }
0x105: {  	[sflag:s7] =	ssyncset.done $0x0  }
0x106: {  	[sflag:s7] =	ssyncadd.s32 $0xFFFFFE80;
	_ =	sdelay $0x2  }
0x107: {  	_ =	swait.ge [sflag:s7], $0x180  }
0x108: {  	[sflag:s7] =	ssyncset.done $0x0  }
0x109: {  	[sflag:s7] =	ssyncadd.s32 $0xFFFFFE80;
	_ =	sdelay $0x2  }
0x10a: {  	_ =	swait.ge [sflag:s7], $0x180  }
0x10b: {  	[sflag:s7] =	ssyncset.done $0x0  }
0x10c: {  	[sflag:s7] =	ssyncadd.s32 $0xFFFFFE80;
	_ =	sdelay $0x2  }
0x10d: {  	_ =	swait.ge [sflag:s7], $0x180  }
0x10e: {  	[sflag:s7] =	ssyncset.done $0x0  }
0x10f: {  	[sflag:s7] =	ssyncadd.s32 $0xFFFFFE80;
	_ =	sdelay $0x2  }
0x110: {  	_ =	swait.ge [sflag:s7], $0x180  }
0x111: {  	[sflag:s7] =	ssyncset.done $0x0  }
0x112: {  	[sflag:s7] =	ssyncadd.s32 $0xFFFFFE80;
	_ =	sdelay $0x2  }
0x113: {  	_ =	swait.ge [sflag:s7], $0x180  }
0x114: {  	[sflag:s7] =	ssyncset.done $0x0  }
0x115: {  	[sflag:s7] =	ssyncadd.s32 $0xFFFFFE80;
	_ =	sdelay $0x2  }
0x116: {  	_ =	swait.ge [sflag:s7], $0x180  }
0x117: {  	[sflag:s7] =	ssyncset.done $0x0  }
0x118: {  	[sflag:s7] =	ssyncadd.s32 $0xFFFFFE80;
	_ =	sdelay $0x2  }
0x119: {  	_ =	swait.ge [sflag:s7], $0x180  }
0x11a: {  	[sflag:s7] =	ssyncset.done $0x0  }
0x11b: {  	[sflag:s7] =	ssyncadd.s32 $0xFFFFFE80;
	_ =	sdelay $0x2  }
0x11c: {  	_ =	swait.ge [sflag:s7], $0x180  }
0x11d: {  	[sflag:s7] =	ssyncset.done $0x0  }
0x11e: {  	[sflag:s7] =	ssyncadd.s32 $0xFFFFFE80;
	_ =	sdelay $0x2  }
0x11f: {  	_ =	swait.ge [sflag:s7], $0x180  }
0x120: {  	[sflag:s7] =	ssyncset.done $0x0  }
0x121: {  	[sflag:s7] =	ssyncadd.s32 $0xFFFFFE80;
	_ =	sdelay $0x2  }
0x122: {  	_ =	swait.ge [sflag:s7], $0x180  }
0x123: {  	[sflag:s7] =	ssyncset.done $0x0  }
0x124: {  	[sflag:s7] =	ssyncadd.s32 $0xFFFFFE80;
	_ =	sdelay $0x2  }
0x125: {  	_ =	swait.ge [sflag:s7], $0x180  }
0x126: {  	[sflag:s7] =	ssyncset.done $0x0  }
0x127: {  	[sflag:s7] =	ssyncadd.s32 $0xFFFFFE80;
	_ =	sdelay $0x2  }
0x128: {  	_ =	swait.ge [sflag:s7], $0x180  }
0x129: {  	[sflag:s7] =	ssyncset.done $0x0  }
0x12a: {  	[sflag:s7] =	ssyncadd.s32 $0xFFFFFE80;
	_ =	sdelay $0x2  }
0x12b: {  	_ =	swait.ge [sflag:s7], $0x180  }
0x12c: {  	[sflag:s7] =	ssyncset.done $0x0  }
0x12d: {  	[sflag:s7] =	ssyncadd.s32 $0xFFFFFE80;
	_ =	sdelay $0x2  }
0x12e: {  	_ =	swait.ge [sflag:s7], $0x180  }
0x12f: {  	[sflag:s7] =	ssyncset.done $0x0  }
0x130: {  	[sflag:s7] =	ssyncadd.s32 $0xFFFFFE80;
	_ =	sdelay $0x2  }
0x131: {  	s6 =	smul.u32 $0xC00, s6;
	_ =	swait.ge [sflag:s7], $0x180  }
0x132: {  	s10 =	simm.s32 $0x30100;
	[sflag:s7] =	ssyncset.done $0x0  }
0x133: {  	s6 =	sadd.s32 s6, s2;
	[sflag:s7] =	ssyncadd.s32 $0xFFFFFE80;
	s7 =	simm.s32 $0xB  }
0x134: {  	[hbm:s6], [sflag:s7] =	dma.local [spmem:s10], $0x6000  }
0x135: {  	s10 =	sld [smem:$0x50]  }
0x136: {  	s30 =	simm.s32 $0x0  }
0x137: {  	s12 =	smul.u32 $0x18000, s30;
	_ =	sdelay $0x1  }
0x138: {  	s12 =	sshra.s32 s12, $0x2;
	s6 =	simm.s32 $0x0;
	s11 =	sshrl.u32 s10, $0x3  }
0x139: {  	s31 =	sand.u32 $0x380, s6;
	s10 =	sshll.u32 s10, $0x7;
	s11 =	smul.u32 $0x6000, s11  }
0x13a: {  	s12 =	sor.u32 s31, s12;
	s13 =	sand.u32 $0x380, s10  }
0x13b: {  	p1 =	por $0x1, $0x1;
	s12 =	sadd.s32 $0x1B0800, s12;
	s13 =	sor.u32 s13, s11  }
0x13c: {  	s14 =	simm.s32 @!p1 $0xA;
	s12 =	sshrl.u32 s12, $0x3;
	s13 =	sshrl.u32 s13, $0x3  }
0x13d: {  	s10 =	simm.s32 $0x1;
	s11 =	simm.s32 $0x80;
	s13 =	sadd.s32 s3, s13  }
0x13e: {  	[spmem:s12@s11], [sflag:s4] =	dma.strided [hbm:s13@s11], $0x180, s10, $0x10   }
0x13f: {  	s12 =	simm.s32 $0x1;
	s13 =	simm.s32 $0x51;
	_ =	swait.ge @!p1 [sflag:s14], $0x180  }
.LBB1_3:
0x140: {  	[sflag:s14] =	ssyncset.done @!p1 $0x0  }
0x141: {  	s6 =	sadd.s32 $0x80, s6;
	s15 =	smov.u32 s12;
	s12 =	sadd.s32 $0x1, s12  }
0x142: {  	p0 =	sne.s32 s12, $0x40;
	[sflag:s14] =	ssyncadd.s32 @!p1 $0xFFFFFE80  }
0x143: {  	s14 =	sld [smem:s13+$0x0];
	_ =	sdelay $0x2  }
0x144: {  	s16 =	sshrl.u32 s15, $0x3  }
0x145: {  	s16 =	smul.u32 $0x18000, s16;
	s17 =	sshrl.u32 s14, $0x3;
	s14 =	sshll.u32 s14, $0x7  }
0x146: {  	s17 =	smul.u32 $0x6000, s17  }
0x147: {  	s18 =	sand.u32 $0x380, s6;
	s16 =	sshra.s32 s16, $0x2;
	s14 =	sand.u32 $0x380, s14  }
0x148: {  	s16 =	sor.u32 s18, s16;
	s14 =	sor.u32 s14, s17  }
0x149: {  	p1 =	slt.u32 s15, $0x20;
	s16 =	sadd.s32 $0x1B0800, s16;
	s14 =	sshrl.u32 s14, $0x3  }
.Ltmp1:
0x14a: {  	s16 =	sshrl.u32 s16, $0x3;
	s14 =	sadd.s32 s3, s14;
	(pc) =	sbr.rel @p0 .LBB1_3-.Ltmp1, $3  }
0x14b: {  	[spmem:s16@s11], [sflag:s4] =	dma.strided [hbm:s14@s11], $0x180, s10, $0x10   }
0x14c: {  	s14 =	simm.s32 @!p1 $0xA  }
0x14d: {  	s13 =	sadd.s32 $0x1, s13;
	_ =	swait.ge @!p1 [sflag:s14], $0x180  }
0x14e: {  	[sflag:s14] =	ssyncset.done @!p1 $0x0  }
0x14f: {  	[sflag:s14] =	ssyncadd.s32 @!p1 $0xFFFFFE80;
	_ =	sdelay $0x1  }
0x150: {  	s6 =	simm.s32 $0xA  }
0x151: {  	_ =	swait.ge [sflag:s6], $0x180  }
0x152: {  	[sflag:s6] =	ssyncset.done $0x0  }
0x153: {  	[sflag:s6] =	ssyncadd.s32 $0xFFFFFE80;
	_ =	sdelay $0x2  }
0x154: {  	_ =	swait.ge [sflag:s6], $0x180  }
0x155: {  	[sflag:s6] =	ssyncset.done $0x0  }
0x156: {  	[sflag:s6] =	ssyncadd.s32 $0xFFFFFE80;
	_ =	sdelay $0x2  }
0x157: {  	_ =	swait.ge [sflag:s6], $0x180  }
0x158: {  	[sflag:s6] =	ssyncset.done $0x0  }
0x159: {  	[sflag:s6] =	ssyncadd.s32 $0xFFFFFE80;
	_ =	sdelay $0x2  }
0x15a: {  	_ =	swait.ge [sflag:s6], $0x180  }
0x15b: {  	[sflag:s6] =	ssyncset.done $0x0  }
0x15c: {  	[sflag:s6] =	ssyncadd.s32 $0xFFFFFE80;
	_ =	sdelay $0x2  }
0x15d: {  	_ =	swait.ge [sflag:s6], $0x180  }
0x15e: {  	[sflag:s6] =	ssyncset.done $0x0  }
0x15f: {  	[sflag:s6] =	ssyncadd.s32 $0xFFFFFE80;
	_ =	sdelay $0x2  }
0x160: {  	_ =	swait.ge [sflag:s6], $0x180  }
0x161: {  	[sflag:s6] =	ssyncset.done $0x0  }
0x162: {  	[sflag:s6] =	ssyncadd.s32 $0xFFFFFE80;
	_ =	sdelay $0x2  }
0x163: {  	_ =	swait.ge [sflag:s6], $0x180  }
0x164: {  	[sflag:s6] =	ssyncset.done $0x0  }
0x165: {  	[sflag:s6] =	ssyncadd.s32 $0xFFFFFE80;
	_ =	sdelay $0x2  }
0x166: {  	_ =	swait.ge [sflag:s6], $0x180  }
0x167: {  	[sflag:s6] =	ssyncset.done $0x0  }
0x168: {  	[sflag:s6] =	ssyncadd.s32 $0xFFFFFE80;
	_ =	sdelay $0x2  }
0x169: {  	_ =	swait.ge [sflag:s6], $0x180  }
0x16a: {  	[sflag:s6] =	ssyncset.done $0x0  }
0x16b: {  	[sflag:s6] =	ssyncadd.s32 $0xFFFFFE80;
	_ =	sdelay $0x2  }
0x16c: {  	_ =	swait.ge [sflag:s6], $0x180  }
0x16d: {  	[sflag:s6] =	ssyncset.done $0x0  }
0x16e: {  	[sflag:s6] =	ssyncadd.s32 $0xFFFFFE80;
	_ =	sdelay $0x2  }
0x16f: {  	_ =	swait.ge [sflag:s6], $0x180  }
0x170: {  	[sflag:s6] =	ssyncset.done $0x0  }
0x171: {  	[sflag:s6] =	ssyncadd.s32 $0xFFFFFE80;
	_ =	sdelay $0x2  }
0x172: {  	_ =	swait.ge [sflag:s6], $0x180  }
0x173: {  	[sflag:s6] =	ssyncset.done $0x0  }
0x174: {  	[sflag:s6] =	ssyncadd.s32 $0xFFFFFE80;
	_ =	sdelay $0x2  }
0x175: {  	_ =	swait.ge [sflag:s6], $0x180  }
0x176: {  	[sflag:s6] =	ssyncset.done $0x0  }
0x177: {  	[sflag:s6] =	ssyncadd.s32 $0xFFFFFE80;
	_ =	sdelay $0x2  }
0x178: {  	_ =	swait.ge [sflag:s6], $0x180  }
0x179: {  	[sflag:s6] =	ssyncset.done $0x0  }
0x17a: {  	[sflag:s6] =	ssyncadd.s32 $0xFFFFFE80;
	_ =	sdelay $0x2  }
0x17b: {  	_ =	swait.ge [sflag:s6], $0x180  }
0x17c: {  	[sflag:s6] =	ssyncset.done $0x0  }
0x17d: {  	[sflag:s6] =	ssyncadd.s32 $0xFFFFFE80;
	_ =	sdelay $0x2  }
0x17e: {  	_ =	swait.ge [sflag:s6], $0x180  }
0x17f: {  	[sflag:s6] =	ssyncset.done $0x0  }
0x180: {  	[sflag:s6] =	ssyncadd.s32 $0xFFFFFE80;
	_ =	sdelay $0x2  }
0x181: {  	_ =	swait.ge [sflag:s6], $0x180  }
0x182: {  	[sflag:s6] =	ssyncset.done $0x0  }
0x183: {  	[sflag:s6] =	ssyncadd.s32 $0xFFFFFE80;
	_ =	sdelay $0x2  }
0x184: {  	_ =	swait.ge [sflag:s6], $0x180  }
0x185: {  	[sflag:s6] =	ssyncset.done $0x0  }
0x186: {  	[sflag:s6] =	ssyncadd.s32 $0xFFFFFE80;
	_ =	sdelay $0x2  }
0x187: {  	_ =	swait.ge [sflag:s6], $0x180  }
0x188: {  	[sflag:s6] =	ssyncset.done $0x0  }
0x189: {  	[sflag:s6] =	ssyncadd.s32 $0xFFFFFE80;
	_ =	sdelay $0x2  }
0x18a: {  	_ =	swait.ge [sflag:s6], $0x180  }
0x18b: {  	[sflag:s6] =	ssyncset.done $0x0  }
0x18c: {  	[sflag:s6] =	ssyncadd.s32 $0xFFFFFE80;
	_ =	sdelay $0x2  }
0x18d: {  	_ =	swait.ge [sflag:s6], $0x180  }
0x18e: {  	[sflag:s6] =	ssyncset.done $0x0  }
0x18f: {  	[sflag:s6] =	ssyncadd.s32 $0xFFFFFE80;
	_ =	sdelay $0x2  }
0x190: {  	_ =	swait.ge [sflag:s6], $0x180  }
0x191: {  	[sflag:s6] =	ssyncset.done $0x0  }
0x192: {  	[sflag:s6] =	ssyncadd.s32 $0xFFFFFE80;
	_ =	sdelay $0x2  }
0x193: {  	_ =	swait.ge [sflag:s6], $0x180  }
0x194: {  	[sflag:s6] =	ssyncset.done $0x0  }
0x195: {  	[sflag:s6] =	ssyncadd.s32 $0xFFFFFE80;
	_ =	sdelay $0x2  }
0x196: {  	_ =	swait.ge [sflag:s6], $0x180  }
0x197: {  	[sflag:s6] =	ssyncset.done $0x0  }
0x198: {  	[sflag:s6] =	ssyncadd.s32 $0xFFFFFE80;
	_ =	sdelay $0x2  }
0x199: {  	_ =	swait.ge [sflag:s6], $0x180  }
0x19a: {  	[sflag:s6] =	ssyncset.done $0x0  }
0x19b: {  	[sflag:s6] =	ssyncadd.s32 $0xFFFFFE80;
	_ =	sdelay $0x2  }
0x19c: {  	_ =	swait.ge [sflag:s6], $0x180  }
0x19d: {  	[sflag:s6] =	ssyncset.done $0x0  }
0x19e: {  	[sflag:s6] =	ssyncadd.s32 $0xFFFFFE80;
	_ =	sdelay $0x2  }
0x19f: {  	_ =	swait.ge [sflag:s6], $0x180  }
0x1a0: {  	[sflag:s6] =	ssyncset.done $0x0  }
0x1a1: {  	[sflag:s6] =	ssyncadd.s32 $0xFFFFFE80;
	_ =	sdelay $0x2  }
0x1a2: {  	_ =	swait.ge [sflag:s6], $0x180  }
0x1a3: {  	[sflag:s6] =	ssyncset.done $0x0  }
0x1a4: {  	[sflag:s6] =	ssyncadd.s32 $0xFFFFFE80;
	_ =	sdelay $0x2  }
0x1a5: {  	_ =	swait.ge [sflag:s6], $0x180  }
0x1a6: {  	[sflag:s6] =	ssyncset.done $0x0  }
0x1a7: {  	[sflag:s6] =	ssyncadd.s32 $0xFFFFFE80;
	_ =	sdelay $0x2  }
0x1a8: {  	_ =	swait.ge [sflag:s6], $0x180  }
0x1a9: {  	[sflag:s6] =	ssyncset.done $0x0  }
0x1aa: {  	[sflag:s6] =	ssyncadd.s32 $0xFFFFFE80;
	_ =	sdelay $0x2  }
0x1ab: {  	_ =	swait.ge [sflag:s6], $0x180  }
0x1ac: {  	[sflag:s6] =	ssyncset.done $0x0  }
0x1ad: {  	[sflag:s6] =	ssyncadd.s32 $0xFFFFFE80  }
0x1ae: {  	s10 =	smul.u32 $0x180000, s0;
	_ =	sdelay $0x1  }
0x1af: {  	s10 =	sshrl.u32 s10, $0x3;
	_ =	swait.ge [sflag:s6], $0x180  }
0x1b0: {  	s12 =	simm.s32 $0x36100;
	s10 =	sadd.s32 s2, s10;
	[sflag:s6] =	ssyncset.done $0x0  }
0x1b1: {  	s11 =	sadd.s32 $0x126000, s10;
	[sflag:s6] =	ssyncadd.s32 $0xFFFFFE80;
	s6 =	simm.s32 $0xC  }
0x1b2: {  	[hbm:s11], [sflag:s6] =	dma.local [spmem:s12], $0x6000  }
0x1b3: {  	s11 =	sor.u32 $0x190, s8  }
0x1b4: {  	s13 =	simm.s32 $0x10;
	s26 =	simm.s32 $0xD;
	s25 =	sadd.s32 s11, s5  }
0x1b5: {  	[smem:s13], [sflag:s9] =	dma.local [hbm:s25], $0x10  }
0x1b6: {  	_ =	swait.ge [sflag:s26], $0x10  }
0x1b7: {  	[sflag:s26] =	ssyncset.done $0x0  }
0x1b8: {  	[sflag:s26] =	ssyncadd.s32 $0xFFFFFFF0;
	_ =	sdelay $0x1  }
0x1b9: {  	s28 =	simm.s32 $0xB  }
0x1ba: {  	_ =	swait.ge [sflag:s28], $0x6000  }
0x1bb: {  	[sflag:s28] =	ssyncset.done $0x0  }
0x1bc: {  	[sflag:s28] =	ssyncadd.s32 $0xFFFFA000  }
0x1bd: {  	s29 =	sld [smem:$0x10]  }
0x1be: {  	s30 =	simm.s32 $0x0  }
0x1bf: {  	s15 =	smul.u32 $0x18000, s30;
	_ =	sdelay $0x1  }
0x1c0: {  	s15 =	sshra.s32 s15, $0x2;
	s12 =	simm.s32 $0x0;
	s31 =	sshrl.u32 s29, $0x3  }
0x1c1: {  	s17 =	sand.u32 $0x380, s12;
	s13 =	sshll.u32 s29, $0x7;
	s14 =	smul.u32 $0x6000, s31  }
0x1c2: {  	s15 =	sor.u32 s17, s15;
	s16 =	sand.u32 $0x380, s13  }
0x1c3: {  	p1 =	por $0x1, $0x1;
	s15 =	sadd.s32 $0x180800, s15;
	s16 =	sor.u32 s16, s14  }
0x1c4: {  	s17 =	simm.s32 @!p1 $0xA;
	s15 =	sshrl.u32 s15, $0x3;
	s16 =	sshrl.u32 s16, $0x3  }
0x1c5: {  	s13 =	simm.s32 $0x1;
	s14 =	simm.s32 $0x80;
	s16 =	sadd.s32 s3, s16  }
0x1c6: {  	[spmem:s15@s14], [sflag:s4] =	dma.strided [hbm:s16@s14], $0x180, s13, $0x10   }
0x1c7: {  	s15 =	simm.s32 $0x1;
	s16 =	simm.s32 $0x11;
	_ =	swait.ge @!p1 [sflag:s17], $0x180  }
.LBB1_5:
0x1c8: {  	[sflag:s17] =	ssyncset.done @!p1 $0x0  }
0x1c9: {  	s12 =	sadd.s32 $0x80, s12;
	s18 =	smov.u32 s15;
	s15 =	sadd.s32 $0x1, s15  }
0x1ca: {  	p0 =	sne.s32 s15, $0x40;
	[sflag:s17] =	ssyncadd.s32 @!p1 $0xFFFFFE80  }
0x1cb: {  	s17 =	sld [smem:s16+$0x0];
	_ =	sdelay $0x2  }
0x1cc: {  	s19 =	sshrl.u32 s18, $0x3  }
0x1cd: {  	s19 =	smul.u32 $0x18000, s19;
	s20 =	sshrl.u32 s17, $0x3;
	s17 =	sshll.u32 s17, $0x7  }
0x1ce: {  	s20 =	smul.u32 $0x6000, s20  }
0x1cf: {  	s21 =	sand.u32 $0x380, s12;
	s19 =	sshra.s32 s19, $0x2;
	s17 =	sand.u32 $0x380, s17  }
0x1d0: {  	s19 =	sor.u32 s21, s19;
	s17 =	sor.u32 s17, s20  }
0x1d1: {  	p1 =	slt.u32 s18, $0x20;
	s19 =	sadd.s32 $0x180800, s19;
	s17 =	sshrl.u32 s17, $0x3  }
.Ltmp2:
0x1d2: {  	s19 =	sshrl.u32 s19, $0x3;
	s17 =	sadd.s32 s3, s17;
	(pc) =	sbr.rel @p0 .LBB1_5-.Ltmp2, $3  }
0x1d3: {  	[spmem:s19@s14], [sflag:s4] =	dma.strided [hbm:s17@s14], $0x180, s13, $0x10   }
0x1d4: {  	s17 =	simm.s32 @!p1 $0xA  }
0x1d5: {  	s16 =	sadd.s32 $0x1, s16;
	_ =	swait.ge @!p1 [sflag:s17], $0x180  }
0x1d6: {  	[sflag:s17] =	ssyncset.done @!p1 $0x0  }
0x1d7: {  	[sflag:s17] =	ssyncadd.s32 @!p1 $0xFFFFFE80;
	_ =	sdelay $0x1  }
0x1d8: {  	s12 =	simm.s32 $0xA  }
0x1d9: {  	_ =	swait.ge [sflag:s12], $0x180  }
0x1da: {  	[sflag:s12] =	ssyncset.done $0x0  }
0x1db: {  	[sflag:s12] =	ssyncadd.s32 $0xFFFFFE80;
	_ =	sdelay $0x2  }
0x1dc: {  	_ =	swait.ge [sflag:s12], $0x180  }
0x1dd: {  	[sflag:s12] =	ssyncset.done $0x0  }
0x1de: {  	[sflag:s12] =	ssyncadd.s32 $0xFFFFFE80;
	_ =	sdelay $0x2  }
0x1df: {  	_ =	swait.ge [sflag:s12], $0x180  }
0x1e0: {  	[sflag:s12] =	ssyncset.done $0x0  }
0x1e1: {  	[sflag:s12] =	ssyncadd.s32 $0xFFFFFE80;
	_ =	sdelay $0x2  }
0x1e2: {  	_ =	swait.ge [sflag:s12], $0x180  }
0x1e3: {  	[sflag:s12] =	ssyncset.done $0x0  }
0x1e4: {  	[sflag:s12] =	ssyncadd.s32 $0xFFFFFE80;
	_ =	sdelay $0x2  }
0x1e5: {  	_ =	swait.ge [sflag:s12], $0x180  }
0x1e6: {  	[sflag:s12] =	ssyncset.done $0x0  }
0x1e7: {  	[sflag:s12] =	ssyncadd.s32 $0xFFFFFE80;
	_ =	sdelay $0x2  }
0x1e8: {  	_ =	swait.ge [sflag:s12], $0x180  }
0x1e9: {  	[sflag:s12] =	ssyncset.done $0x0  }
0x1ea: {  	[sflag:s12] =	ssyncadd.s32 $0xFFFFFE80;
	_ =	sdelay $0x2  }
0x1eb: {  	_ =	swait.ge [sflag:s12], $0x180  }
0x1ec: {  	[sflag:s12] =	ssyncset.done $0x0  }
0x1ed: {  	[sflag:s12] =	ssyncadd.s32 $0xFFFFFE80;
	_ =	sdelay $0x2  }
0x1ee: {  	_ =	swait.ge [sflag:s12], $0x180  }
0x1ef: {  	[sflag:s12] =	ssyncset.done $0x0  }
0x1f0: {  	[sflag:s12] =	ssyncadd.s32 $0xFFFFFE80;
	_ =	sdelay $0x2  }
0x1f1: {  	_ =	swait.ge [sflag:s12], $0x180  }
0x1f2: {  	[sflag:s12] =	ssyncset.done $0x0  }
0x1f3: {  	[sflag:s12] =	ssyncadd.s32 $0xFFFFFE80;
	_ =	sdelay $0x2  }
0x1f4: {  	_ =	swait.ge [sflag:s12], $0x180  }
0x1f5: {  	[sflag:s12] =	ssyncset.done $0x0  }
0x1f6: {  	[sflag:s12] =	ssyncadd.s32 $0xFFFFFE80;
	_ =	sdelay $0x2  }
0x1f7: {  	_ =	swait.ge [sflag:s12], $0x180  }
0x1f8: {  	[sflag:s12] =	ssyncset.done $0x0  }
0x1f9: {  	[sflag:s12] =	ssyncadd.s32 $0xFFFFFE80;
	_ =	sdelay $0x2  }
0x1fa: {  	_ =	swait.ge [sflag:s12], $0x180  }
0x1fb: {  	[sflag:s12] =	ssyncset.done $0x0  }
0x1fc: {  	[sflag:s12] =	ssyncadd.s32 $0xFFFFFE80;
	_ =	sdelay $0x2  }
0x1fd: {  	_ =	swait.ge [sflag:s12], $0x180  }
0x1fe: {  	[sflag:s12] =	ssyncset.done $0x0  }
0x1ff: {  	[sflag:s12] =	ssyncadd.s32 $0xFFFFFE80;
	_ =	sdelay $0x2  }
0x200: {  	_ =	swait.ge [sflag:s12], $0x180  }
0x201: {  	[sflag:s12] =	ssyncset.done $0x0  }
0x202: {  	[sflag:s12] =	ssyncadd.s32 $0xFFFFFE80;
	_ =	sdelay $0x2  }
0x203: {  	_ =	swait.ge [sflag:s12], $0x180  }
0x204: {  	[sflag:s12] =	ssyncset.done $0x0  }
0x205: {  	[sflag:s12] =	ssyncadd.s32 $0xFFFFFE80;
	_ =	sdelay $0x2  }
0x206: {  	_ =	swait.ge [sflag:s12], $0x180  }
0x207: {  	[sflag:s12] =	ssyncset.done $0x0  }
0x208: {  	[sflag:s12] =	ssyncadd.s32 $0xFFFFFE80;
	_ =	sdelay $0x2  }
0x209: {  	_ =	swait.ge [sflag:s12], $0x180  }
0x20a: {  	[sflag:s12] =	ssyncset.done $0x0  }
0x20b: {  	[sflag:s12] =	ssyncadd.s32 $0xFFFFFE80;
	_ =	sdelay $0x2  }
0x20c: {  	_ =	swait.ge [sflag:s12], $0x180  }
0x20d: {  	[sflag:s12] =	ssyncset.done $0x0  }
0x20e: {  	[sflag:s12] =	ssyncadd.s32 $0xFFFFFE80;
	_ =	sdelay $0x2  }
0x20f: {  	_ =	swait.ge [sflag:s12], $0x180  }
0x210: {  	[sflag:s12] =	ssyncset.done $0x0  }
0x211: {  	[sflag:s12] =	ssyncadd.s32 $0xFFFFFE80;
	_ =	sdelay $0x2  }
0x212: {  	_ =	swait.ge [sflag:s12], $0x180  }
0x213: {  	[sflag:s12] =	ssyncset.done $0x0  }
0x214: {  	[sflag:s12] =	ssyncadd.s32 $0xFFFFFE80;
	_ =	sdelay $0x2  }
0x215: {  	_ =	swait.ge [sflag:s12], $0x180  }
0x216: {  	[sflag:s12] =	ssyncset.done $0x0  }
0x217: {  	[sflag:s12] =	ssyncadd.s32 $0xFFFFFE80;
	_ =	sdelay $0x2  }
0x218: {  	_ =	swait.ge [sflag:s12], $0x180  }
0x219: {  	[sflag:s12] =	ssyncset.done $0x0  }
0x21a: {  	[sflag:s12] =	ssyncadd.s32 $0xFFFFFE80;
	_ =	sdelay $0x2  }
0x21b: {  	_ =	swait.ge [sflag:s12], $0x180  }
0x21c: {  	[sflag:s12] =	ssyncset.done $0x0  }
0x21d: {  	[sflag:s12] =	ssyncadd.s32 $0xFFFFFE80;
	_ =	sdelay $0x2  }
0x21e: {  	_ =	swait.ge [sflag:s12], $0x180  }
0x21f: {  	[sflag:s12] =	ssyncset.done $0x0  }
0x220: {  	[sflag:s12] =	ssyncadd.s32 $0xFFFFFE80;
	_ =	sdelay $0x2  }
0x221: {  	_ =	swait.ge [sflag:s12], $0x180  }
0x222: {  	[sflag:s12] =	ssyncset.done $0x0  }
0x223: {  	[sflag:s12] =	ssyncadd.s32 $0xFFFFFE80;
	_ =	sdelay $0x2  }
0x224: {  	_ =	swait.ge [sflag:s12], $0x180  }
0x225: {  	[sflag:s12] =	ssyncset.done $0x0  }
0x226: {  	[sflag:s12] =	ssyncadd.s32 $0xFFFFFE80;
	_ =	sdelay $0x2  }
0x227: {  	_ =	swait.ge [sflag:s12], $0x180  }
0x228: {  	[sflag:s12] =	ssyncset.done $0x0  }
0x229: {  	[sflag:s12] =	ssyncadd.s32 $0xFFFFFE80;
	_ =	sdelay $0x2  }
0x22a: {  	_ =	swait.ge [sflag:s12], $0x180  }
0x22b: {  	[sflag:s12] =	ssyncset.done $0x0  }
0x22c: {  	[sflag:s12] =	ssyncadd.s32 $0xFFFFFE80;
	_ =	sdelay $0x2  }
0x22d: {  	_ =	swait.ge [sflag:s12], $0x180  }
0x22e: {  	[sflag:s12] =	ssyncset.done $0x0  }
0x22f: {  	[sflag:s12] =	ssyncadd.s32 $0xFFFFFE80;
	_ =	sdelay $0x2  }
0x230: {  	_ =	swait.ge [sflag:s12], $0x180  }
0x231: {  	[sflag:s12] =	ssyncset.done $0x0  }
0x232: {  	[sflag:s12] =	ssyncadd.s32 $0xFFFFFE80;
	_ =	sdelay $0x2  }
0x233: {  	_ =	swait.ge [sflag:s12], $0x180  }
0x234: {  	[sflag:s12] =	ssyncset.done $0x0  }
0x235: {  	[sflag:s12] =	ssyncadd.s32 $0xFFFFFE80;
	_ =	sdelay $0x2  }
0x236: {  	_ =	swait.ge [sflag:s12], $0x180  }
0x237: {  	s11 =	smul.u32 $0xC00, s11;
	[sflag:s12] =	ssyncset.done $0x0  }
0x238: {  	[sflag:s12] =	ssyncadd.s32 $0xFFFFFE80  }
0x239: {  	s28 =	simm.s32 $0x30100;
	s29 =	simm.s32 $0xC;
	s11 =	sadd.s32 s11, s2  }
0x23a: {  	[hbm:s11], [sflag:s7] =	dma.local [spmem:s28], $0x6000  }
0x23b: {  	_ =	swait.ge [sflag:s29], $0x6000  }
0x23c: {  	[sflag:s29] =	ssyncset.done $0x0  }
0x23d: {  	[sflag:s29] =	ssyncadd.s32 $0xFFFFA000  }
0x23e: {  	s30 =	sld [smem:$0x50]  }
0x23f: {  	s31 =	simm.s32 $0x0  }
0x240: {  	s14 =	smul.u32 $0x18000, s31;
	_ =	sdelay $0x1  }
0x241: {  	s14 =	sshra.s32 s14, $0x2;
	s11 =	simm.s32 $0x0;
	s13 =	sshrl.u32 s30, $0x3  }
0x242: {  	s16 =	sand.u32 $0x380, s11;
	s12 =	sshll.u32 s30, $0x7;
	s13 =	smul.u32 $0x6000, s13  }
0x243: {  	s14 =	sor.u32 s16, s14;
	s15 =	sand.u32 $0x380, s12  }
0x244: {  	p1 =	por $0x1, $0x1;
	s14 =	sadd.s32 $0x1B0800, s14;
	s15 =	sor.u32 s15, s13  }
0x245: {  	s16 =	simm.s32 @!p1 $0xA;
	s14 =	sshrl.u32 s14, $0x3;
	s15 =	sshrl.u32 s15, $0x3  }
0x246: {  	s12 =	simm.s32 $0x1;
	s13 =	simm.s32 $0x80;
	s15 =	sadd.s32 s3, s15  }
0x247: {  	[spmem:s14@s13], [sflag:s4] =	dma.strided [hbm:s15@s13], $0x180, s12, $0x10   }
0x248: {  	s14 =	simm.s32 $0x1;
	s15 =	simm.s32 $0x51;
	_ =	swait.ge @!p1 [sflag:s16], $0x180  }
.LBB1_7:
0x249: {  	[sflag:s16] =	ssyncset.done @!p1 $0x0  }
0x24a: {  	s11 =	sadd.s32 $0x80, s11;
	s17 =	smov.u32 s14;
	s14 =	sadd.s32 $0x1, s14  }
0x24b: {  	p0 =	sne.s32 s14, $0x40;
	[sflag:s16] =	ssyncadd.s32 @!p1 $0xFFFFFE80  }
0x24c: {  	s16 =	sld [smem:s15+$0x0];
	_ =	sdelay $0x2  }
0x24d: {  	s18 =	sshrl.u32 s17, $0x3  }
0x24e: {  	s18 =	smul.u32 $0x18000, s18;
	s19 =	sshrl.u32 s16, $0x3;
	s16 =	sshll.u32 s16, $0x7  }
0x24f: {  	s19 =	smul.u32 $0x6000, s19  }
0x250: {  	s20 =	sand.u32 $0x380, s11;
	s18 =	sshra.s32 s18, $0x2;
	s16 =	sand.u32 $0x380, s16  }
0x251: {  	s18 =	sor.u32 s20, s18;
	s16 =	sor.u32 s16, s19  }
0x252: {  	p1 =	slt.u32 s17, $0x20;
	s18 =	sadd.s32 $0x1B0800, s18;
	s16 =	sshrl.u32 s16, $0x3  }
.Ltmp3:
0x253: {  	s18 =	sshrl.u32 s18, $0x3;
	s16 =	sadd.s32 s3, s16;
	(pc) =	sbr.rel @p0 .LBB1_7-.Ltmp3, $3  }
0x254: {  	[spmem:s18@s13], [sflag:s4] =	dma.strided [hbm:s16@s13], $0x180, s12, $0x10   }
0x255: {  	s16 =	simm.s32 @!p1 $0xA  }
0x256: {  	s15 =	sadd.s32 $0x1, s15;
	_ =	swait.ge @!p1 [sflag:s16], $0x180  }
0x257: {  	[sflag:s16] =	ssyncset.done @!p1 $0x0  }
0x258: {  	[sflag:s16] =	ssyncadd.s32 @!p1 $0xFFFFFE80;
	_ =	sdelay $0x1  }
0x259: {  	s11 =	simm.s32 $0xA  }
0x25a: {  	_ =	swait.ge [sflag:s11], $0x180  }
0x25b: {  	[sflag:s11] =	ssyncset.done $0x0  }
0x25c: {  	[sflag:s11] =	ssyncadd.s32 $0xFFFFFE80;
	_ =	sdelay $0x2  }
0x25d: {  	_ =	swait.ge [sflag:s11], $0x180  }
0x25e: {  	[sflag:s11] =	ssyncset.done $0x0  }
0x25f: {  	[sflag:s11] =	ssyncadd.s32 $0xFFFFFE80;
	_ =	sdelay $0x2  }
0x260: {  	_ =	swait.ge [sflag:s11], $0x180  }
0x261: {  	[sflag:s11] =	ssyncset.done $0x0  }
0x262: {  	[sflag:s11] =	ssyncadd.s32 $0xFFFFFE80;
	_ =	sdelay $0x2  }
0x263: {  	_ =	swait.ge [sflag:s11], $0x180  }
0x264: {  	[sflag:s11] =	ssyncset.done $0x0  }
0x265: {  	[sflag:s11] =	ssyncadd.s32 $0xFFFFFE80;
	_ =	sdelay $0x2  }
0x266: {  	_ =	swait.ge [sflag:s11], $0x180  }
0x267: {  	[sflag:s11] =	ssyncset.done $0x0  }
0x268: {  	[sflag:s11] =	ssyncadd.s32 $0xFFFFFE80;
	_ =	sdelay $0x2  }
0x269: {  	_ =	swait.ge [sflag:s11], $0x180  }
0x26a: {  	[sflag:s11] =	ssyncset.done $0x0  }
0x26b: {  	[sflag:s11] =	ssyncadd.s32 $0xFFFFFE80;
	_ =	sdelay $0x2  }
0x26c: {  	_ =	swait.ge [sflag:s11], $0x180  }
0x26d: {  	[sflag:s11] =	ssyncset.done $0x0  }
0x26e: {  	[sflag:s11] =	ssyncadd.s32 $0xFFFFFE80;
	_ =	sdelay $0x2  }
0x26f: {  	_ =	swait.ge [sflag:s11], $0x180  }
0x270: {  	[sflag:s11] =	ssyncset.done $0x0  }
0x271: {  	[sflag:s11] =	ssyncadd.s32 $0xFFFFFE80;
	_ =	sdelay $0x2  }
0x272: {  	_ =	swait.ge [sflag:s11], $0x180  }
0x273: {  	[sflag:s11] =	ssyncset.done $0x0  }
0x274: {  	[sflag:s11] =	ssyncadd.s32 $0xFFFFFE80;
	_ =	sdelay $0x2  }
0x275: {  	_ =	swait.ge [sflag:s11], $0x180  }
0x276: {  	[sflag:s11] =	ssyncset.done $0x0  }
0x277: {  	[sflag:s11] =	ssyncadd.s32 $0xFFFFFE80;
	_ =	sdelay $0x2  }
0x278: {  	_ =	swait.ge [sflag:s11], $0x180  }
0x279: {  	[sflag:s11] =	ssyncset.done $0x0  }
0x27a: {  	[sflag:s11] =	ssyncadd.s32 $0xFFFFFE80;
	_ =	sdelay $0x2  }
0x27b: {  	_ =	swait.ge [sflag:s11], $0x180  }
0x27c: {  	[sflag:s11] =	ssyncset.done $0x0  }
0x27d: {  	[sflag:s11] =	ssyncadd.s32 $0xFFFFFE80;
	_ =	sdelay $0x2  }
0x27e: {  	_ =	swait.ge [sflag:s11], $0x180  }
0x27f: {  	[sflag:s11] =	ssyncset.done $0x0  }
0x280: {  	[sflag:s11] =	ssyncadd.s32 $0xFFFFFE80;
	_ =	sdelay $0x2  }
0x281: {  	_ =	swait.ge [sflag:s11], $0x180  }
0x282: {  	[sflag:s11] =	ssyncset.done $0x0  }
0x283: {  	[sflag:s11] =	ssyncadd.s32 $0xFFFFFE80;
	_ =	sdelay $0x2  }
0x284: {  	_ =	swait.ge [sflag:s11], $0x180  }
0x285: {  	[sflag:s11] =	ssyncset.done $0x0  }
0x286: {  	[sflag:s11] =	ssyncadd.s32 $0xFFFFFE80;
	_ =	sdelay $0x2  }
0x287: {  	_ =	swait.ge [sflag:s11], $0x180  }
0x288: {  	[sflag:s11] =	ssyncset.done $0x0  }
0x289: {  	[sflag:s11] =	ssyncadd.s32 $0xFFFFFE80;
	_ =	sdelay $0x2  }
0x28a: {  	_ =	swait.ge [sflag:s11], $0x180  }
0x28b: {  	[sflag:s11] =	ssyncset.done $0x0  }
0x28c: {  	[sflag:s11] =	ssyncadd.s32 $0xFFFFFE80;
	_ =	sdelay $0x2  }
0x28d: {  	_ =	swait.ge [sflag:s11], $0x180  }
0x28e: {  	[sflag:s11] =	ssyncset.done $0x0  }
0x28f: {  	[sflag:s11] =	ssyncadd.s32 $0xFFFFFE80;
	_ =	sdelay $0x2  }
0x290: {  	_ =	swait.ge [sflag:s11], $0x180  }
0x291: {  	[sflag:s11] =	ssyncset.done $0x0  }
0x292: {  	[sflag:s11] =	ssyncadd.s32 $0xFFFFFE80;
	_ =	sdelay $0x2  }
0x293: {  	_ =	swait.ge [sflag:s11], $0x180  }
0x294: {  	[sflag:s11] =	ssyncset.done $0x0  }
0x295: {  	[sflag:s11] =	ssyncadd.s32 $0xFFFFFE80;
	_ =	sdelay $0x2  }
0x296: {  	_ =	swait.ge [sflag:s11], $0x180  }
0x297: {  	[sflag:s11] =	ssyncset.done $0x0  }
0x298: {  	[sflag:s11] =	ssyncadd.s32 $0xFFFFFE80;
	_ =	sdelay $0x2  }
0x299: {  	_ =	swait.ge [sflag:s11], $0x180  }
0x29a: {  	[sflag:s11] =	ssyncset.done $0x0  }
0x29b: {  	[sflag:s11] =	ssyncadd.s32 $0xFFFFFE80;
	_ =	sdelay $0x2  }
0x29c: {  	_ =	swait.ge [sflag:s11], $0x180  }
0x29d: {  	[sflag:s11] =	ssyncset.done $0x0  }
0x29e: {  	[sflag:s11] =	ssyncadd.s32 $0xFFFFFE80;
	_ =	sdelay $0x2  }
0x29f: {  	_ =	swait.ge [sflag:s11], $0x180  }
0x2a0: {  	[sflag:s11] =	ssyncset.done $0x0  }
0x2a1: {  	[sflag:s11] =	ssyncadd.s32 $0xFFFFFE80;
	_ =	sdelay $0x2  }
0x2a2: {  	_ =	swait.ge [sflag:s11], $0x180  }
0x2a3: {  	[sflag:s11] =	ssyncset.done $0x0  }
0x2a4: {  	[sflag:s11] =	ssyncadd.s32 $0xFFFFFE80;
	_ =	sdelay $0x2  }
0x2a5: {  	_ =	swait.ge [sflag:s11], $0x180  }
0x2a6: {  	[sflag:s11] =	ssyncset.done $0x0  }
0x2a7: {  	[sflag:s11] =	ssyncadd.s32 $0xFFFFFE80;
	_ =	sdelay $0x2  }
0x2a8: {  	_ =	swait.ge [sflag:s11], $0x180  }
0x2a9: {  	[sflag:s11] =	ssyncset.done $0x0  }
0x2aa: {  	[sflag:s11] =	ssyncadd.s32 $0xFFFFFE80;
	_ =	sdelay $0x2  }
0x2ab: {  	_ =	swait.ge [sflag:s11], $0x180  }
0x2ac: {  	[sflag:s11] =	ssyncset.done $0x0  }
0x2ad: {  	[sflag:s11] =	ssyncadd.s32 $0xFFFFFE80;
	_ =	sdelay $0x2  }
0x2ae: {  	_ =	swait.ge [sflag:s11], $0x180  }
0x2af: {  	[sflag:s11] =	ssyncset.done $0x0  }
0x2b0: {  	[sflag:s11] =	ssyncadd.s32 $0xFFFFFE80;
	_ =	sdelay $0x2  }
0x2b1: {  	_ =	swait.ge [sflag:s11], $0x180  }
0x2b2: {  	[sflag:s11] =	ssyncset.done $0x0  }
0x2b3: {  	[sflag:s11] =	ssyncadd.s32 $0xFFFFFE80;
	_ =	sdelay $0x2  }
0x2b4: {  	_ =	swait.ge [sflag:s11], $0x180  }
0x2b5: {  	[sflag:s11] =	ssyncset.done $0x0  }
0x2b6: {  	[sflag:s11] =	ssyncadd.s32 $0xFFFFFE80;
	_ =	sdelay $0x2  }
0x2b7: {  	_ =	swait.ge [sflag:s11], $0x180  }
0x2b8: {  	s24 =	sadd.s32 $0x132000, s10;
	[sflag:s11] =	ssyncset.done $0x0  }
0x2b9: {  	s12 =	simm.s32 $0x36100;
	[sflag:s11] =	ssyncadd.s32 $0xFFFFFE80;
	s11 =	sor.u32 $0x1A0, s8  }
0x2ba: {  	[hbm:s24], [sflag:s6] =	dma.local [spmem:s12], $0x6000  }
0x2bb: {  	s13 =	simm.s32 $0x10;
	s26 =	simm.s32 $0xD;
	s25 =	sadd.s32 s11, s5  }
0x2bc: {  	[smem:s13], [sflag:s9] =	dma.local [hbm:s25], $0x10  }
0x2bd: {  	_ =	swait.ge [sflag:s26], $0x10  }
0x2be: {  	[sflag:s26] =	ssyncset.done $0x0  }
0x2bf: {  	[sflag:s26] =	ssyncadd.s32 $0xFFFFFFF0;
	_ =	sdelay $0x1  }
0x2c0: {  	s28 =	simm.s32 $0xB  }
0x2c1: {  	_ =	swait.ge [sflag:s28], $0x6000  }
0x2c2: {  	[sflag:s28] =	ssyncset.done $0x0  }
0x2c3: {  	[sflag:s28] =	ssyncadd.s32 $0xFFFFA000  }
0x2c4: {  	s29 =	sld [smem:$0x10]  }
0x2c5: {  	s30 =	simm.s32 $0x0  }
0x2c6: {  	s15 =	smul.u32 $0x18000, s30;
	_ =	sdelay $0x1  }
0x2c7: {  	s15 =	sshra.s32 s15, $0x2;
	s12 =	simm.s32 $0x0;
	s14 =	sshrl.u32 s29, $0x3  }
0x2c8: {  	s17 =	sand.u32 $0x380, s12;
	s13 =	sshll.u32 s29, $0x7;
	s14 =	smul.u32 $0x6000, s14  }
0x2c9: {  	s15 =	sor.u32 s17, s15;
	s31 =	sand.u32 $0x380, s13  }
0x2ca: {  	p1 =	por $0x1, $0x1;
	s15 =	sadd.s32 $0x180800, s15;
	s16 =	sor.u32 s31, s14  }
0x2cb: {  	s17 =	simm.s32 @!p1 $0xA;
	s15 =	sshrl.u32 s15, $0x3;
	s16 =	sshrl.u32 s16, $0x3  }
0x2cc: {  	s13 =	simm.s32 $0x1;
	s14 =	simm.s32 $0x80;
	s16 =	sadd.s32 s3, s16  }
0x2cd: {  	[spmem:s15@s14], [sflag:s4] =	dma.strided [hbm:s16@s14], $0x180, s13, $0x10   }
0x2ce: {  	s15 =	simm.s32 $0x1;
	s16 =	simm.s32 $0x11;
	_ =	swait.ge @!p1 [sflag:s17], $0x180  }
.LBB1_9:
0x2cf: {  	[sflag:s17] =	ssyncset.done @!p1 $0x0  }
0x2d0: {  	s12 =	sadd.s32 $0x80, s12;
	s18 =	smov.u32 s15;
	s15 =	sadd.s32 $0x1, s15  }
0x2d1: {  	p0 =	sne.s32 s15, $0x40;
	[sflag:s17] =	ssyncadd.s32 @!p1 $0xFFFFFE80  }
0x2d2: {  	s17 =	sld [smem:s16+$0x0];
	_ =	sdelay $0x2  }
0x2d3: {  	s19 =	sshrl.u32 s18, $0x3  }
0x2d4: {  	s19 =	smul.u32 $0x18000, s19;
	s20 =	sshrl.u32 s17, $0x3;
	s17 =	sshll.u32 s17, $0x7  }
0x2d5: {  	s20 =	smul.u32 $0x6000, s20  }
0x2d6: {  	s21 =	sand.u32 $0x380, s12;
	s19 =	sshra.s32 s19, $0x2;
	s17 =	sand.u32 $0x380, s17  }
0x2d7: {  	s19 =	sor.u32 s21, s19;
	s17 =	sor.u32 s17, s20  }
0x2d8: {  	p1 =	slt.u32 s18, $0x20;
	s19 =	sadd.s32 $0x180800, s19;
	s17 =	sshrl.u32 s17, $0x3  }
.Ltmp4:
0x2d9: {  	s19 =	sshrl.u32 s19, $0x3;
	s17 =	sadd.s32 s3, s17;
	(pc) =	sbr.rel @p0 .LBB1_9-.Ltmp4, $3  }
0x2da: {  	[spmem:s19@s14], [sflag:s4] =	dma.strided [hbm:s17@s14], $0x180, s13, $0x10   }
0x2db: {  	s17 =	simm.s32 @!p1 $0xA  }
0x2dc: {  	s16 =	sadd.s32 $0x1, s16;
	_ =	swait.ge @!p1 [sflag:s17], $0x180  }
0x2dd: {  	[sflag:s17] =	ssyncset.done @!p1 $0x0  }
0x2de: {  	[sflag:s17] =	ssyncadd.s32 @!p1 $0xFFFFFE80;
	_ =	sdelay $0x1  }
0x2df: {  	s12 =	simm.s32 $0xA  }
0x2e0: {  	_ =	swait.ge [sflag:s12], $0x180  }
0x2e1: {  	[sflag:s12] =	ssyncset.done $0x0  }
0x2e2: {  	[sflag:s12] =	ssyncadd.s32 $0xFFFFFE80;
	_ =	sdelay $0x2  }
0x2e3: {  	_ =	swait.ge [sflag:s12], $0x180  }
0x2e4: {  	[sflag:s12] =	ssyncset.done $0x0  }
0x2e5: {  	[sflag:s12] =	ssyncadd.s32 $0xFFFFFE80;
	_ =	sdelay $0x2  }
0x2e6: {  	_ =	swait.ge [sflag:s12], $0x180  }
0x2e7: {  	[sflag:s12] =	ssyncset.done $0x0  }
0x2e8: {  	[sflag:s12] =	ssyncadd.s32 $0xFFFFFE80;
	_ =	sdelay $0x2  }
0x2e9: {  	_ =	swait.ge [sflag:s12], $0x180  }
0x2ea: {  	[sflag:s12] =	ssyncset.done $0x0  }
0x2eb: {  	[sflag:s12] =	ssyncadd.s32 $0xFFFFFE80;
	_ =	sdelay $0x2  }
0x2ec: {  	_ =	swait.ge [sflag:s12], $0x180  }
0x2ed: {  	[sflag:s12] =	ssyncset.done $0x0  }
0x2ee: {  	[sflag:s12] =	ssyncadd.s32 $0xFFFFFE80;
	_ =	sdelay $0x2  }
0x2ef: {  	_ =	swait.ge [sflag:s12], $0x180  }
0x2f0: {  	[sflag:s12] =	ssyncset.done $0x0  }
0x2f1: {  	[sflag:s12] =	ssyncadd.s32 $0xFFFFFE80;
	_ =	sdelay $0x2  }
0x2f2: {  	_ =	swait.ge [sflag:s12], $0x180  }
0x2f3: {  	[sflag:s12] =	ssyncset.done $0x0  }
0x2f4: {  	[sflag:s12] =	ssyncadd.s32 $0xFFFFFE80;
	_ =	sdelay $0x2  }
0x2f5: {  	_ =	swait.ge [sflag:s12], $0x180  }
0x2f6: {  	[sflag:s12] =	ssyncset.done $0x0  }
0x2f7: {  	[sflag:s12] =	ssyncadd.s32 $0xFFFFFE80;
	_ =	sdelay $0x2  }
0x2f8: {  	_ =	swait.ge [sflag:s12], $0x180  }
0x2f9: {  	[sflag:s12] =	ssyncset.done $0x0  }
0x2fa: {  	[sflag:s12] =	ssyncadd.s32 $0xFFFFFE80;
	_ =	sdelay $0x2  }
0x2fb: {  	_ =	swait.ge [sflag:s12], $0x180  }
0x2fc: {  	[sflag:s12] =	ssyncset.done $0x0  }
0x2fd: {  	[sflag:s12] =	ssyncadd.s32 $0xFFFFFE80;
	_ =	sdelay $0x2  }
0x2fe: {  	_ =	swait.ge [sflag:s12], $0x180  }
0x2ff: {  	[sflag:s12] =	ssyncset.done $0x0  }
0x300: {  	[sflag:s12] =	ssyncadd.s32 $0xFFFFFE80;
	_ =	sdelay $0x2  }
0x301: {  	_ =	swait.ge [sflag:s12], $0x180  }
0x302: {  	[sflag:s12] =	ssyncset.done $0x0  }
0x303: {  	[sflag:s12] =	ssyncadd.s32 $0xFFFFFE80;
	_ =	sdelay $0x2  }
0x304: {  	_ =	swait.ge [sflag:s12], $0x180  }
0x305: {  	[sflag:s12] =	ssyncset.done $0x0  }
0x306: {  	[sflag:s12] =	ssyncadd.s32 $0xFFFFFE80;
	_ =	sdelay $0x2  }
0x307: {  	_ =	swait.ge [sflag:s12], $0x180  }
0x308: {  	[sflag:s12] =	ssyncset.done $0x0  }
0x309: {  	[sflag:s12] =	ssyncadd.s32 $0xFFFFFE80;
	_ =	sdelay $0x2  }
0x30a: {  	_ =	swait.ge [sflag:s12], $0x180  }
0x30b: {  	[sflag:s12] =	ssyncset.done $0x0  }
0x30c: {  	[sflag:s12] =	ssyncadd.s32 $0xFFFFFE80;
	_ =	sdelay $0x2  }
0x30d: {  	_ =	swait.ge [sflag:s12], $0x180  }
0x30e: {  	[sflag:s12] =	ssyncset.done $0x0  }
0x30f: {  	[sflag:s12] =	ssyncadd.s32 $0xFFFFFE80;
	_ =	sdelay $0x2  }
0x310: {  	_ =	swait.ge [sflag:s12], $0x180  }
0x311: {  	[sflag:s12] =	ssyncset.done $0x0  }
0x312: {  	[sflag:s12] =	ssyncadd.s32 $0xFFFFFE80;
	_ =	sdelay $0x2  }
0x313: {  	_ =	swait.ge [sflag:s12], $0x180  }
0x314: {  	[sflag:s12] =	ssyncset.done $0x0  }
0x315: {  	[sflag:s12] =	ssyncadd.s32 $0xFFFFFE80;
	_ =	sdelay $0x2  }
0x316: {  	_ =	swait.ge [sflag:s12], $0x180  }
0x317: {  	[sflag:s12] =	ssyncset.done $0x0  }
0x318: {  	[sflag:s12] =	ssyncadd.s32 $0xFFFFFE80;
	_ =	sdelay $0x2  }
0x319: {  	_ =	swait.ge [sflag:s12], $0x180  }
0x31a: {  	[sflag:s12] =	ssyncset.done $0x0  }
0x31b: {  	[sflag:s12] =	ssyncadd.s32 $0xFFFFFE80;
	_ =	sdelay $0x2  }
0x31c: {  	_ =	swait.ge [sflag:s12], $0x180  }
0x31d: {  	[sflag:s12] =	ssyncset.done $0x0  }
0x31e: {  	[sflag:s12] =	ssyncadd.s32 $0xFFFFFE80;
	_ =	sdelay $0x2  }
0x31f: {  	_ =	swait.ge [sflag:s12], $0x180  }
0x320: {  	[sflag:s12] =	ssyncset.done $0x0  }
0x321: {  	[sflag:s12] =	ssyncadd.s32 $0xFFFFFE80;
	_ =	sdelay $0x2  }
0x322: {  	_ =	swait.ge [sflag:s12], $0x180  }
0x323: {  	[sflag:s12] =	ssyncset.done $0x0  }
0x324: {  	[sflag:s12] =	ssyncadd.s32 $0xFFFFFE80;
	_ =	sdelay $0x2  }
0x325: {  	_ =	swait.ge [sflag:s12], $0x180  }
0x326: {  	[sflag:s12] =	ssyncset.done $0x0  }
0x327: {  	[sflag:s12] =	ssyncadd.s32 $0xFFFFFE80;
	_ =	sdelay $0x2  }
0x328: {  	_ =	swait.ge [sflag:s12], $0x180  }
0x329: {  	[sflag:s12] =	ssyncset.done $0x0  }
0x32a: {  	[sflag:s12] =	ssyncadd.s32 $0xFFFFFE80;
	_ =	sdelay $0x2  }
0x32b: {  	_ =	swait.ge [sflag:s12], $0x180  }
0x32c: {  	[sflag:s12] =	ssyncset.done $0x0  }
0x32d: {  	[sflag:s12] =	ssyncadd.s32 $0xFFFFFE80;
	_ =	sdelay $0x2  }
0x32e: {  	_ =	swait.ge [sflag:s12], $0x180  }
0x32f: {  	[sflag:s12] =	ssyncset.done $0x0  }
0x330: {  	[sflag:s12] =	ssyncadd.s32 $0xFFFFFE80;
	_ =	sdelay $0x2  }
0x331: {  	_ =	swait.ge [sflag:s12], $0x180  }
0x332: {  	[sflag:s12] =	ssyncset.done $0x0  }
0x333: {  	[sflag:s12] =	ssyncadd.s32 $0xFFFFFE80;
	_ =	sdelay $0x2  }
0x334: {  	_ =	swait.ge [sflag:s12], $0x180  }
0x335: {  	[sflag:s12] =	ssyncset.done $0x0  }
0x336: {  	[sflag:s12] =	ssyncadd.s32 $0xFFFFFE80;
	_ =	sdelay $0x2  }
0x337: {  	_ =	swait.ge [sflag:s12], $0x180  }
0x338: {  	[sflag:s12] =	ssyncset.done $0x0  }
0x339: {  	[sflag:s12] =	ssyncadd.s32 $0xFFFFFE80;
	_ =	sdelay $0x2  }
0x33a: {  	_ =	swait.ge [sflag:s12], $0x180  }
0x33b: {  	[sflag:s12] =	ssyncset.done $0x0  }
0x33c: {  	[sflag:s12] =	ssyncadd.s32 $0xFFFFFE80;
	_ =	sdelay $0x2  }
0x33d: {  	_ =	swait.ge [sflag:s12], $0x180  }
0x33e: {  	s11 =	smul.u32 $0xC00, s11;
	[sflag:s12] =	ssyncset.done $0x0  }
0x33f: {  	[sflag:s12] =	ssyncadd.s32 $0xFFFFFE80  }
0x340: {  	s28 =	simm.s32 $0x30100;
	s29 =	simm.s32 $0xC;
	s11 =	sadd.s32 s11, s2  }
0x341: {  	[hbm:s11], [sflag:s7] =	dma.local [spmem:s28], $0x6000  }
0x342: {  	_ =	swait.ge [sflag:s29], $0x6000  }
0x343: {  	[sflag:s29] =	ssyncset.done $0x0  }
0x344: {  	[sflag:s29] =	ssyncadd.s32 $0xFFFFA000  }
0x345: {  	s30 =	sld [smem:$0x50]  }
0x346: {  	s31 =	simm.s32 $0x0  }
0x347: {  	s14 =	smul.u32 $0x18000, s31;
	_ =	sdelay $0x1  }
0x348: {  	s14 =	sshra.s32 s14, $0x2;
	s11 =	simm.s32 $0x0;
	s13 =	sshrl.u32 s30, $0x3  }
0x349: {  	s16 =	sand.u32 $0x380, s11;
	s12 =	sshll.u32 s30, $0x7;
	s13 =	smul.u32 $0x6000, s13  }
0x34a: {  	s14 =	sor.u32 s16, s14;
	s15 =	sand.u32 $0x380, s12  }
0x34b: {  	p1 =	por $0x1, $0x1;
	s14 =	sadd.s32 $0x1B0800, s14;
	s15 =	sor.u32 s15, s13  }
0x34c: {  	s16 =	simm.s32 @!p1 $0xA;
	s14 =	sshrl.u32 s14, $0x3;
	s15 =	sshrl.u32 s15, $0x3  }
0x34d: {  	s12 =	simm.s32 $0x1;
	s13 =	simm.s32 $0x80;
	s15 =	sadd.s32 s3, s15  }
0x34e: {  	[spmem:s14@s13], [sflag:s4] =	dma.strided [hbm:s15@s13], $0x180, s12, $0x10   }
0x34f: {  	s14 =	simm.s32 $0x1;
	s15 =	simm.s32 $0x51;
	_ =	swait.ge @!p1 [sflag:s16], $0x180  }
.LBB1_11:
0x350: {  	[sflag:s16] =	ssyncset.done @!p1 $0x0  }
0x351: {  	s11 =	sadd.s32 $0x80, s11;
	s17 =	smov.u32 s14;
	s14 =	sadd.s32 $0x1, s14  }
0x352: {  	p0 =	sne.s32 s14, $0x40;
	[sflag:s16] =	ssyncadd.s32 @!p1 $0xFFFFFE80  }
0x353: {  	s16 =	sld [smem:s15+$0x0];
	_ =	sdelay $0x2  }
0x354: {  	s18 =	sshrl.u32 s17, $0x3  }
0x355: {  	s18 =	smul.u32 $0x18000, s18;
	s19 =	sshrl.u32 s16, $0x3;
	s16 =	sshll.u32 s16, $0x7  }
0x356: {  	s19 =	smul.u32 $0x6000, s19  }
0x357: {  	s20 =	sand.u32 $0x380, s11;
	s18 =	sshra.s32 s18, $0x2;
	s16 =	sand.u32 $0x380, s16  }
0x358: {  	s18 =	sor.u32 s20, s18;
	s16 =	sor.u32 s16, s19  }
0x359: {  	p1 =	slt.u32 s17, $0x20;
	s18 =	sadd.s32 $0x1B0800, s18;
	s16 =	sshrl.u32 s16, $0x3  }
.Ltmp5:
0x35a: {  	s18 =	sshrl.u32 s18, $0x3;
	s16 =	sadd.s32 s3, s16;
	(pc) =	sbr.rel @p0 .LBB1_11-.Ltmp5, $3  }
0x35b: {  	[spmem:s18@s13], [sflag:s4] =	dma.strided [hbm:s16@s13], $0x180, s12, $0x10   }
0x35c: {  	s16 =	simm.s32 @!p1 $0xA  }
0x35d: {  	s15 =	sadd.s32 $0x1, s15;
	_ =	swait.ge @!p1 [sflag:s16], $0x180  }
0x35e: {  	[sflag:s16] =	ssyncset.done @!p1 $0x0  }
0x35f: {  	[sflag:s16] =	ssyncadd.s32 @!p1 $0xFFFFFE80;
	_ =	sdelay $0x1  }
0x360: {  	s11 =	simm.s32 $0xA  }
0x361: {  	_ =	swait.ge [sflag:s11], $0x180  }
0x362: {  	[sflag:s11] =	ssyncset.done $0x0  }
0x363: {  	[sflag:s11] =	ssyncadd.s32 $0xFFFFFE80;
	_ =	sdelay $0x2  }
0x364: {  	_ =	swait.ge [sflag:s11], $0x180  }
0x365: {  	[sflag:s11] =	ssyncset.done $0x0  }
0x366: {  	[sflag:s11] =	ssyncadd.s32 $0xFFFFFE80;
	_ =	sdelay $0x2  }
0x367: {  	_ =	swait.ge [sflag:s11], $0x180  }
0x368: {  	[sflag:s11] =	ssyncset.done $0x0  }
0x369: {  	[sflag:s11] =	ssyncadd.s32 $0xFFFFFE80;
	_ =	sdelay $0x2  }
0x36a: {  	_ =	swait.ge [sflag:s11], $0x180  }
0x36b: {  	[sflag:s11] =	ssyncset.done $0x0  }
0x36c: {  	[sflag:s11] =	ssyncadd.s32 $0xFFFFFE80;
	_ =	sdelay $0x2  }
0x36d: {  	_ =	swait.ge [sflag:s11], $0x180  }
0x36e: {  	[sflag:s11] =	ssyncset.done $0x0  }
0x36f: {  	[sflag:s11] =	ssyncadd.s32 $0xFFFFFE80;
	_ =	sdelay $0x2  }
0x370: {  	_ =	swait.ge [sflag:s11], $0x180  }
0x371: {  	[sflag:s11] =	ssyncset.done $0x0  }
0x372: {  	[sflag:s11] =	ssyncadd.s32 $0xFFFFFE80;
	_ =	sdelay $0x2  }
0x373: {  	_ =	swait.ge [sflag:s11], $0x180  }
0x374: {  	[sflag:s11] =	ssyncset.done $0x0  }
0x375: {  	[sflag:s11] =	ssyncadd.s32 $0xFFFFFE80;
	_ =	sdelay $0x2  }
0x376: {  	_ =	swait.ge [sflag:s11], $0x180  }
0x377: {  	[sflag:s11] =	ssyncset.done $0x0  }
0x378: {  	[sflag:s11] =	ssyncadd.s32 $0xFFFFFE80;
	_ =	sdelay $0x2  }
0x379: {  	_ =	swait.ge [sflag:s11], $0x180  }
0x37a: {  	[sflag:s11] =	ssyncset.done $0x0  }
0x37b: {  	[sflag:s11] =	ssyncadd.s32 $0xFFFFFE80;
	_ =	sdelay $0x2  }
0x37c: {  	_ =	swait.ge [sflag:s11], $0x180  }
0x37d: {  	[sflag:s11] =	ssyncset.done $0x0  }
0x37e: {  	[sflag:s11] =	ssyncadd.s32 $0xFFFFFE80;
	_ =	sdelay $0x2  }
0x37f: {  	_ =	swait.ge [sflag:s11], $0x180  }
0x380: {  	[sflag:s11] =	ssyncset.done $0x0  }
0x381: {  	[sflag:s11] =	ssyncadd.s32 $0xFFFFFE80;
	_ =	sdelay $0x2  }
0x382: {  	_ =	swait.ge [sflag:s11], $0x180  }
0x383: {  	[sflag:s11] =	ssyncset.done $0x0  }
0x384: {  	[sflag:s11] =	ssyncadd.s32 $0xFFFFFE80;
	_ =	sdelay $0x2  }
0x385: {  	_ =	swait.ge [sflag:s11], $0x180  }
0x386: {  	[sflag:s11] =	ssyncset.done $0x0  }
0x387: {  	[sflag:s11] =	ssyncadd.s32 $0xFFFFFE80;
	_ =	sdelay $0x2  }
0x388: {  	_ =	swait.ge [sflag:s11], $0x180  }
0x389: {  	[sflag:s11] =	ssyncset.done $0x0  }
0x38a: {  	[sflag:s11] =	ssyncadd.s32 $0xFFFFFE80;
	_ =	sdelay $0x2  }
0x38b: {  	_ =	swait.ge [sflag:s11], $0x180  }
0x38c: {  	[sflag:s11] =	ssyncset.done $0x0  }
0x38d: {  	[sflag:s11] =	ssyncadd.s32 $0xFFFFFE80;
	_ =	sdelay $0x2  }
0x38e: {  	_ =	swait.ge [sflag:s11], $0x180  }
0x38f: {  	[sflag:s11] =	ssyncset.done $0x0  }
0x390: {  	[sflag:s11] =	ssyncadd.s32 $0xFFFFFE80;
	_ =	sdelay $0x2  }
0x391: {  	_ =	swait.ge [sflag:s11], $0x180  }
0x392: {  	[sflag:s11] =	ssyncset.done $0x0  }
0x393: {  	[sflag:s11] =	ssyncadd.s32 $0xFFFFFE80;
	_ =	sdelay $0x2  }
0x394: {  	_ =	swait.ge [sflag:s11], $0x180  }
0x395: {  	[sflag:s11] =	ssyncset.done $0x0  }
0x396: {  	[sflag:s11] =	ssyncadd.s32 $0xFFFFFE80;
	_ =	sdelay $0x2  }
0x397: {  	_ =	swait.ge [sflag:s11], $0x180  }
0x398: {  	[sflag:s11] =	ssyncset.done $0x0  }
0x399: {  	[sflag:s11] =	ssyncadd.s32 $0xFFFFFE80;
	_ =	sdelay $0x2  }
0x39a: {  	_ =	swait.ge [sflag:s11], $0x180  }
0x39b: {  	[sflag:s11] =	ssyncset.done $0x0  }
0x39c: {  	[sflag:s11] =	ssyncadd.s32 $0xFFFFFE80;
	_ =	sdelay $0x2  }
0x39d: {  	_ =	swait.ge [sflag:s11], $0x180  }
0x39e: {  	[sflag:s11] =	ssyncset.done $0x0  }
0x39f: {  	[sflag:s11] =	ssyncadd.s32 $0xFFFFFE80;
	_ =	sdelay $0x2  }
0x3a0: {  	_ =	swait.ge [sflag:s11], $0x180  }
0x3a1: {  	[sflag:s11] =	ssyncset.done $0x0  }
0x3a2: {  	[sflag:s11] =	ssyncadd.s32 $0xFFFFFE80;
	_ =	sdelay $0x2  }
0x3a3: {  	_ =	swait.ge [sflag:s11], $0x180  }
0x3a4: {  	[sflag:s11] =	ssyncset.done $0x0  }
0x3a5: {  	[sflag:s11] =	ssyncadd.s32 $0xFFFFFE80;
	_ =	sdelay $0x2  }
0x3a6: {  	_ =	swait.ge [sflag:s11], $0x180  }
0x3a7: {  	[sflag:s11] =	ssyncset.done $0x0  }
0x3a8: {  	[sflag:s11] =	ssyncadd.s32 $0xFFFFFE80;
	_ =	sdelay $0x2  }
0x3a9: {  	_ =	swait.ge [sflag:s11], $0x180  }
0x3aa: {  	[sflag:s11] =	ssyncset.done $0x0  }
0x3ab: {  	[sflag:s11] =	ssyncadd.s32 $0xFFFFFE80;
	_ =	sdelay $0x2  }
0x3ac: {  	_ =	swait.ge [sflag:s11], $0x180  }
0x3ad: {  	[sflag:s11] =	ssyncset.done $0x0  }
0x3ae: {  	[sflag:s11] =	ssyncadd.s32 $0xFFFFFE80;
	_ =	sdelay $0x2  }
0x3af: {  	_ =	swait.ge [sflag:s11], $0x180  }
0x3b0: {  	[sflag:s11] =	ssyncset.done $0x0  }
0x3b1: {  	[sflag:s11] =	ssyncadd.s32 $0xFFFFFE80;
	_ =	sdelay $0x2  }
0x3b2: {  	_ =	swait.ge [sflag:s11], $0x180  }
0x3b3: {  	[sflag:s11] =	ssyncset.done $0x0  }
0x3b4: {  	[sflag:s11] =	ssyncadd.s32 $0xFFFFFE80;
	_ =	sdelay $0x2  }
0x3b5: {  	_ =	swait.ge [sflag:s11], $0x180  }
0x3b6: {  	[sflag:s11] =	ssyncset.done $0x0  }
0x3b7: {  	[sflag:s11] =	ssyncadd.s32 $0xFFFFFE80;
	_ =	sdelay $0x2  }
0x3b8: {  	_ =	swait.ge [sflag:s11], $0x180  }
0x3b9: {  	[sflag:s11] =	ssyncset.done $0x0  }
0x3ba: {  	[sflag:s11] =	ssyncadd.s32 $0xFFFFFE80;
	_ =	sdelay $0x2  }
0x3bb: {  	_ =	swait.ge [sflag:s11], $0x180  }
0x3bc: {  	[sflag:s11] =	ssyncset.done $0x0  }
0x3bd: {  	[sflag:s11] =	ssyncadd.s32 $0xFFFFFE80;
	_ =	sdelay $0x2  }
0x3be: {  	s10 =	sadd.s32 $0x13E000, s10;
	s23 =	simm.s32 $0x36100;
	_ =	swait.ge [sflag:s11], $0x180  }
0x3bf: {  	s8 =	sor.u32 $0x1B0, s8;
	s24 =	simm.s32 $0x10;
	[sflag:s11] =	ssyncset.done $0x0  }
0x3c0: {  	s25 =	simm.s32 $0xD;
	s5 =	sadd.s32 s8, s5;
	[sflag:s11] =	ssyncadd.s32 $0xFFFFFE80  }
0x3c1: {  	[hbm:s10], [sflag:s6] =	dma.local [spmem:s23], $0x6000  }
0x3c2: {  	[smem:s24], [sflag:s9] =	dma.local [hbm:s5], $0x10  }
0x3c3: {  	_ =	swait.ge [sflag:s25], $0x10  }
0x3c4: {  	[sflag:s25] =	ssyncset.done $0x0  }
0x3c5: {  	[sflag:s25] =	ssyncadd.s32 $0xFFFFFFF0;
	_ =	sdelay $0x1  }
0x3c6: {  	s26 =	simm.s32 $0xB  }
0x3c7: {  	_ =	swait.ge [sflag:s26], $0x6000  }
0x3c8: {  	[sflag:s26] =	ssyncset.done $0x0  }
0x3c9: {  	[sflag:s26] =	ssyncadd.s32 $0xFFFFA000  }
0x3ca: {  	s28 =	sld [smem:$0x10]  }
0x3cb: {  	s29 =	simm.s32 $0x0  }
0x3cc: {  	s31 =	smul.u32 $0x18000, s29;
	_ =	sdelay $0x1  }
0x3cd: {  	s11 =	sshra.s32 s31, $0x2;
	s5 =	simm.s32 $0x0;
	s30 =	sshrl.u32 s28, $0x3  }
0x3ce: {  	s13 =	sand.u32 $0x380, s5;
	s9 =	sshll.u32 s28, $0x7;
	s10 =	smul.u32 $0x6000, s30  }
0x3cf: {  	s11 =	sor.u32 s13, s11;
	s12 =	sand.u32 $0x380, s9  }
0x3d0: {  	p1 =	por $0x1, $0x1;
	s11 =	sadd.s32 $0x180800, s11;
	s12 =	sor.u32 s12, s10  }
0x3d1: {  	s13 =	simm.s32 @!p1 $0xA;
	s11 =	sshrl.u32 s11, $0x3;
	s12 =	sshrl.u32 s12, $0x3  }
0x3d2: {  	s9 =	simm.s32 $0x1;
	s10 =	simm.s32 $0x80;
	s12 =	sadd.s32 s3, s12  }
0x3d3: {  	[spmem:s11@s10], [sflag:s4] =	dma.strided [hbm:s12@s10], $0x180, s9, $0x10   }
0x3d4: {  	s11 =	simm.s32 $0x1;
	s12 =	simm.s32 $0x11;
	_ =	swait.ge @!p1 [sflag:s13], $0x180  }
.LBB1_13:
0x3d5: {  	[sflag:s13] =	ssyncset.done @!p1 $0x0  }
0x3d6: {  	s5 =	sadd.s32 $0x80, s5;
	s14 =	smov.u32 s11;
	s11 =	sadd.s32 $0x1, s11  }
0x3d7: {  	p0 =	sne.s32 s11, $0x40;
	[sflag:s13] =	ssyncadd.s32 @!p1 $0xFFFFFE80  }
0x3d8: {  	s13 =	sld [smem:s12+$0x0];
	_ =	sdelay $0x2  }
0x3d9: {  	s15 =	sshrl.u32 s14, $0x3  }
0x3da: {  	s15 =	smul.u32 $0x18000, s15;
	s16 =	sshrl.u32 s13, $0x3;
	s13 =	sshll.u32 s13, $0x7  }
0x3db: {  	s16 =	smul.u32 $0x6000, s16  }
0x3dc: {  	s17 =	sand.u32 $0x380, s5;
	s15 =	sshra.s32 s15, $0x2;
	s13 =	sand.u32 $0x380, s13  }
0x3dd: {  	s15 =	sor.u32 s17, s15;
	s13 =	sor.u32 s13, s16  }
0x3de: {  	p1 =	slt.u32 s14, $0x20;
	s15 =	sadd.s32 $0x180800, s15;
	s13 =	sshrl.u32 s13, $0x3  }
.Ltmp6:
0x3df: {  	s15 =	sshrl.u32 s15, $0x3;
	s13 =	sadd.s32 s3, s13;
	(pc) =	sbr.rel @p0 .LBB1_13-.Ltmp6, $3  }
0x3e0: {  	[spmem:s15@s10], [sflag:s4] =	dma.strided [hbm:s13@s10], $0x180, s9, $0x10   }
0x3e1: {  	s13 =	simm.s32 @!p1 $0xA  }
0x3e2: {  	s12 =	sadd.s32 $0x1, s12;
	_ =	swait.ge @!p1 [sflag:s13], $0x180  }
0x3e3: {  	[sflag:s13] =	ssyncset.done @!p1 $0x0  }
0x3e4: {  	[sflag:s13] =	ssyncadd.s32 @!p1 $0xFFFFFE80;
	_ =	sdelay $0x1  }
0x3e5: {  	s5 =	simm.s32 $0xA  }
0x3e6: {  	_ =	swait.ge [sflag:s5], $0x180  }
0x3e7: {  	[sflag:s5] =	ssyncset.done $0x0  }
0x3e8: {  	[sflag:s5] =	ssyncadd.s32 $0xFFFFFE80;
	_ =	sdelay $0x2  }
0x3e9: {  	_ =	swait.ge [sflag:s5], $0x180  }
0x3ea: {  	[sflag:s5] =	ssyncset.done $0x0  }
0x3eb: {  	[sflag:s5] =	ssyncadd.s32 $0xFFFFFE80;
	_ =	sdelay $0x2  }
0x3ec: {  	_ =	swait.ge [sflag:s5], $0x180  }
0x3ed: {  	[sflag:s5] =	ssyncset.done $0x0  }
0x3ee: {  	[sflag:s5] =	ssyncadd.s32 $0xFFFFFE80;
	_ =	sdelay $0x2  }
0x3ef: {  	_ =	swait.ge [sflag:s5], $0x180  }
0x3f0: {  	[sflag:s5] =	ssyncset.done $0x0  }
0x3f1: {  	[sflag:s5] =	ssyncadd.s32 $0xFFFFFE80;
	_ =	sdelay $0x2  }
0x3f2: {  	_ =	swait.ge [sflag:s5], $0x180  }
0x3f3: {  	[sflag:s5] =	ssyncset.done $0x0  }
0x3f4: {  	[sflag:s5] =	ssyncadd.s32 $0xFFFFFE80;
	_ =	sdelay $0x2  }
0x3f5: {  	_ =	swait.ge [sflag:s5], $0x180  }
0x3f6: {  	[sflag:s5] =	ssyncset.done $0x0  }
0x3f7: {  	[sflag:s5] =	ssyncadd.s32 $0xFFFFFE80;
	_ =	sdelay $0x2  }
0x3f8: {  	_ =	swait.ge [sflag:s5], $0x180  }
0x3f9: {  	[sflag:s5] =	ssyncset.done $0x0  }
0x3fa: {  	[sflag:s5] =	ssyncadd.s32 $0xFFFFFE80;
	_ =	sdelay $0x2  }
0x3fb: {  	_ =	swait.ge [sflag:s5], $0x180  }
0x3fc: {  	[sflag:s5] =	ssyncset.done $0x0  }
0x3fd: {  	[sflag:s5] =	ssyncadd.s32 $0xFFFFFE80;
	_ =	sdelay $0x2  }
0x3fe: {  	_ =	swait.ge [sflag:s5], $0x180  }
0x3ff: {  	[sflag:s5] =	ssyncset.done $0x0  }
0x400: {  	[sflag:s5] =	ssyncadd.s32 $0xFFFFFE80;
	_ =	sdelay $0x2  }
0x401: {  	_ =	swait.ge [sflag:s5], $0x180  }
0x402: {  	[sflag:s5] =	ssyncset.done $0x0  }
0x403: {  	[sflag:s5] =	ssyncadd.s32 $0xFFFFFE80;
	_ =	sdelay $0x2  }
0x404: {  	_ =	swait.ge [sflag:s5], $0x180  }
0x405: {  	[sflag:s5] =	ssyncset.done $0x0  }
0x406: {  	[sflag:s5] =	ssyncadd.s32 $0xFFFFFE80;
	_ =	sdelay $0x2  }
0x407: {  	_ =	swait.ge [sflag:s5], $0x180  }
0x408: {  	[sflag:s5] =	ssyncset.done $0x0  }
0x409: {  	[sflag:s5] =	ssyncadd.s32 $0xFFFFFE80;
	_ =	sdelay $0x2  }
0x40a: {  	_ =	swait.ge [sflag:s5], $0x180  }
0x40b: {  	[sflag:s5] =	ssyncset.done $0x0  }
0x40c: {  	[sflag:s5] =	ssyncadd.s32 $0xFFFFFE80;
	_ =	sdelay $0x2  }
0x40d: {  	_ =	swait.ge [sflag:s5], $0x180  }
0x40e: {  	[sflag:s5] =	ssyncset.done $0x0  }
0x40f: {  	[sflag:s5] =	ssyncadd.s32 $0xFFFFFE80;
	_ =	sdelay $0x2  }
0x410: {  	_ =	swait.ge [sflag:s5], $0x180  }
0x411: {  	[sflag:s5] =	ssyncset.done $0x0  }
0x412: {  	[sflag:s5] =	ssyncadd.s32 $0xFFFFFE80;
	_ =	sdelay $0x2  }
0x413: {  	_ =	swait.ge [sflag:s5], $0x180  }
0x414: {  	[sflag:s5] =	ssyncset.done $0x0  }
0x415: {  	[sflag:s5] =	ssyncadd.s32 $0xFFFFFE80;
	_ =	sdelay $0x2  }
0x416: {  	_ =	swait.ge [sflag:s5], $0x180  }
0x417: {  	[sflag:s5] =	ssyncset.done $0x0  }
0x418: {  	[sflag:s5] =	ssyncadd.s32 $0xFFFFFE80;
	_ =	sdelay $0x2  }
0x419: {  	_ =	swait.ge [sflag:s5], $0x180  }
0x41a: {  	[sflag:s5] =	ssyncset.done $0x0  }
0x41b: {  	[sflag:s5] =	ssyncadd.s32 $0xFFFFFE80;
	_ =	sdelay $0x2  }
0x41c: {  	_ =	swait.ge [sflag:s5], $0x180  }
0x41d: {  	[sflag:s5] =	ssyncset.done $0x0  }
0x41e: {  	[sflag:s5] =	ssyncadd.s32 $0xFFFFFE80;
	_ =	sdelay $0x2  }
0x41f: {  	_ =	swait.ge [sflag:s5], $0x180  }
0x420: {  	[sflag:s5] =	ssyncset.done $0x0  }
0x421: {  	[sflag:s5] =	ssyncadd.s32 $0xFFFFFE80;
	_ =	sdelay $0x2  }
0x422: {  	_ =	swait.ge [sflag:s5], $0x180  }
0x423: {  	[sflag:s5] =	ssyncset.done $0x0  }
0x424: {  	[sflag:s5] =	ssyncadd.s32 $0xFFFFFE80;
	_ =	sdelay $0x2  }
0x425: {  	_ =	swait.ge [sflag:s5], $0x180  }
0x426: {  	[sflag:s5] =	ssyncset.done $0x0  }
0x427: {  	[sflag:s5] =	ssyncadd.s32 $0xFFFFFE80;
	_ =	sdelay $0x2  }
0x428: {  	_ =	swait.ge [sflag:s5], $0x180  }
0x429: {  	[sflag:s5] =	ssyncset.done $0x0  }
0x42a: {  	[sflag:s5] =	ssyncadd.s32 $0xFFFFFE80;
	_ =	sdelay $0x2  }
0x42b: {  	_ =	swait.ge [sflag:s5], $0x180  }
0x42c: {  	[sflag:s5] =	ssyncset.done $0x0  }
0x42d: {  	[sflag:s5] =	ssyncadd.s32 $0xFFFFFE80;
	_ =	sdelay $0x2  }
0x42e: {  	_ =	swait.ge [sflag:s5], $0x180  }
0x42f: {  	[sflag:s5] =	ssyncset.done $0x0  }
0x430: {  	[sflag:s5] =	ssyncadd.s32 $0xFFFFFE80;
	_ =	sdelay $0x2  }
0x431: {  	_ =	swait.ge [sflag:s5], $0x180  }
0x432: {  	[sflag:s5] =	ssyncset.done $0x0  }
0x433: {  	[sflag:s5] =	ssyncadd.s32 $0xFFFFFE80;
	_ =	sdelay $0x2  }
0x434: {  	_ =	swait.ge [sflag:s5], $0x180  }
0x435: {  	[sflag:s5] =	ssyncset.done $0x0  }
0x436: {  	[sflag:s5] =	ssyncadd.s32 $0xFFFFFE80;
	_ =	sdelay $0x2  }
0x437: {  	_ =	swait.ge [sflag:s5], $0x180  }
0x438: {  	[sflag:s5] =	ssyncset.done $0x0  }
0x439: {  	[sflag:s5] =	ssyncadd.s32 $0xFFFFFE80;
	_ =	sdelay $0x2  }
0x43a: {  	_ =	swait.ge [sflag:s5], $0x180  }
0x43b: {  	[sflag:s5] =	ssyncset.done $0x0  }
0x43c: {  	[sflag:s5] =	ssyncadd.s32 $0xFFFFFE80;
	_ =	sdelay $0x2  }
0x43d: {  	_ =	swait.ge [sflag:s5], $0x180  }
0x43e: {  	[sflag:s5] =	ssyncset.done $0x0  }
0x43f: {  	[sflag:s5] =	ssyncadd.s32 $0xFFFFFE80;
	_ =	sdelay $0x2  }
0x440: {  	_ =	swait.ge [sflag:s5], $0x180  }
0x441: {  	[sflag:s5] =	ssyncset.done $0x0  }
0x442: {  	[sflag:s5] =	ssyncadd.s32 $0xFFFFFE80;
	_ =	sdelay $0x2  }
0x443: {  	_ =	swait.ge [sflag:s5], $0x180  }
0x444: {  	s8 =	smul.u32 $0xC00, s8;
	[sflag:s5] =	ssyncset.done $0x0  }
0x445: {  	[sflag:s5] =	ssyncadd.s32 $0xFFFFFE80  }
0x446: {  	s26 =	simm.s32 $0x30100;
	s28 =	simm.s32 $0xC;
	s25 =	sadd.s32 s8, s2  }
0x447: {  	[hbm:s25], [sflag:s7] =	dma.local [spmem:s26], $0x6000  }
0x448: {  	_ =	swait.ge [sflag:s28], $0x6000  }
0x449: {  	[sflag:s28] =	ssyncset.done $0x0  }
0x44a: {  	[sflag:s28] =	ssyncadd.s32 $0xFFFFA000  }
0x44b: {  	s29 =	sld [smem:$0x50]  }
0x44c: {  	s30 =	simm.s32 $0x0  }
0x44d: {  	s9 =	smul.u32 $0x18000, s30;
	_ =	sdelay $0x1  }
0x44e: {  	s9 =	sshra.s32 s9, $0x2;
	s5 =	simm.s32 $0x0;
	s31 =	sshrl.u32 s29, $0x3  }
0x44f: {  	s11 =	sand.u32 $0x380, s5;
	s7 =	sshll.u32 s29, $0x7;
	s8 =	smul.u32 $0x6000, s31  }
0x450: {  	s9 =	sor.u32 s11, s9;
	s10 =	sand.u32 $0x380, s7  }
0x451: {  	p1 =	por $0x1, $0x1;
	s9 =	sadd.s32 $0x1B0800, s9;
	s10 =	sor.u32 s10, s8  }
0x452: {  	s11 =	simm.s32 @!p1 $0xA;
	s9 =	sshrl.u32 s9, $0x3;
	s10 =	sshrl.u32 s10, $0x3  }
0x453: {  	s7 =	simm.s32 $0x1;
	s8 =	simm.s32 $0x80;
	s10 =	sadd.s32 s3, s10  }
0x454: {  	[spmem:s9@s8], [sflag:s4] =	dma.strided [hbm:s10@s8], $0x180, s7, $0x10   }
0x455: {  	s9 =	simm.s32 $0x1;
	s10 =	simm.s32 $0x51;
	_ =	swait.ge @!p1 [sflag:s11], $0x180  }
.LBB1_15:
0x456: {  	[sflag:s11] =	ssyncset.done @!p1 $0x0  }
0x457: {  	s5 =	sadd.s32 $0x80, s5;
	s12 =	smov.u32 s9;
	s9 =	sadd.s32 $0x1, s9  }
0x458: {  	p0 =	sne.s32 s9, $0x40;
	[sflag:s11] =	ssyncadd.s32 @!p1 $0xFFFFFE80  }
0x459: {  	s11 =	sld [smem:s10+$0x0];
	_ =	sdelay $0x2  }
0x45a: {  	s13 =	sshrl.u32 s12, $0x3  }
0x45b: {  	s13 =	smul.u32 $0x18000, s13;
	s14 =	sshrl.u32 s11, $0x3;
	s11 =	sshll.u32 s11, $0x7  }
0x45c: {  	s14 =	smul.u32 $0x6000, s14  }
0x45d: {  	s15 =	sand.u32 $0x380, s5;
	s13 =	sshra.s32 s13, $0x2;
	s11 =	sand.u32 $0x380, s11  }
0x45e: {  	s13 =	sor.u32 s15, s13;
	s11 =	sor.u32 s11, s14  }
0x45f: {  	p1 =	slt.u32 s12, $0x20;
	s13 =	sadd.s32 $0x1B0800, s13;
	s11 =	sshrl.u32 s11, $0x3  }
.Ltmp7:
0x460: {  	s13 =	sshrl.u32 s13, $0x3;
	s11 =	sadd.s32 s3, s11;
	(pc) =	sbr.rel @p0 .LBB1_15-.Ltmp7, $3  }
0x461: {  	[spmem:s13@s8], [sflag:s4] =	dma.strided [hbm:s11@s8], $0x180, s7, $0x10   }
0x462: {  	s11 =	simm.s32 @!p1 $0xA  }
0x463: {  	s10 =	sadd.s32 $0x1, s10;
	_ =	swait.ge @!p1 [sflag:s11], $0x180  }
0x464: {  	[sflag:s11] =	ssyncset.done @!p1 $0x0  }
0x465: {  	[sflag:s11] =	ssyncadd.s32 @!p1 $0xFFFFFE80;
	_ =	sdelay $0x1  }
0x466: {  	s3 =	simm.s32 $0xA  }
0x467: {  	_ =	swait.ge [sflag:s3], $0x180  }
0x468: {  	[sflag:s3] =	ssyncset.done $0x0  }
0x469: {  	[sflag:s3] =	ssyncadd.s32 $0xFFFFFE80;
	_ =	sdelay $0x2  }
0x46a: {  	_ =	swait.ge [sflag:s3], $0x180  }
0x46b: {  	[sflag:s3] =	ssyncset.done $0x0  }
0x46c: {  	[sflag:s3] =	ssyncadd.s32 $0xFFFFFE80;
	_ =	sdelay $0x2  }
0x46d: {  	_ =	swait.ge [sflag:s3], $0x180  }
0x46e: {  	[sflag:s3] =	ssyncset.done $0x0  }
0x46f: {  	[sflag:s3] =	ssyncadd.s32 $0xFFFFFE80;
	_ =	sdelay $0x2  }
0x470: {  	_ =	swait.ge [sflag:s3], $0x180  }
0x471: {  	[sflag:s3] =	ssyncset.done $0x0  }
0x472: {  	[sflag:s3] =	ssyncadd.s32 $0xFFFFFE80;
	_ =	sdelay $0x2  }
0x473: {  	_ =	swait.ge [sflag:s3], $0x180  }
0x474: {  	[sflag:s3] =	ssyncset.done $0x0  }
0x475: {  	[sflag:s3] =	ssyncadd.s32 $0xFFFFFE80;
	_ =	sdelay $0x2  }
0x476: {  	_ =	swait.ge [sflag:s3], $0x180  }
0x477: {  	[sflag:s3] =	ssyncset.done $0x0  }
0x478: {  	[sflag:s3] =	ssyncadd.s32 $0xFFFFFE80;
	_ =	sdelay $0x2  }
0x479: {  	_ =	swait.ge [sflag:s3], $0x180  }
0x47a: {  	[sflag:s3] =	ssyncset.done $0x0  }
0x47b: {  	[sflag:s3] =	ssyncadd.s32 $0xFFFFFE80;
	_ =	sdelay $0x2  }
0x47c: {  	_ =	swait.ge [sflag:s3], $0x180  }
0x47d: {  	[sflag:s3] =	ssyncset.done $0x0  }
0x47e: {  	[sflag:s3] =	ssyncadd.s32 $0xFFFFFE80;
	_ =	sdelay $0x2  }
0x47f: {  	_ =	swait.ge [sflag:s3], $0x180  }
0x480: {  	[sflag:s3] =	ssyncset.done $0x0  }
0x481: {  	[sflag:s3] =	ssyncadd.s32 $0xFFFFFE80;
	_ =	sdelay $0x2  }
0x482: {  	_ =	swait.ge [sflag:s3], $0x180  }
0x483: {  	[sflag:s3] =	ssyncset.done $0x0  }
0x484: {  	[sflag:s3] =	ssyncadd.s32 $0xFFFFFE80;
	_ =	sdelay $0x2  }
0x485: {  	_ =	swait.ge [sflag:s3], $0x180  }
0x486: {  	[sflag:s3] =	ssyncset.done $0x0  }
0x487: {  	[sflag:s3] =	ssyncadd.s32 $0xFFFFFE80;
	_ =	sdelay $0x2  }
0x488: {  	_ =	swait.ge [sflag:s3], $0x180  }
0x489: {  	[sflag:s3] =	ssyncset.done $0x0  }
0x48a: {  	[sflag:s3] =	ssyncadd.s32 $0xFFFFFE80;
	_ =	sdelay $0x2  }
0x48b: {  	_ =	swait.ge [sflag:s3], $0x180  }
0x48c: {  	[sflag:s3] =	ssyncset.done $0x0  }
0x48d: {  	[sflag:s3] =	ssyncadd.s32 $0xFFFFFE80;
	_ =	sdelay $0x2  }
0x48e: {  	_ =	swait.ge [sflag:s3], $0x180  }
0x48f: {  	[sflag:s3] =	ssyncset.done $0x0  }
0x490: {  	[sflag:s3] =	ssyncadd.s32 $0xFFFFFE80;
	_ =	sdelay $0x2  }
0x491: {  	_ =	swait.ge [sflag:s3], $0x180  }
0x492: {  	[sflag:s3] =	ssyncset.done $0x0  }
0x493: {  	[sflag:s3] =	ssyncadd.s32 $0xFFFFFE80;
	_ =	sdelay $0x2  }
0x494: {  	_ =	swait.ge [sflag:s3], $0x180  }
0x495: {  	[sflag:s3] =	ssyncset.done $0x0  }
0x496: {  	[sflag:s3] =	ssyncadd.s32 $0xFFFFFE80;
	_ =	sdelay $0x2  }
0x497: {  	_ =	swait.ge [sflag:s3], $0x180  }
0x498: {  	[sflag:s3] =	ssyncset.done $0x0  }
0x499: {  	[sflag:s3] =	ssyncadd.s32 $0xFFFFFE80;
	_ =	sdelay $0x2  }
0x49a: {  	_ =	swait.ge [sflag:s3], $0x180  }
0x49b: {  	[sflag:s3] =	ssyncset.done $0x0  }
0x49c: {  	[sflag:s3] =	ssyncadd.s32 $0xFFFFFE80;
	_ =	sdelay $0x2  }
0x49d: {  	_ =	swait.ge [sflag:s3], $0x180  }
0x49e: {  	[sflag:s3] =	ssyncset.done $0x0  }
0x49f: {  	[sflag:s3] =	ssyncadd.s32 $0xFFFFFE80;
	_ =	sdelay $0x2  }
0x4a0: {  	_ =	swait.ge [sflag:s3], $0x180  }
0x4a1: {  	[sflag:s3] =	ssyncset.done $0x0  }
0x4a2: {  	[sflag:s3] =	ssyncadd.s32 $0xFFFFFE80;
	_ =	sdelay $0x2  }
0x4a3: {  	_ =	swait.ge [sflag:s3], $0x180  }
0x4a4: {  	[sflag:s3] =	ssyncset.done $0x0  }
0x4a5: {  	[sflag:s3] =	ssyncadd.s32 $0xFFFFFE80;
	_ =	sdelay $0x2  }
0x4a6: {  	_ =	swait.ge [sflag:s3], $0x180  }
0x4a7: {  	[sflag:s3] =	ssyncset.done $0x0  }
0x4a8: {  	[sflag:s3] =	ssyncadd.s32 $0xFFFFFE80;
	_ =	sdelay $0x2  }
0x4a9: {  	_ =	swait.ge [sflag:s3], $0x180  }
0x4aa: {  	[sflag:s3] =	ssyncset.done $0x0  }
0x4ab: {  	[sflag:s3] =	ssyncadd.s32 $0xFFFFFE80;
	_ =	sdelay $0x2  }
0x4ac: {  	_ =	swait.ge [sflag:s3], $0x180  }
0x4ad: {  	[sflag:s3] =	ssyncset.done $0x0  }
0x4ae: {  	[sflag:s3] =	ssyncadd.s32 $0xFFFFFE80;
	_ =	sdelay $0x2  }
0x4af: {  	_ =	swait.ge [sflag:s3], $0x180  }
0x4b0: {  	[sflag:s3] =	ssyncset.done $0x0  }
0x4b1: {  	[sflag:s3] =	ssyncadd.s32 $0xFFFFFE80;
	_ =	sdelay $0x2  }
0x4b2: {  	_ =	swait.ge [sflag:s3], $0x180  }
0x4b3: {  	[sflag:s3] =	ssyncset.done $0x0  }
0x4b4: {  	[sflag:s3] =	ssyncadd.s32 $0xFFFFFE80;
	_ =	sdelay $0x2  }
0x4b5: {  	_ =	swait.ge [sflag:s3], $0x180  }
0x4b6: {  	[sflag:s3] =	ssyncset.done $0x0  }
0x4b7: {  	[sflag:s3] =	ssyncadd.s32 $0xFFFFFE80;
	_ =	sdelay $0x2  }
0x4b8: {  	_ =	swait.ge [sflag:s3], $0x180  }
0x4b9: {  	[sflag:s3] =	ssyncset.done $0x0  }
0x4ba: {  	[sflag:s3] =	ssyncadd.s32 $0xFFFFFE80;
	_ =	sdelay $0x2  }
0x4bb: {  	_ =	swait.ge [sflag:s3], $0x180  }
0x4bc: {  	[sflag:s3] =	ssyncset.done $0x0  }
0x4bd: {  	[sflag:s3] =	ssyncadd.s32 $0xFFFFFE80;
	_ =	sdelay $0x2  }
0x4be: {  	_ =	swait.ge [sflag:s3], $0x180  }
0x4bf: {  	[sflag:s3] =	ssyncset.done $0x0  }
0x4c0: {  	[sflag:s3] =	ssyncadd.s32 $0xFFFFFE80;
	_ =	sdelay $0x2  }
0x4c1: {  	_ =	swait.ge [sflag:s3], $0x180  }
0x4c2: {  	[sflag:s3] =	ssyncset.done $0x0  }
0x4c3: {  	[sflag:s3] =	ssyncadd.s32 $0xFFFFFE80;
	_ =	sdelay $0x2  }
0x4c4: {  	s4 =	smul.u32 $0x30000, s0;
	_ =	swait.ge [sflag:s3], $0x180  }
0x4c5: {  	[sflag:s3] =	ssyncset.done $0x0  }
0x4c6: {  	s2 =	sadd.s32 s4, s2;
	[sflag:s3] =	ssyncadd.s32 $0xFFFFFE80  }
0x4c7: {  	s22 =	simm.s32 $0x36100;
	s23 =	simm.s32 $0xB;
	s2 =	sadd.s32 $0x14A000, s2  }
0x4c8: {  	[hbm:s2], [sflag:s6] =	dma.local [spmem:s22], $0x6000  }
0x4c9: {  	_ =	swait.ge [sflag:s23], $0x6000  }
0x4ca: {  	[sflag:s23] =	ssyncset.done $0x0  }
0x4cb: {  	[sflag:s23] =	ssyncadd.s32 $0xFFFFA000;
	_ =	sdelay $0x1  }
0x4cc: {  	s24 =	simm.s32 $0xC  }
0x4cd: {  	_ =	swait.ge [sflag:s24], $0x6000  }
0x4ce: {  	[sflag:s24] =	ssyncset.done $0x0  }
0x4cf: {  	[sflag:s24] =	ssyncadd.s32 $0xFFFFA000  }
0x4d0: {  	_ =	strace $0x90000046  }
0x4d1: {  	s25 =	simm.s32 $0x9;
	_ =	strace $0x80000048  }
0x4d2: {  	_ =	swait.ge [sflag:s25], $0x1  }
0x4d3: {  	[sflag:s25] =	ssyncadd.s32 $0xFFFFFFFF  }
0x4d4: {  	_ =	strace $0x90000048  }
0x4d5: {  	_ =	sfence  }
0x4d6: {  	s26 =	sld [smem:$0x0];
	_ =	sdelay $0x2  }
0x4d7: {  	s28 =	sshll.u32 s1, $0xD;
	s29 =	sshrl.u32 s1, $0x2  }
0x4d8: {  	s3 =	sand.u32 $0x4000, s28;
	s1 =	sadd.s32 s29, s26  }
0x4d9: {  	s30 =	sor.u32 s3, s0;
	s1 =	sshll.u32 s1, $0x11  }
0x4da: {  	s0 =	sor.u32 s1, s30  }
0x4db: {  	s0 =	sadd.s32 $0x8F2B, s0  }
0x4dc: {  	[sflag:s0] =	ssyncadd.remote.s32 $0x1  }
0x4dd: {  	_ =	sfence.sel $0xFFFF  }
0x4de: {  	[dreg:$0x0] =	wrdreg $0xFFFFFFFF;
	(pc) =	sbr.abs _section_cstart, $3  }
0x4df: {  	s31 =	simm.s32 $0x0;
	[dreg:$0x1] =	wrdreg $0xFFFFFFFF  }
0x4e0: {  	_ =	task.clear_ibuf [dreg:s31], $0x2FFFF;
	_ =	strace $0x9FFFFFFF  }
0x4e1: {  	(tm) =	ssettm $0x7FFFFFFF  }
tec
execute0_lowered:
.L_overlay_start_1:
0x0: {  	(tag) =	ssettag $0x1  }
0x1: {  	s0 =	rddreg [dreg:$0x0]  }
0x2: {  	s1 =	srdreg.scid;
	s2 =	rddreg [dreg:$0x1]  }
0x3: {  	s3 =	stileid.u32;
	s9 =	rddreg [dreg:$0x2];
	s19 =	simm.s32 $0x1  }
0x4: {  	s28 =	simm.s32 $0x1880;
	s29 =	simm.s32 $0x2080;
	s30 =	simm.s32 $0x2880  }
0x5: {  	s31 =	simm.s32 $0x3080;
	s17 =	simm.s32 $0x5080;
	s18 =	simm.s32 $0x5880  }
0x6: {  	s1 =	sand.u32 $0x1, s1;
	s3 =	sshll.u32 s3, $0x1;
	s5 =	sadd.s32 $0x200, s2  }
0x7: {  	s11 =	sadd.s32 $0x700, s2;
	s12 =	sadd.s32 $0x800, s2;
	s4 =	sor.u32 s1, s3  }
0x8: {  	s13 =	sadd.s32 $0x900, s2;
	s14 =	sadd.s32 $0xA00, s2;
	s4 =	smul.u32 $0x60, s4  }
0x9: {  	s15 =	sadd.s32 $0xB00, s2;
	s3 =	simm.s32 $0x0;
	s1 =	ssub.s32 $0x2, s1  }
0xa: {  	[smem:$0x7FF] =	sst s3;
	s20 =	sshrl.u32 s1, $0x1;
	s6 =	sshrl.u32 s4, $0x3  }
0xb: {  	_ =	strace $0x80000047;
	s1 =	ssub.s32 s1, s20;
	s7 =	smul.u32 $0x6000, s6  }
0xc: {  	s20 =	simm.s32 $0x3;
	s4 =	sadd.s32 $0x100, s2;
	s21 =	smul.u32 $0xC00, s6  }
0xd: {  	s16 =	smax.u32 s1, $0x1;
	s0 =	sadd.s32 s0, s6;
	s8 =	sshrl.u32 s7, $0x3  }
0xe: {  	[dreg:$0x4] =	wrdreg s0;
	s10 =	sadd.s32 s9, s8;
	s9 =	sadd.s32 s9, s21  }
0xf: {  	s6 =	sadd.s32 $0x300, s2;
	s22 =	sadd.s32 $0x1800, s10;
	[dreg:$0xa] =	wrdreg s9  }
0x10: {  	s7 =	sadd.s32 $0x400, s2;
	s23 =	sadd.s32 $0x3000, s9;
	[dreg:$0x5] =	wrdreg s22  }
0x11: {  	s8 =	sadd.s32 $0x500, s2;
	s24 =	sadd.s32 $0x4800, s9;
	[dreg:$0x6] =	wrdreg s23  }
0x12: {  	s21 =	simm.s32 $0x2;
	s25 =	sadd.s32 $0x6000, s9;
	[dreg:$0x7] =	wrdreg s24  }
0x13: {  	v2 =	vlaneseq.u32;
	s10 =	sadd.s32 $0x600, s2;
	s26 =	sadd.s32 $0x7800, s9;
	[dreg:$0x8] =	wrdreg s25  }
0x14: {  	vm0 =	vmmov $0xffff;
	v1 =	vshrl.u32 v2, $0x3;
	s9 =	simm.s32 $0x4880;
	[dreg:$0x9] =	wrdreg s26;
	s22 =	simm.s32 $0x4  }
0x15: {  	v0 =	vand.u32 $0x7, v2;
	v2 =	vor.u32 $0x8, v2;
	v1 =	vmul.u32 $0x8, v1;
	s26 =	simm.s32 $0x80;
	s24 =	simm.s32 $0x880;
	s25 =	simm.s32 $0x1080  }
.LBB2_1:
0x16: {  	s23 =	rddreg [dreg:$0x4];
	s1 =	simm.s32 $0x5  }
0x17: {  	[tilespmem:s3], [sflag:$0x5] =	stream.linear.gather [hbm4b:s23+s3], $0x60, $0x38;
	[tilespmem:$0x1E080] =	vst v63  }
0x18: {  	_ =	swait.ge [sflag:s1], $0x60  }
0x19: {  	[sflag:s1] =	ssyncset.done $0x0  }
0x1a: {  	[sflag:s1] =	ssyncadd.s32 $0xFFFFFFA0  }
0x1b: {  	v3 =	vld [tilespmem:$0x0];
	_ =	sdelay $0x4  }
0x1c: {  	v4 =	vshrl.u32 v3, $0x3  }
0x1d: {  	v4 =	vmul.u32 $0xC0, v4  }
0x1e: {  	v3 =	vand.u32 $0x7, v3  }
0x1f: {  	v3 =	vor.u32 v3, v4  }
0x20: {  	v4 =	vperm.xlane v3, v0;
	_ =	sdelay $0x1  }
0x21: {  	v4 =	vadd.s32 v1, v4;
	_ =	sdelay $0x4  }
0x22: {  	[tilespmem:s26], [sflag:$0x1] =	stream.indirect_vreg.gather [hbm4b:s2+s3], $0x80, v4, vm0, $0xb8;
	[tilespmem:$0x1E080] =	vst v63  }
0x23: {  	_ = 	snop  }
0x24: {  	[tilespmem:s24], [sflag:$0x1] =	stream.indirect_vreg.gather [hbm4b:s4+s3], $0x80, v4, vm0, $0xb8;
	[tilespmem:$0x1E080] =	vst v63  }
0x25: {  	_ = 	snop  }
0x26: {  	[tilespmem:s25], [sflag:$0x1] =	stream.indirect_vreg.gather [hbm4b:s5+s3], $0x80, v4, vm0, $0xb8;
	[tilespmem:$0x1E080] =	vst v63  }
0x27: {  	_ = 	snop  }
0x28: {  	[tilespmem:s28], [sflag:$0x1] =	stream.indirect_vreg.gather [hbm4b:s6+s3], $0x80, v4, vm0, $0xb8;
	[tilespmem:$0x1E080] =	vst v63  }
0x29: {  	_ = 	snop  }
0x2a: {  	[tilespmem:s29], [sflag:$0x1] =	stream.indirect_vreg.gather [hbm4b:s7+s3], $0x80, v4, vm0, $0xb8;
	[tilespmem:$0x1E080] =	vst v63  }
0x2b: {  	_ = 	snop  }
0x2c: {  	[tilespmem:s30], [sflag:$0x1] =	stream.indirect_vreg.gather [hbm4b:s8+s3], $0x80, v4, vm0, $0xb8;
	[tilespmem:$0x1E080] =	vst v63  }
0x2d: {  	_ = 	snop  }
0x2e: {  	[tilespmem:s31], [sflag:$0x1] =	stream.indirect_vreg.gather [hbm4b:s10+s3], $0x80, v4, vm0, $0xb8;
	[tilespmem:$0x1E080] =	vst v63  }
0x2f: {  	s1 =	simm.s32 $0x3880  }
0x30: {  	[tilespmem:s1], [sflag:$0x1] =	stream.indirect_vreg.gather [hbm4b:s11+s3], $0x80, v4, vm0, $0xb8;
	[tilespmem:$0x1E080] =	vst v63  }
0x31: {  	s0 =	simm.s32 $0x4080  }
0x32: {  	[tilespmem:s0], [sflag:$0x1] =	stream.indirect_vreg.gather [hbm4b:s12+s3], $0x80, v4, vm0, $0xb8;
	[tilespmem:$0x1E080] =	vst v63  }
0x33: {  	v3 =	vperm.xlane v3, v2  }
0x34: {  	[tilespmem:s9], [sflag:$0x1] =	stream.indirect_vreg.gather [hbm4b:s13+s3], $0x80, v4, vm0, $0xb8;
	[tilespmem:$0x1E080] =	vst v63  }
0x35: {  	v3 =	vadd.s32 v1, v3  }
0x36: {  	[tilespmem:s17], [sflag:$0x1] =	stream.indirect_vreg.gather [hbm4b:s14+s3], $0x80, v4, vm0, $0xb8;
	[tilespmem:$0x1E080] =	vst v63  }
0x37: {  	_ = 	snop  }
0x38: {  	[tilespmem:s18], [sflag:$0x1] =	stream.indirect_vreg.gather [hbm4b:s15+s3], $0x80, v4, vm0, $0xb8;
	[tilespmem:$0x1E080] =	vst v63  }
0x39: {  	s23 =	simm.s32 $0x6080  }
0x3a: {  	[tilespmem:s23], [sflag:$0x1] =	stream.indirect_vreg.gather [hbm4b:s2+s3], $0x80, v3, vm0, $0xb8;
	[tilespmem:$0x1E080] =	vst v63  }
0x3b: {  	s23 =	simm.s32 $0x6880  }
0x3c: {  	[tilespmem:s23], [sflag:$0x1] =	stream.indirect_vreg.gather [hbm4b:s4+s3], $0x80, v3, vm0, $0xb8;
	[tilespmem:$0x1E080] =	vst v63  }
0x3d: {  	s23 =	simm.s32 $0x7080  }
0x3e: {  	[tilespmem:s23], [sflag:$0x1] =	stream.indirect_vreg.gather [hbm4b:s5+s3], $0x80, v3, vm0, $0xb8;
	[tilespmem:$0x1E080] =	vst v63  }
0x3f: {  	s23 =	simm.s32 $0x7880  }
0x40: {  	[tilespmem:s23], [sflag:$0x1] =	stream.indirect_vreg.gather [hbm4b:s6+s3], $0x80, v3, vm0, $0xb8;
	[tilespmem:$0x1E080] =	vst v63  }
0x41: {  	s23 =	simm.s32 $0x8080  }
0x42: {  	[tilespmem:s23], [sflag:$0x1] =	stream.indirect_vreg.gather [hbm4b:s7+s3], $0x80, v3, vm0, $0xb8;
	[tilespmem:$0x1E080] =	vst v63  }
0x43: {  	s23 =	simm.s32 $0x8880  }
0x44: {  	[tilespmem:s23], [sflag:$0x1] =	stream.indirect_vreg.gather [hbm4b:s8+s3], $0x80, v3, vm0, $0xb8;
	[tilespmem:$0x1E080] =	vst v63  }
0x45: {  	s23 =	simm.s32 $0x9080  }
0x46: {  	[tilespmem:s23], [sflag:$0x1] =	stream.indirect_vreg.gather [hbm4b:s10+s3], $0x80, v3, vm0, $0xb8;
	[tilespmem:$0x1E080] =	vst v63  }
0x47: {  	s23 =	simm.s32 $0x9880  }
0x48: {  	[tilespmem:s23], [sflag:$0x1] =	stream.indirect_vreg.gather [hbm4b:s11+s3], $0x80, v3, vm0, $0xb8;
	[tilespmem:$0x1E080] =	vst v63  }
0x49: {  	s23 =	simm.s32 $0xA080  }
0x4a: {  	[tilespmem:s23], [sflag:$0x1] =	stream.indirect_vreg.gather [hbm4b:s12+s3], $0x80, v3, vm0, $0xb8;
	[tilespmem:$0x1E080] =	vst v63  }
0x4b: {  	s23 =	simm.s32 $0xA880  }
0x4c: {  	[tilespmem:s23], [sflag:$0x1] =	stream.indirect_vreg.gather [hbm4b:s13+s3], $0x80, v3, vm0, $0xb8;
	[tilespmem:$0x1E080] =	vst v63  }
0x4d: {  	s23 =	simm.s32 $0xB080  }
0x4e: {  	[tilespmem:s23], [sflag:$0x1] =	stream.indirect_vreg.gather [hbm4b:s14+s3], $0x80, v3, vm0, $0xb8;
	[tilespmem:$0x1E080] =	vst v63  }
0x4f: {  	s23 =	simm.s32 $0xB880  }
0x50: {  	[tilespmem:s23], [sflag:$0x1] =	stream.indirect_vreg.gather [hbm4b:s15+s3], $0x80, v3, vm0, $0xb8;
	[tilespmem:$0x1E080] =	vst v63  }
0x51: {  	v3 =	vld [tilespmem:$0x10];
	_ =	sdelay $0x4  }
0x52: {  	v59 =	vshrl.u32 v3, $0x3  }
0x53: {  	v4 =	vmul.u32 $0xC0, v59  }
0x54: {  	v3 =	vand.u32 $0x7, v3  }
0x55: {  	v3 =	vor.u32 v3, v4  }
0x56: {  	v4 =	vperm.xlane v3, v0;
	_ =	sdelay $0x1  }
0x57: {  	v4 =	vadd.s32 v1, v4;
	_ =	sdelay $0x3  }
0x58: {  	s0 =	simm.s32 $0xC080  }
0x59: {  	[tilespmem:s0], [sflag:$0x2] =	stream.indirect_vreg.gather [hbm4b:s2+s3], $0x80, v4, vm0, $0xb8;
	[tilespmem:$0x1E080] =	vst v63  }
0x5a: {  	s23 =	simm.s32 $0xC880  }
0x5b: {  	[tilespmem:s23], [sflag:$0x2] =	stream.indirect_vreg.gather [hbm4b:s4+s3], $0x80, v4, vm0, $0xb8;
	[tilespmem:$0x1E080] =	vst v63  }
0x5c: {  	s23 =	simm.s32 $0xD080  }
0x5d: {  	[tilespmem:s23], [sflag:$0x2] =	stream.indirect_vreg.gather [hbm4b:s5+s3], $0x80, v4, vm0, $0xb8;
	[tilespmem:$0x1E080] =	vst v63  }
0x5e: {  	s23 =	simm.s32 $0xD880  }
0x5f: {  	[tilespmem:s23], [sflag:$0x2] =	stream.indirect_vreg.gather [hbm4b:s6+s3], $0x80, v4, vm0, $0xb8;
	[tilespmem:$0x1E080] =	vst v63  }
0x60: {  	s23 =	simm.s32 $0xE080  }
0x61: {  	[tilespmem:s23], [sflag:$0x2] =	stream.indirect_vreg.gather [hbm4b:s7+s3], $0x80, v4, vm0, $0xb8;
	[tilespmem:$0x1E080] =	vst v63  }
0x62: {  	s23 =	simm.s32 $0xE880  }
0x63: {  	[tilespmem:s23], [sflag:$0x2] =	stream.indirect_vreg.gather [hbm4b:s8+s3], $0x80, v4, vm0, $0xb8;
	[tilespmem:$0x1E080] =	vst v63  }
0x64: {  	s23 =	simm.s32 $0xF080  }
0x65: {  	[tilespmem:s23], [sflag:$0x2] =	stream.indirect_vreg.gather [hbm4b:s10+s3], $0x80, v4, vm0, $0xb8;
	[tilespmem:$0x1E080] =	vst v63  }
0x66: {  	s23 =	simm.s32 $0xF880  }
0x67: {  	[tilespmem:s23], [sflag:$0x2] =	stream.indirect_vreg.gather [hbm4b:s11+s3], $0x80, v4, vm0, $0xb8;
	[tilespmem:$0x1E080] =	vst v63  }
0x68: {  	s23 =	simm.s32 $0x10080  }
0x69: {  	[tilespmem:s23], [sflag:$0x2] =	stream.indirect_vreg.gather [hbm4b:s12+s3], $0x80, v4, vm0, $0xb8;
	[tilespmem:$0x1E080] =	vst v63  }
0x6a: {  	v3 =	vperm.xlane v3, v2;
	s23 =	simm.s32 $0x10880  }
0x6b: {  	[tilespmem:s23], [sflag:$0x2] =	stream.indirect_vreg.gather [hbm4b:s13+s3], $0x80, v4, vm0, $0xb8;
	[tilespmem:$0x1E080] =	vst v63  }
0x6c: {  	v3 =	vadd.s32 v1, v3;
	s23 =	simm.s32 $0x11080  }
0x6d: {  	[tilespmem:s23], [sflag:$0x2] =	stream.indirect_vreg.gather [hbm4b:s14+s3], $0x80, v4, vm0, $0xb8;
	[tilespmem:$0x1E080] =	vst v63  }
0x6e: {  	s23 =	simm.s32 $0x11880  }
0x6f: {  	[tilespmem:s23], [sflag:$0x2] =	stream.indirect_vreg.gather [hbm4b:s15+s3], $0x80, v4, vm0, $0xb8;
	[tilespmem:$0x1E080] =	vst v63  }
0x70: {  	s23 =	simm.s32 $0x12080  }
0x71: {  	[tilespmem:s23], [sflag:$0x2] =	stream.indirect_vreg.gather [hbm4b:s2+s3], $0x80, v3, vm0, $0xb8;
	[tilespmem:$0x1E080] =	vst v63  }
0x72: {  	s23 =	simm.s32 $0x12880  }
0x73: {  	[tilespmem:s23], [sflag:$0x2] =	stream.indirect_vreg.gather [hbm4b:s4+s3], $0x80, v3, vm0, $0xb8;
	[tilespmem:$0x1E080] =	vst v63  }
0x74: {  	s23 =	simm.s32 $0x13080  }
0x75: {  	[tilespmem:s23], [sflag:$0x2] =	stream.indirect_vreg.gather [hbm4b:s5+s3], $0x80, v3, vm0, $0xb8;
	[tilespmem:$0x1E080] =	vst v63  }
0x76: {  	s23 =	simm.s32 $0x13880  }
0x77: {  	[tilespmem:s23], [sflag:$0x2] =	stream.indirect_vreg.gather [hbm4b:s6+s3], $0x80, v3, vm0, $0xb8;
	[tilespmem:$0x1E080] =	vst v63  }
0x78: {  	s23 =	simm.s32 $0x14080  }
0x79: {  	[tilespmem:s23], [sflag:$0x2] =	stream.indirect_vreg.gather [hbm4b:s7+s3], $0x80, v3, vm0, $0xb8;
	[tilespmem:$0x1E080] =	vst v63  }
0x7a: {  	s23 =	simm.s32 $0x14880  }
0x7b: {  	[tilespmem:s23], [sflag:$0x2] =	stream.indirect_vreg.gather [hbm4b:s8+s3], $0x80, v3, vm0, $0xb8;
	[tilespmem:$0x1E080] =	vst v63  }
0x7c: {  	s23 =	simm.s32 $0x15080  }
0x7d: {  	[tilespmem:s23], [sflag:$0x2] =	stream.indirect_vreg.gather [hbm4b:s10+s3], $0x80, v3, vm0, $0xb8;
	[tilespmem:$0x1E080] =	vst v63  }
0x7e: {  	s23 =	simm.s32 $0x15880  }
0x7f: {  	[tilespmem:s23], [sflag:$0x2] =	stream.indirect_vreg.gather [hbm4b:s11+s3], $0x80, v3, vm0, $0xb8;
	[tilespmem:$0x1E080] =	vst v63  }
0x80: {  	s23 =	simm.s32 $0x16080  }
0x81: {  	[tilespmem:s23], [sflag:$0x2] =	stream.indirect_vreg.gather [hbm4b:s12+s3], $0x80, v3, vm0, $0xb8;
	[tilespmem:$0x1E080] =	vst v63  }
0x82: {  	s23 =	simm.s32 $0x16880  }
0x83: {  	[tilespmem:s23], [sflag:$0x2] =	stream.indirect_vreg.gather [hbm4b:s13+s3], $0x80, v3, vm0, $0xb8;
	[tilespmem:$0x1E080] =	vst v63  }
0x84: {  	s23 =	simm.s32 $0x17080  }
0x85: {  	[tilespmem:s23], [sflag:$0x2] =	stream.indirect_vreg.gather [hbm4b:s14+s3], $0x80, v3, vm0, $0xb8;
	[tilespmem:$0x1E080] =	vst v63  }
0x86: {  	s23 =	simm.s32 $0x17880  }
0x87: {  	[tilespmem:s23], [sflag:$0x2] =	stream.indirect_vreg.gather [hbm4b:s15+s3], $0x80, v3, vm0, $0xb8;
	[tilespmem:$0x1E080] =	vst v63  }
0x88: {  	_ =	swait.ge [sflag:s19], $0xC000  }
0x89: {  	[sflag:s19] =	ssyncset.done $0x0  }
0x8a: {  	s23 =	rddreg [dreg:$0xa];
	[sflag:s19] =	ssyncadd.s32 $0xFFFF4000  }
0x8b: {  	[hbm4b:s23+s3] =	stream.linear.scatter [tilespmem:s26], [sflag:$0x3], $0xC000, $0x38;
	[tilespmem:$0x1E080] =	vst v63  }
0x8c: {  	_ =	swait.ge [sflag:s20], $0xC000  }
0x8d: {  	[sflag:s20] =	ssyncset.done $0x0  }
0x8e: {  	[sflag:s20] =	ssyncadd.s32 $0xFFFF4000  }
0x8f: {  	v3 =	vld [tilespmem:$0x20];
	_ =	sdelay $0x4  }
0x90: {  	v60 =	vshrl.u32 v3, $0x3  }
0x91: {  	v4 =	vmul.u32 $0xC0, v60  }
0x92: {  	v3 =	vand.u32 $0x7, v3  }
0x93: {  	v3 =	vor.u32 v3, v4  }
0x94: {  	v4 =	vperm.xlane v3, v0;
	_ =	sdelay $0x1  }
0x95: {  	v4 =	vadd.s32 v1, v4;
	_ =	sdelay $0x4  }
0x96: {  	[tilespmem:s26], [sflag:$0x1] =	stream.indirect_vreg.gather [hbm4b:s2+s3], $0x80, v4, vm0, $0xb8;
	[tilespmem:$0x1E080] =	vst v63  }
0x97: {  	_ = 	snop  }
0x98: {  	[tilespmem:s24], [sflag:$0x1] =	stream.indirect_vreg.gather [hbm4b:s4+s3], $0x80, v4, vm0, $0xb8;
	[tilespmem:$0x1E080] =	vst v63  }
0x99: {  	_ = 	snop  }
0x9a: {  	[tilespmem:s25], [sflag:$0x1] =	stream.indirect_vreg.gather [hbm4b:s5+s3], $0x80, v4, vm0, $0xb8;
	[tilespmem:$0x1E080] =	vst v63  }
0x9b: {  	_ = 	snop  }
0x9c: {  	[tilespmem:s28], [sflag:$0x1] =	stream.indirect_vreg.gather [hbm4b:s6+s3], $0x80, v4, vm0, $0xb8;
	[tilespmem:$0x1E080] =	vst v63  }
0x9d: {  	_ = 	snop  }
0x9e: {  	[tilespmem:s29], [sflag:$0x1] =	stream.indirect_vreg.gather [hbm4b:s7+s3], $0x80, v4, vm0, $0xb8;
	[tilespmem:$0x1E080] =	vst v63  }
0x9f: {  	_ = 	snop  }
0xa0: {  	[tilespmem:s30], [sflag:$0x1] =	stream.indirect_vreg.gather [hbm4b:s8+s3], $0x80, v4, vm0, $0xb8;
	[tilespmem:$0x1E080] =	vst v63  }
0xa1: {  	_ = 	snop  }
0xa2: {  	[tilespmem:s31], [sflag:$0x1] =	stream.indirect_vreg.gather [hbm4b:s10+s3], $0x80, v4, vm0, $0xb8;
	[tilespmem:$0x1E080] =	vst v63  }
0xa3: {  	_ = 	snop  }
0xa4: {  	[tilespmem:s1], [sflag:$0x1] =	stream.indirect_vreg.gather [hbm4b:s11+s3], $0x80, v4, vm0, $0xb8;
	[tilespmem:$0x1E080] =	vst v63  }
0xa5: {  	s23 =	simm.s32 $0x4080  }
0xa6: {  	[tilespmem:s23], [sflag:$0x1] =	stream.indirect_vreg.gather [hbm4b:s12+s3], $0x80, v4, vm0, $0xb8;
	[tilespmem:$0x1E080] =	vst v63  }
0xa7: {  	v3 =	vperm.xlane v3, v2  }
0xa8: {  	[tilespmem:s9], [sflag:$0x1] =	stream.indirect_vreg.gather [hbm4b:s13+s3], $0x80, v4, vm0, $0xb8;
	[tilespmem:$0x1E080] =	vst v63  }
0xa9: {  	v3 =	vadd.s32 v1, v3  }
0xaa: {  	[tilespmem:s17], [sflag:$0x1] =	stream.indirect_vreg.gather [hbm4b:s14+s3], $0x80, v4, vm0, $0xb8;
	[tilespmem:$0x1E080] =	vst v63  }
0xab: {  	_ = 	snop  }
0xac: {  	[tilespmem:s18], [sflag:$0x1] =	stream.indirect_vreg.gather [hbm4b:s15+s3], $0x80, v4, vm0, $0xb8;
	[tilespmem:$0x1E080] =	vst v63  }
0xad: {  	s23 =	simm.s32 $0x6080  }
0xae: {  	[tilespmem:s23], [sflag:$0x1] =	stream.indirect_vreg.gather [hbm4b:s2+s3], $0x80, v3, vm0, $0xb8;
	[tilespmem:$0x1E080] =	vst v63  }
0xaf: {  	s23 =	simm.s32 $0x6880  }
0xb0: {  	[tilespmem:s23], [sflag:$0x1] =	stream.indirect_vreg.gather [hbm4b:s4+s3], $0x80, v3, vm0, $0xb8;
	[tilespmem:$0x1E080] =	vst v63  }
0xb1: {  	s23 =	simm.s32 $0x7080  }
0xb2: {  	[tilespmem:s23], [sflag:$0x1] =	stream.indirect_vreg.gather [hbm4b:s5+s3], $0x80, v3, vm0, $0xb8;
	[tilespmem:$0x1E080] =	vst v63  }
0xb3: {  	s23 =	simm.s32 $0x7880  }
0xb4: {  	[tilespmem:s23], [sflag:$0x1] =	stream.indirect_vreg.gather [hbm4b:s6+s3], $0x80, v3, vm0, $0xb8;
	[tilespmem:$0x1E080] =	vst v63  }
0xb5: {  	s23 =	simm.s32 $0x8080  }
0xb6: {  	[tilespmem:s23], [sflag:$0x1] =	stream.indirect_vreg.gather [hbm4b:s7+s3], $0x80, v3, vm0, $0xb8;
	[tilespmem:$0x1E080] =	vst v63  }
0xb7: {  	s23 =	simm.s32 $0x8880  }
0xb8: {  	[tilespmem:s23], [sflag:$0x1] =	stream.indirect_vreg.gather [hbm4b:s8+s3], $0x80, v3, vm0, $0xb8;
	[tilespmem:$0x1E080] =	vst v63  }
0xb9: {  	s23 =	simm.s32 $0x9080  }
0xba: {  	[tilespmem:s23], [sflag:$0x1] =	stream.indirect_vreg.gather [hbm4b:s10+s3], $0x80, v3, vm0, $0xb8;
	[tilespmem:$0x1E080] =	vst v63  }
0xbb: {  	s23 =	simm.s32 $0x9880  }
0xbc: {  	[tilespmem:s23], [sflag:$0x1] =	stream.indirect_vreg.gather [hbm4b:s11+s3], $0x80, v3, vm0, $0xb8;
	[tilespmem:$0x1E080] =	vst v63  }
0xbd: {  	s23 =	simm.s32 $0xA080  }
0xbe: {  	[tilespmem:s23], [sflag:$0x1] =	stream.indirect_vreg.gather [hbm4b:s12+s3], $0x80, v3, vm0, $0xb8;
	[tilespmem:$0x1E080] =	vst v63  }
0xbf: {  	s23 =	simm.s32 $0xA880  }
0xc0: {  	[tilespmem:s23], [sflag:$0x1] =	stream.indirect_vreg.gather [hbm4b:s13+s3], $0x80, v3, vm0, $0xb8;
	[tilespmem:$0x1E080] =	vst v63  }
0xc1: {  	s23 =	simm.s32 $0xB080  }
0xc2: {  	[tilespmem:s23], [sflag:$0x1] =	stream.indirect_vreg.gather [hbm4b:s14+s3], $0x80, v3, vm0, $0xb8;
	[tilespmem:$0x1E080] =	vst v63  }
0xc3: {  	s23 =	simm.s32 $0xB880  }
0xc4: {  	[tilespmem:s23], [sflag:$0x1] =	stream.indirect_vreg.gather [hbm4b:s15+s3], $0x80, v3, vm0, $0xb8;
	[tilespmem:$0x1E080] =	vst v63  }
0xc5: {  	_ =	swait.ge [sflag:s21], $0xC000  }
0xc6: {  	[sflag:s21] =	ssyncset.done $0x0  }
0xc7: {  	s23 =	rddreg [dreg:$0x5];
	[sflag:s21] =	ssyncadd.s32 $0xFFFF4000  }
0xc8: {  	[hbm4b:s23+s3] =	stream.linear.scatter [tilespmem:s0], [sflag:$0x4], $0xC000, $0x38;
	[tilespmem:$0x1E080] =	vst v63  }
0xc9: {  	_ =	swait.ge [sflag:s22], $0xC000  }
0xca: {  	[sflag:s22] =	ssyncset.done $0x0  }
0xcb: {  	[sflag:s22] =	ssyncadd.s32 $0xFFFF4000  }
0xcc: {  	v3 =	vld [tilespmem:$0x30];
	_ =	sdelay $0x4  }
0xcd: {  	v61 =	vshrl.u32 v3, $0x3  }
0xce: {  	v4 =	vmul.u32 $0xC0, v61  }
0xcf: {  	v3 =	vand.u32 $0x7, v3  }
0xd0: {  	v3 =	vor.u32 v3, v4  }
0xd1: {  	v4 =	vperm.xlane v3, v0;
	_ =	sdelay $0x1  }
0xd2: {  	v4 =	vadd.s32 v1, v4;
	_ =	sdelay $0x4  }
0xd3: {  	[tilespmem:s0], [sflag:$0x2] =	stream.indirect_vreg.gather [hbm4b:s2+s3], $0x80, v4, vm0, $0xb8;
	[tilespmem:$0x1E080] =	vst v63  }
0xd4: {  	s23 =	simm.s32 $0xC880  }
0xd5: {  	[tilespmem:s23], [sflag:$0x2] =	stream.indirect_vreg.gather [hbm4b:s4+s3], $0x80, v4, vm0, $0xb8;
	[tilespmem:$0x1E080] =	vst v63  }
0xd6: {  	s23 =	simm.s32 $0xD080  }
0xd7: {  	[tilespmem:s23], [sflag:$0x2] =	stream.indirect_vreg.gather [hbm4b:s5+s3], $0x80, v4, vm0, $0xb8;
	[tilespmem:$0x1E080] =	vst v63  }
0xd8: {  	s23 =	simm.s32 $0xD880  }
0xd9: {  	[tilespmem:s23], [sflag:$0x2] =	stream.indirect_vreg.gather [hbm4b:s6+s3], $0x80, v4, vm0, $0xb8;
	[tilespmem:$0x1E080] =	vst v63  }
0xda: {  	s23 =	simm.s32 $0xE080  }
0xdb: {  	[tilespmem:s23], [sflag:$0x2] =	stream.indirect_vreg.gather [hbm4b:s7+s3], $0x80, v4, vm0, $0xb8;
	[tilespmem:$0x1E080] =	vst v63  }
0xdc: {  	s23 =	simm.s32 $0xE880  }
0xdd: {  	[tilespmem:s23], [sflag:$0x2] =	stream.indirect_vreg.gather [hbm4b:s8+s3], $0x80, v4, vm0, $0xb8;
	[tilespmem:$0x1E080] =	vst v63  }
0xde: {  	s23 =	simm.s32 $0xF080  }
0xdf: {  	[tilespmem:s23], [sflag:$0x2] =	stream.indirect_vreg.gather [hbm4b:s10+s3], $0x80, v4, vm0, $0xb8;
	[tilespmem:$0x1E080] =	vst v63  }
0xe0: {  	s23 =	simm.s32 $0xF880  }
0xe1: {  	[tilespmem:s23], [sflag:$0x2] =	stream.indirect_vreg.gather [hbm4b:s11+s3], $0x80, v4, vm0, $0xb8;
	[tilespmem:$0x1E080] =	vst v63  }
0xe2: {  	s23 =	simm.s32 $0x10080  }
0xe3: {  	[tilespmem:s23], [sflag:$0x2] =	stream.indirect_vreg.gather [hbm4b:s12+s3], $0x80, v4, vm0, $0xb8;
	[tilespmem:$0x1E080] =	vst v63  }
0xe4: {  	v3 =	vperm.xlane v3, v2;
	s23 =	simm.s32 $0x10880  }
0xe5: {  	[tilespmem:s23], [sflag:$0x2] =	stream.indirect_vreg.gather [hbm4b:s13+s3], $0x80, v4, vm0, $0xb8;
	[tilespmem:$0x1E080] =	vst v63  }
0xe6: {  	v3 =	vadd.s32 v1, v3;
	s23 =	simm.s32 $0x11080  }
0xe7: {  	[tilespmem:s23], [sflag:$0x2] =	stream.indirect_vreg.gather [hbm4b:s14+s3], $0x80, v4, vm0, $0xb8;
	[tilespmem:$0x1E080] =	vst v63  }
0xe8: {  	s23 =	simm.s32 $0x11880  }
0xe9: {  	[tilespmem:s23], [sflag:$0x2] =	stream.indirect_vreg.gather [hbm4b:s15+s3], $0x80, v4, vm0, $0xb8;
	[tilespmem:$0x1E080] =	vst v63  }
0xea: {  	s23 =	simm.s32 $0x12080  }
0xeb: {  	[tilespmem:s23], [sflag:$0x2] =	stream.indirect_vreg.gather [hbm4b:s2+s3], $0x80, v3, vm0, $0xb8;
	[tilespmem:$0x1E080] =	vst v63  }
0xec: {  	s23 =	simm.s32 $0x12880  }
0xed: {  	[tilespmem:s23], [sflag:$0x2] =	stream.indirect_vreg.gather [hbm4b:s4+s3], $0x80, v3, vm0, $0xb8;
	[tilespmem:$0x1E080] =	vst v63  }
0xee: {  	s23 =	simm.s32 $0x13080  }
0xef: {  	[tilespmem:s23], [sflag:$0x2] =	stream.indirect_vreg.gather [hbm4b:s5+s3], $0x80, v3, vm0, $0xb8;
	[tilespmem:$0x1E080] =	vst v63  }
0xf0: {  	s23 =	simm.s32 $0x13880  }
0xf1: {  	[tilespmem:s23], [sflag:$0x2] =	stream.indirect_vreg.gather [hbm4b:s6+s3], $0x80, v3, vm0, $0xb8;
	[tilespmem:$0x1E080] =	vst v63  }
0xf2: {  	s23 =	simm.s32 $0x14080  }
0xf3: {  	[tilespmem:s23], [sflag:$0x2] =	stream.indirect_vreg.gather [hbm4b:s7+s3], $0x80, v3, vm0, $0xb8;
	[tilespmem:$0x1E080] =	vst v63  }
0xf4: {  	s23 =	simm.s32 $0x14880  }
0xf5: {  	[tilespmem:s23], [sflag:$0x2] =	stream.indirect_vreg.gather [hbm4b:s8+s3], $0x80, v3, vm0, $0xb8;
	[tilespmem:$0x1E080] =	vst v63  }
0xf6: {  	s23 =	simm.s32 $0x15080  }
0xf7: {  	[tilespmem:s23], [sflag:$0x2] =	stream.indirect_vreg.gather [hbm4b:s10+s3], $0x80, v3, vm0, $0xb8;
	[tilespmem:$0x1E080] =	vst v63  }
0xf8: {  	s23 =	simm.s32 $0x15880  }
0xf9: {  	[tilespmem:s23], [sflag:$0x2] =	stream.indirect_vreg.gather [hbm4b:s11+s3], $0x80, v3, vm0, $0xb8;
	[tilespmem:$0x1E080] =	vst v63  }
0xfa: {  	s23 =	simm.s32 $0x16080  }
0xfb: {  	[tilespmem:s23], [sflag:$0x2] =	stream.indirect_vreg.gather [hbm4b:s12+s3], $0x80, v3, vm0, $0xb8;
	[tilespmem:$0x1E080] =	vst v63  }
0xfc: {  	s23 =	simm.s32 $0x16880  }
0xfd: {  	[tilespmem:s23], [sflag:$0x2] =	stream.indirect_vreg.gather [hbm4b:s13+s3], $0x80, v3, vm0, $0xb8;
	[tilespmem:$0x1E080] =	vst v63  }
0xfe: {  	s23 =	simm.s32 $0x17080  }
0xff: {  	[tilespmem:s23], [sflag:$0x2] =	stream.indirect_vreg.gather [hbm4b:s14+s3], $0x80, v3, vm0, $0xb8;
	[tilespmem:$0x1E080] =	vst v63  }
0x100: {  	s23 =	simm.s32 $0x17880  }
0x101: {  	[tilespmem:s23], [sflag:$0x2] =	stream.indirect_vreg.gather [hbm4b:s15+s3], $0x80, v3, vm0, $0xb8;
	[tilespmem:$0x1E080] =	vst v63  }
0x102: {  	_ =	swait.ge [sflag:s19], $0xC000  }
0x103: {  	[sflag:s19] =	ssyncset.done $0x0  }
0x104: {  	s23 =	rddreg [dreg:$0x6];
	[sflag:s19] =	ssyncadd.s32 $0xFFFF4000  }
0x105: {  	[hbm4b:s23+s3] =	stream.linear.scatter [tilespmem:s26], [sflag:$0x3], $0xC000, $0x38;
	[tilespmem:$0x1E080] =	vst v63  }
0x106: {  	_ =	swait.ge [sflag:s20], $0xC000  }
0x107: {  	[sflag:s20] =	ssyncset.done $0x0  }
0x108: {  	[sflag:s20] =	ssyncadd.s32 $0xFFFF4000  }
0x109: {  	v3 =	vld [tilespmem:$0x40];
	_ =	sdelay $0x4  }
0x10a: {  	v62 =	vshrl.u32 v3, $0x3  }
0x10b: {  	v4 =	vmul.u32 $0xC0, v62  }
0x10c: {  	v3 =	vand.u32 $0x7, v3  }
0x10d: {  	v3 =	vor.u32 v3, v4  }
0x10e: {  	v4 =	vperm.xlane v3, v0;
	_ =	sdelay $0x1  }
0x10f: {  	v4 =	vadd.s32 v1, v4;
	_ =	sdelay $0x4  }
0x110: {  	[tilespmem:s26], [sflag:$0x1] =	stream.indirect_vreg.gather [hbm4b:s2+s3], $0x80, v4, vm0, $0xb8;
	[tilespmem:$0x1E080] =	vst v63  }
0x111: {  	_ = 	snop  }
0x112: {  	[tilespmem:s24], [sflag:$0x1] =	stream.indirect_vreg.gather [hbm4b:s4+s3], $0x80, v4, vm0, $0xb8;
	[tilespmem:$0x1E080] =	vst v63  }
0x113: {  	_ = 	snop  }
0x114: {  	[tilespmem:s25], [sflag:$0x1] =	stream.indirect_vreg.gather [hbm4b:s5+s3], $0x80, v4, vm0, $0xb8;
	[tilespmem:$0x1E080] =	vst v63  }
0x115: {  	_ = 	snop  }
0x116: {  	[tilespmem:s28], [sflag:$0x1] =	stream.indirect_vreg.gather [hbm4b:s6+s3], $0x80, v4, vm0, $0xb8;
	[tilespmem:$0x1E080] =	vst v63  }
0x117: {  	_ = 	snop  }
0x118: {  	[tilespmem:s29], [sflag:$0x1] =	stream.indirect_vreg.gather [hbm4b:s7+s3], $0x80, v4, vm0, $0xb8;
	[tilespmem:$0x1E080] =	vst v63  }
0x119: {  	_ = 	snop  }
0x11a: {  	[tilespmem:s30], [sflag:$0x1] =	stream.indirect_vreg.gather [hbm4b:s8+s3], $0x80, v4, vm0, $0xb8;
	[tilespmem:$0x1E080] =	vst v63  }
0x11b: {  	_ = 	snop  }
0x11c: {  	[tilespmem:s31], [sflag:$0x1] =	stream.indirect_vreg.gather [hbm4b:s10+s3], $0x80, v4, vm0, $0xb8;
	[tilespmem:$0x1E080] =	vst v63  }
0x11d: {  	_ = 	snop  }
0x11e: {  	[tilespmem:s1], [sflag:$0x1] =	stream.indirect_vreg.gather [hbm4b:s11+s3], $0x80, v4, vm0, $0xb8;
	[tilespmem:$0x1E080] =	vst v63  }
0x11f: {  	s23 =	simm.s32 $0x4080  }
0x120: {  	[tilespmem:s23], [sflag:$0x1] =	stream.indirect_vreg.gather [hbm4b:s12+s3], $0x80, v4, vm0, $0xb8;
	[tilespmem:$0x1E080] =	vst v63  }
0x121: {  	v3 =	vperm.xlane v3, v2  }
0x122: {  	[tilespmem:s9], [sflag:$0x1] =	stream.indirect_vreg.gather [hbm4b:s13+s3], $0x80, v4, vm0, $0xb8;
	[tilespmem:$0x1E080] =	vst v63  }
0x123: {  	v3 =	vadd.s32 v1, v3  }
0x124: {  	[tilespmem:s17], [sflag:$0x1] =	stream.indirect_vreg.gather [hbm4b:s14+s3], $0x80, v4, vm0, $0xb8;
	[tilespmem:$0x1E080] =	vst v63  }
0x125: {  	_ = 	snop  }
0x126: {  	[tilespmem:s18], [sflag:$0x1] =	stream.indirect_vreg.gather [hbm4b:s15+s3], $0x80, v4, vm0, $0xb8;
	[tilespmem:$0x1E080] =	vst v63  }
0x127: {  	s23 =	simm.s32 $0x6080  }
0x128: {  	[tilespmem:s23], [sflag:$0x1] =	stream.indirect_vreg.gather [hbm4b:s2+s3], $0x80, v3, vm0, $0xb8;
	[tilespmem:$0x1E080] =	vst v63  }
0x129: {  	s23 =	simm.s32 $0x6880  }
0x12a: {  	[tilespmem:s23], [sflag:$0x1] =	stream.indirect_vreg.gather [hbm4b:s4+s3], $0x80, v3, vm0, $0xb8;
	[tilespmem:$0x1E080] =	vst v63  }
0x12b: {  	s23 =	simm.s32 $0x7080  }
0x12c: {  	[tilespmem:s23], [sflag:$0x1] =	stream.indirect_vreg.gather [hbm4b:s5+s3], $0x80, v3, vm0, $0xb8;
	[tilespmem:$0x1E080] =	vst v63  }
0x12d: {  	s23 =	simm.s32 $0x7880  }
0x12e: {  	[tilespmem:s23], [sflag:$0x1] =	stream.indirect_vreg.gather [hbm4b:s6+s3], $0x80, v3, vm0, $0xb8;
	[tilespmem:$0x1E080] =	vst v63  }
0x12f: {  	s23 =	simm.s32 $0x8080  }
0x130: {  	[tilespmem:s23], [sflag:$0x1] =	stream.indirect_vreg.gather [hbm4b:s7+s3], $0x80, v3, vm0, $0xb8;
	[tilespmem:$0x1E080] =	vst v63  }
0x131: {  	s23 =	simm.s32 $0x8880  }
0x132: {  	[tilespmem:s23], [sflag:$0x1] =	stream.indirect_vreg.gather [hbm4b:s8+s3], $0x80, v3, vm0, $0xb8;
	[tilespmem:$0x1E080] =	vst v63  }
0x133: {  	s23 =	simm.s32 $0x9080  }
0x134: {  	[tilespmem:s23], [sflag:$0x1] =	stream.indirect_vreg.gather [hbm4b:s10+s3], $0x80, v3, vm0, $0xb8;
	[tilespmem:$0x1E080] =	vst v63  }
0x135: {  	s23 =	simm.s32 $0x9880  }
0x136: {  	[tilespmem:s23], [sflag:$0x1] =	stream.indirect_vreg.gather [hbm4b:s11+s3], $0x80, v3, vm0, $0xb8;
	[tilespmem:$0x1E080] =	vst v63  }
0x137: {  	s23 =	simm.s32 $0xA080  }
0x138: {  	[tilespmem:s23], [sflag:$0x1] =	stream.indirect_vreg.gather [hbm4b:s12+s3], $0x80, v3, vm0, $0xb8;
	[tilespmem:$0x1E080] =	vst v63  }
0x139: {  	s23 =	simm.s32 $0xA880  }
0x13a: {  	[tilespmem:s23], [sflag:$0x1] =	stream.indirect_vreg.gather [hbm4b:s13+s3], $0x80, v3, vm0, $0xb8;
	[tilespmem:$0x1E080] =	vst v63  }
0x13b: {  	s23 =	simm.s32 $0xB080  }
0x13c: {  	[tilespmem:s23], [sflag:$0x1] =	stream.indirect_vreg.gather [hbm4b:s14+s3], $0x80, v3, vm0, $0xb8;
	[tilespmem:$0x1E080] =	vst v63  }
0x13d: {  	s23 =	simm.s32 $0xB880  }
0x13e: {  	[tilespmem:s23], [sflag:$0x1] =	stream.indirect_vreg.gather [hbm4b:s15+s3], $0x80, v3, vm0, $0xb8;
	[tilespmem:$0x1E080] =	vst v63  }
0x13f: {  	_ =	swait.ge [sflag:s21], $0xC000  }
0x140: {  	[sflag:s21] =	ssyncset.done $0x0  }
0x141: {  	s1 =	rddreg [dreg:$0x7];
	[sflag:s21] =	ssyncadd.s32 $0xFFFF4000  }
0x142: {  	[hbm4b:s1+s3] =	stream.linear.scatter [tilespmem:s0], [sflag:$0x4], $0xC000, $0x38;
	[tilespmem:$0x1E080] =	vst v63  }
0x143: {  	_ =	swait.ge [sflag:s22], $0xC000  }
0x144: {  	[sflag:s22] =	ssyncset.done $0x0  }
0x145: {  	[sflag:s22] =	ssyncadd.s32 $0xFFFF4000  }
0x146: {  	v3 =	vld [tilespmem:$0x50];
	_ =	sdelay $0x4  }
0x147: {  	v63 =	vshrl.u32 v3, $0x3  }
0x148: {  	v4 =	vmul.u32 $0xC0, v63  }
0x149: {  	v3 =	vand.u32 $0x7, v3  }
0x14a: {  	v3 =	vor.u32 v3, v4  }
0x14b: {  	v4 =	vperm.xlane v3, v0;
	_ =	sdelay $0x1  }
0x14c: {  	v4 =	vadd.s32 v1, v4;
	_ =	sdelay $0x4  }
0x14d: {  	[tilespmem:s0], [sflag:$0x2] =	stream.indirect_vreg.gather [hbm4b:s2+s3], $0x80, v4, vm0, $0xb8;
	[tilespmem:$0x1E080] =	vst v63  }
0x14e: {  	s23 =	simm.s32 $0xC880  }
0x14f: {  	[tilespmem:s23], [sflag:$0x2] =	stream.indirect_vreg.gather [hbm4b:s4+s3], $0x80, v4, vm0, $0xb8;
	[tilespmem:$0x1E080] =	vst v63  }
0x150: {  	s23 =	simm.s32 $0xD080  }
0x151: {  	[tilespmem:s23], [sflag:$0x2] =	stream.indirect_vreg.gather [hbm4b:s5+s3], $0x80, v4, vm0, $0xb8;
	[tilespmem:$0x1E080] =	vst v63  }
0x152: {  	s23 =	simm.s32 $0xD880  }
0x153: {  	[tilespmem:s23], [sflag:$0x2] =	stream.indirect_vreg.gather [hbm4b:s6+s3], $0x80, v4, vm0, $0xb8;
	[tilespmem:$0x1E080] =	vst v63  }
0x154: {  	s23 =	simm.s32 $0xE080  }
0x155: {  	[tilespmem:s23], [sflag:$0x2] =	stream.indirect_vreg.gather [hbm4b:s7+s3], $0x80, v4, vm0, $0xb8;
	[tilespmem:$0x1E080] =	vst v63  }
0x156: {  	s23 =	simm.s32 $0xE880  }
0x157: {  	[tilespmem:s23], [sflag:$0x2] =	stream.indirect_vreg.gather [hbm4b:s8+s3], $0x80, v4, vm0, $0xb8;
	[tilespmem:$0x1E080] =	vst v63  }
0x158: {  	s23 =	simm.s32 $0xF080  }
0x159: {  	[tilespmem:s23], [sflag:$0x2] =	stream.indirect_vreg.gather [hbm4b:s10+s3], $0x80, v4, vm0, $0xb8;
	[tilespmem:$0x1E080] =	vst v63  }
0x15a: {  	s23 =	simm.s32 $0xF880  }
0x15b: {  	[tilespmem:s23], [sflag:$0x2] =	stream.indirect_vreg.gather [hbm4b:s11+s3], $0x80, v4, vm0, $0xb8;
	[tilespmem:$0x1E080] =	vst v63  }
0x15c: {  	s23 =	simm.s32 $0x10080  }
0x15d: {  	[tilespmem:s23], [sflag:$0x2] =	stream.indirect_vreg.gather [hbm4b:s12+s3], $0x80, v4, vm0, $0xb8;
	[tilespmem:$0x1E080] =	vst v63  }
0x15e: {  	v3 =	vperm.xlane v3, v2;
	s23 =	simm.s32 $0x10880  }
0x15f: {  	[tilespmem:s23], [sflag:$0x2] =	stream.indirect_vreg.gather [hbm4b:s13+s3], $0x80, v4, vm0, $0xb8;
	[tilespmem:$0x1E080] =	vst v63  }
0x160: {  	v3 =	vadd.s32 v1, v3;
	s23 =	simm.s32 $0x11080  }
0x161: {  	[tilespmem:s23], [sflag:$0x2] =	stream.indirect_vreg.gather [hbm4b:s14+s3], $0x80, v4, vm0, $0xb8;
	[tilespmem:$0x1E080] =	vst v63  }
0x162: {  	s23 =	simm.s32 $0x11880  }
0x163: {  	[tilespmem:s23], [sflag:$0x2] =	stream.indirect_vreg.gather [hbm4b:s15+s3], $0x80, v4, vm0, $0xb8;
	[tilespmem:$0x1E080] =	vst v63  }
0x164: {  	s23 =	simm.s32 $0x12080  }
0x165: {  	[tilespmem:s23], [sflag:$0x2] =	stream.indirect_vreg.gather [hbm4b:s2+s3], $0x80, v3, vm0, $0xb8;
	[tilespmem:$0x1E080] =	vst v63  }
0x166: {  	s23 =	simm.s32 $0x12880  }
0x167: {  	[tilespmem:s23], [sflag:$0x2] =	stream.indirect_vreg.gather [hbm4b:s4+s3], $0x80, v3, vm0, $0xb8;
	[tilespmem:$0x1E080] =	vst v63  }
0x168: {  	s23 =	simm.s32 $0x13080  }
0x169: {  	[tilespmem:s23], [sflag:$0x2] =	stream.indirect_vreg.gather [hbm4b:s5+s3], $0x80, v3, vm0, $0xb8;
	[tilespmem:$0x1E080] =	vst v63  }
0x16a: {  	s23 =	simm.s32 $0x13880  }
0x16b: {  	[tilespmem:s23], [sflag:$0x2] =	stream.indirect_vreg.gather [hbm4b:s6+s3], $0x80, v3, vm0, $0xb8;
	[tilespmem:$0x1E080] =	vst v63  }
0x16c: {  	s23 =	simm.s32 $0x14080  }
0x16d: {  	[tilespmem:s23], [sflag:$0x2] =	stream.indirect_vreg.gather [hbm4b:s7+s3], $0x80, v3, vm0, $0xb8;
	[tilespmem:$0x1E080] =	vst v63  }
0x16e: {  	s23 =	simm.s32 $0x14880  }
0x16f: {  	[tilespmem:s23], [sflag:$0x2] =	stream.indirect_vreg.gather [hbm4b:s8+s3], $0x80, v3, vm0, $0xb8;
	[tilespmem:$0x1E080] =	vst v63  }
0x170: {  	s23 =	simm.s32 $0x15080  }
0x171: {  	[tilespmem:s23], [sflag:$0x2] =	stream.indirect_vreg.gather [hbm4b:s10+s3], $0x80, v3, vm0, $0xb8;
	[tilespmem:$0x1E080] =	vst v63  }
0x172: {  	s23 =	simm.s32 $0x15880  }
0x173: {  	[tilespmem:s23], [sflag:$0x2] =	stream.indirect_vreg.gather [hbm4b:s11+s3], $0x80, v3, vm0, $0xb8;
	[tilespmem:$0x1E080] =	vst v63  }
0x174: {  	s23 =	simm.s32 $0x16080  }
0x175: {  	[tilespmem:s23], [sflag:$0x2] =	stream.indirect_vreg.gather [hbm4b:s12+s3], $0x80, v3, vm0, $0xb8;
	[tilespmem:$0x1E080] =	vst v63  }
0x176: {  	s23 =	simm.s32 $0x16880  }
0x177: {  	[tilespmem:s23], [sflag:$0x2] =	stream.indirect_vreg.gather [hbm4b:s13+s3], $0x80, v3, vm0, $0xb8;
	[tilespmem:$0x1E080] =	vst v63  }
0x178: {  	s23 =	simm.s32 $0x17080  }
0x179: {  	[tilespmem:s23], [sflag:$0x2] =	stream.indirect_vreg.gather [hbm4b:s14+s3], $0x80, v3, vm0, $0xb8;
	[tilespmem:$0x1E080] =	vst v63  }
0x17a: {  	s23 =	simm.s32 $0x17880  }
0x17b: {  	[tilespmem:s23], [sflag:$0x2] =	stream.indirect_vreg.gather [hbm4b:s15+s3], $0x80, v3, vm0, $0xb8;
	[tilespmem:$0x1E080] =	vst v63  }
0x17c: {  	_ =	swait.ge [sflag:s19], $0xC000  }
0x17d: {  	[sflag:s19] =	ssyncset.done $0x0  }
0x17e: {  	s1 =	rddreg [dreg:$0x8];
	[sflag:s19] =	ssyncadd.s32 $0xFFFF4000  }
0x17f: {  	[hbm4b:s1+s3] =	stream.linear.scatter [tilespmem:s26], [sflag:$0x3], $0xC000, $0x38;
	[tilespmem:$0x1E080] =	vst v63  }
0x180: {  	_ =	swait.ge [sflag:s21], $0xC000  }
0x181: {  	[sflag:s21] =	ssyncset.done $0x0  }
0x182: {  	s1 =	rddreg [dreg:$0x9];
	[sflag:s21] =	ssyncadd.s32 $0xFFFF4000  }
0x183: {  	[hbm4b:s1+s3] =	stream.linear.scatter [tilespmem:s0], [sflag:$0x4], $0xC000, $0x38;
	[tilespmem:$0x1E080] =	vst v63  }
0x184: {  	p0 =	sne.s32 s16, $0x1;
	_ =	swait.ge [sflag:s20], $0xC000  }
.Ltmp8:
0x185: {  	[sflag:s20] =	ssyncset.done $0x0;
	(pc) =	sbr.rel @p0 .LBB2_1-.Ltmp8, $4  }
0x186: {  	[sflag:s20] =	ssyncadd.s32 $0xFFFF4000  }
0x187: {  	_ =	swait.ge [sflag:s22], $0xC000  }
0x188: {  	[sflag:s22] =	ssyncset.done $0x0  }
0x189: {  	s16 =	sadd.s32 $0xFFFFFFFF, s16;
	[sflag:s22] =	ssyncadd.s32 $0xFFFF4000  }
0x18a: {  	_ =	sfence.sel $0x180000  }
0x18b: {  	[bflag:$0x0] =	sbarrier.arrive $0xFFFF  }
0x18c: {  	_ =	strace $0x90000047  }
0x18d: {  	s0 =	stileid.u32;
	[bflag:$0x2] =	sbarrier.arrive $0xFFFF  }
0x18e: {  	p0 =	sne.s32 s0, $0x0;
	s0 =	rddreg [dreg:$0x3]  }
0x18f: {  	s0 =	sadd.s32 @!p0 $0x100000, s0  }
0x190: {  	[sflag:s0] =	ssyncadd.tile.s32 @!p0 $0x1;
	_ =	shalt  }
.Lfunc_end2:
_tile_overlayer_lowered:
.L_overlay_start_2:
0x191: {  	(tag) =	ssettag $0x2  }
0x192: {  	s0 =	rddreg [dreg:$0x0];
	s2 =	stileid.u32  }
0x193: {  	s1 =	rddreg [dreg:$0x1];
	p0 =	sne.s32 s2, $0x0  }
0x194: {  	s3 =	rddreg [dreg:$0x2];
	[bflag:$0x3] =	sbarrier.arrive $0xFFFF;
	s2 =	simm.s32 @!p0 $0x1C01  }
0x195: {  	[timem:s3], [sflag:s2] =	dma.local @!p0 [hbm:s0], s1  }
0x196: {  	s0 =	simm.s32 @!p0 $0x1  }
0x197: {  	_ =	swait.ge @!p0 [sflag:s0], s1  }
0x198: {  	s1 =	ssub.s32 @!p0 $0x0, s1;
	[sflag:s0] =	ssyncset.done @!p0 $0x0  }
0x199: {  	[sflag:s0] =	ssyncadd.s32 @!p0 s1  }
0x19a: {  	[bflag:$0x3] =	sbarrier.arrive $0xFFFF  }
0x19b: {  	_ =	shalt  }

</sc_bundles>
